<compile_context>
chip_gen: v7x
topology: tpu7x:2x2x1
jax: 0.10.2.dev20260603
libtpu: 0.0.44.dev20260713+nightly
codegen_flags: <defaults>
</compile_context>

<pallas_src>
import functools

import jax
import jax.numpy as jnp
from jax import lax
from jax.experimental import pallas as pl
from jax.experimental.pallas import tpu as pltpu
from jax.experimental.pallas import tpu_sc as plsc

N_ENT = 10000
N_PAD = 10240
N_USERS = 4096
N_REL = 11
D = 128
E = 320000
NW = 32
EPT = E // NW
CH = 80
NCH = EPT // CH
F32 = jnp.float32
I32 = jnp.int32
_NEG = -3e38



def _a16_body(e2_ref, w2_ref, o_ref):
    o_ref[...] = lax.dot_general(
        e2_ref[...], w2_ref[...], (((1,), (1,)), ((), ())),
        precision=lax.Precision.HIGHEST)


def _combine_body(m_ref, s_ref, om_ref, oi_ref):
    mp = m_ref[...]
    sp = s_ref[...]
    m = jnp.max(mp, axis=0, keepdims=True)
    s = jnp.sum(sp * jnp.exp(mp - m), axis=0, keepdims=True)
    om_ref[...] = m
    oi_ref[...] = 1.0 / s


def _final_body(p0_ref, p1_ref, o_ref):
    o_ref[...] = p0_ref[...] + p1_ref[...]


def _scale_table_body(e_ref, w_ref, o_ref):
    r = pl.program_id(0)
    o_ref[...] = e_ref[...] * w_ref[pl.ds(r, 1), :]


def _user_body(ia_ref, ee_ref, ue_ref, wp_ref, o_ref):
    ua = lax.dot_general(ia_ref[...], ee_ref[...], (((1,), (0,)), ((), ())),
                         precision=lax.Precision.HIGHEST)
    logits = lax.dot_general(ue_ref[...], wp_ref[...], (((1,), (1,)), ((), ())),
                             precision=lax.Precision.HIGHEST)
    col = lax.broadcasted_iota(I32, logits.shape, 1)
    logits = jnp.where(col < N_REL, logits, -1e30)
    logits = logits - jnp.max(logits, axis=-1, keepdims=True)
    p = jnp.exp(logits)
    p = p / jnp.sum(p, axis=-1, keepdims=True)
    sw = lax.dot_general(p, wp_ref[...], (((1,), (0,)), ((), ())),
                         precision=lax.Precision.HIGHEST)
    o_ref[...] = ua + sw * ua



def _perm16(x, idx):
    return jnp.take_along_axis(x, idx, axis=0, mode="promise_in_bounds")


def _seg_scatter(tab, h, v, is_max):
    iota = lax.iota(I32, 16)
    hs, perm = plsc.sort_key_val(h, iota)
    x = _perm16(v, perm)
    for d in (1, 2, 4, 8):
        src = jnp.maximum(iota - d, 0)
        same = (_perm16(hs, src) == hs) & (iota >= d)
        xsh = _perm16(x, src)
        comb = jnp.maximum(x, xsh) if is_max else x + xsh
        x = jnp.where(same, comb, x)
    is_last = (iota == 15) | (_perm16(hs, jnp.minimum(iota + 1, 15)) != hs)
    cur = plsc.load_gather(tab, [hs], mask=is_last)
    new = jnp.maximum(cur, x) if is_max else cur + x
    plsc.store_scatter(tab, [hs], new, mask=is_last)


_MESH = plsc.VectorSubcoreMesh(core_axis_name="c", subcore_axis_name="s")



@functools.partial(
    pl.kernel,
    out_type=(
        jax.ShapeDtypeStruct((NW, N_PAD), F32),
        jax.ShapeDtypeStruct((NW, N_PAD), F32),
        jax.ShapeDtypeStruct((NW, EPT), F32),
    ),
    mesh=_MESH,
    scratch_types=(
        pltpu.VMEM((EPT,), I32),
        pltpu.VMEM((EPT,), I32),
        pltpu.VMEM((EPT,), F32),
        pltpu.VMEM((N_PAD,), F32),
        pltpu.VMEM((N_PAD,), F32),
        pltpu.VMEM((CH,), F32),
        pltpu.VMEM((CH,), F32),
        pltpu.VMEM((CH,), F32),
        pltpu.VMEM((CH,), F32),
        pltpu.SemaphoreType.DMA,
        pltpu.SemaphoreType.DMA,
    ),
    compiler_params=pltpu.CompilerParams(needs_layout_passes=False),
)
def _sc_stats(a16f, hidxr, tidxr, m_out, s_out, att_out,
              hidx_v, tidx_v, att_v, m_tab, s_tab, hv0, tv0, hv1, tv1,
              sem0, sem1):
    cid = lax.axis_index("c")
    sid = lax.axis_index("s")
    wid = sid * 2 + cid
    pltpu.sync_copy(hidxr.at[wid], hidx_v)
    pltpu.sync_copy(tidxr.at[wid], tidx_v)

    def _init(i, _):
        m_tab[pl.ds(i * 16, 16)] = jnp.full((16,), _NEG, F32)
        s_tab[pl.ds(i * 16, 16)] = jnp.zeros((16,), F32)
        return 0
    lax.fori_loop(0, N_PAD // 16, _init, 0)

    def _issue(ci, hv, tv, sem):
        pltpu.async_copy(a16f.at[hidx_v.at[pl.ds(ci * CH, CH)]], hv, sem)
        pltpu.async_copy(a16f.at[tidx_v.at[pl.ds(ci * CH, CH)]], tv, sem)

    def _wait(hv, tv, sem):
        pltpu.make_async_copy(a16f.at[pl.ds(0, CH)], hv, sem).wait()
        pltpu.make_async_copy(a16f.at[pl.ds(0, CH)], tv, sem).wait()

    def _proc(ci, hv, tv):
        base = ci * CH

        def _vec(vi, _):
            off = vi * 16
            av = hv[pl.ds(off, 16)] * tv[pl.ds(off, 16)]
            att_v[pl.ds(base + off, 16)] = av
            h = lax.shift_right_logical(hidx_v[pl.ds(base + off, 16)], 4)
            _seg_scatter(m_tab, h, av, True)
            return 0
        lax.fori_loop(0, CH // 16, _vec, 0)

    _issue(0, hv0, tv0, sem0)

    def _pair(q, _):
        ci0 = q * 2
        _issue(ci0 + 1, hv1, tv1, sem1)
        _wait(hv0, tv0, sem0)
        _proc(ci0, hv0, tv0)
        _issue(ci0 + 2, hv0, tv0, sem0)
        _wait(hv1, tv1, sem1)
        _proc(ci0 + 1, hv1, tv1)
        return 0
    lax.fori_loop(0, (NCH - 1) // 2, _pair, 0)
    _wait(hv0, tv0, sem0)
    _proc(NCH - 1, hv0, tv0)

    def _chunk2(ei, _):
        off = ei * 16
        h = lax.shift_right_logical(hidx_v[pl.ds(off, 16)], 4)
        av = att_v[pl.ds(off, 16)]
        mh = plsc.load_gather(m_tab, [h])
        ev = jnp.exp(av - mh)
        _seg_scatter(s_tab, h, ev, False)
        return 0
    lax.fori_loop(0, EPT // 16, _chunk2, 0)

    pltpu.sync_copy(m_tab, m_out.at[wid])
    pltpu.sync_copy(s_tab, s_out.at[wid])
    pltpu.sync_copy(att_v, att_out.at[wid])



NR_RANGE = N_PAD // 2


@functools.partial(
    pl.kernel,
    out_type=jax.ShapeDtypeStruct((2, N_PAD, D), F32),
    mesh=_MESH,
    scratch_types=(
        pltpu.VMEM((EPT,), I32),
        pltpu.VMEM((NCH, CH), I32),
        pltpu.VMEM((EPT,), I32),
        pltpu.VMEM((EPT,), F32),
        pltpu.VMEM((N_PAD,), F32),
        pltpu.VMEM((N_PAD,), F32),
        pltpu.VMEM((CH, D), F32),
        pltpu.VMEM((CH,), F32),
        pltpu.VMEM_SHARED((NR_RANGE, D), F32),
        pltpu.SemaphoreType.DMA,
        pltpu.SemaphoreType.DMA,
    ),
    compiler_params=pltpu.CompilerParams(needs_layout_passes=False),
)
def _sc_agg(tab, headr, headcr, trowr, attr, mr, invr, out,
            head_f, head_v, trow_f, att_f, m_v, inv_v,
            rows0, wbuf, accum, g0, g1):
    cid = lax.axis_index("c")
    sid = lax.axis_index("s")
    wid = sid * 2 + cid
    pltpu.sync_copy(headr.at[wid], head_f)
    pltpu.sync_copy(trowr.at[wid], trow_f)
    pltpu.sync_copy(attr.at[wid], att_f)
    pltpu.sync_copy(mr, m_v)
    pltpu.sync_copy(invr, inv_v)
    rows_per_tile = NR_RANGE // 16

    for p in range(2):
        lo = p * NR_RANGE
        pltpu.sync_copy(headcr.at[p, wid], head_v)

        def _z(j, _):
            for k in range(8):
                rows0[j, pl.ds(k * 16, 16)] = jnp.zeros((16,), F32)
            return 0
        lax.fori_loop(0, CH, _z, 0)
        for b in range(rows_per_tile // CH):
            pltpu.sync_copy(
                rows0, accum.at[pl.ds(sid * rows_per_tile + b * CH, CH)])
        plsc.subcore_barrier()

        def _proc(ci, rbuf):
            base = ci * CH

            @plsc.parallel_loop(0, CH // 16, 1, unroll=2)
            def _vec(vi):
                off = base + vi * 16
                h = head_f[pl.ds(off, 16)]
                av = att_f[pl.ds(off, 16)]
                mh = plsc.load_gather(m_v, [h])
                ih = plsc.load_gather(inv_v, [h])
                wv = jnp.exp(av - mh) * ih
                in_range = (h >= lo) & (h < lo + NR_RANGE)
                wbuf[pl.ds(vi * 16, 16)] = jnp.where(in_range, wv, 0.0)

            @plsc.parallel_loop(0, CH, 1, unroll=4)
            def _edge(j):
                jb = jnp.full((16,), j, I32)
                wj = plsc.load_gather(wbuf, [jb])
                for k in range(8):
                    v = rbuf[j, pl.ds(k * 16, 16)]
                    rbuf[j, pl.ds(k * 16, 16)] = v * wj
            pltpu.sync_copy(rbuf, accum.at[head_v.at[ci]], add=True)

        def _chunkc(ci, _):
            pltpu.sync_copy(tab.at[trow_f.at[pl.ds(ci * CH, CH)]], rows0)
            _proc(ci, rows0)
            return 0
        lax.fori_loop(0, NCH, _chunkc, 0)

        plsc.subcore_barrier()
        for b in range(rows_per_tile // CH):
            r0 = sid * rows_per_tile + b * CH
            pltpu.sync_copy(accum.at[pl.ds(r0, CH)],
                            out.at[cid, pl.ds(lo + r0, CH)])
        plsc.subcore_barrier()



def kernel(entity_emb, user_emb, edge_index, edge_type, interact_mat, weight):
    head = edge_index[0]
    tail = edge_index[1]
    rel = jnp.where(edge_type == 0, N_REL - 1, edge_type - 1).astype(I32)
    hidx = (head * 16 + rel).reshape(NW, EPT)
    tidx = (tail * 16 + rel).reshape(NW, EPT)
    e2p = jnp.pad(entity_emb * entity_emb, ((0, N_PAD - N_ENT), (0, 0)))
    w2p = jnp.pad(weight * weight, ((0, 16 - N_REL), (0, 0)))
    wp = jnp.pad(weight, ((0, 16 - N_REL), (0, 0)))
    trow = (rel * N_ENT + tail).reshape(NW, EPT)

    tab = pl.pallas_call(
        _scale_table_body,
        grid=(N_REL, 5),
        in_specs=[pl.BlockSpec((2000, D), lambda r, j: (j, 0)),
                  pl.BlockSpec((N_REL, D), lambda r, j: (0, 0))],
        out_specs=pl.BlockSpec((2000, D), lambda r, j: (r * 5 + j, 0)),
        out_shape=jax.ShapeDtypeStruct((N_REL * N_ENT, D), F32),
    )(entity_emb, weight)

    a16 = pl.pallas_call(
        _a16_body,
        grid=(8,),
        in_specs=[pl.BlockSpec((1280, D), lambda i: (i, 0)),
                  pl.BlockSpec((16, D), lambda i: (0, 0))],
        out_specs=pl.BlockSpec((1280, 16), lambda i: (i, 0)),
        out_shape=jax.ShapeDtypeStruct((N_PAD, 16), F32),
    )(e2p, w2p)

    m_part, s_part, att = _sc_stats(a16.reshape(N_PAD * 16), hidx, tidx)

    m2, inv2 = pl.pallas_call(
        _combine_body,
        grid=(8,),
        in_specs=[pl.BlockSpec((NW, 1280), lambda i: (0, i)),
                  pl.BlockSpec((NW, 1280), lambda i: (0, i))],
        out_specs=[pl.BlockSpec((1, 1280), lambda i: (0, i)),
                   pl.BlockSpec((1, 1280), lambda i: (0, i))],
        out_shape=[jax.ShapeDtypeStruct((1, N_PAD), F32),
                   jax.ShapeDtypeStruct((1, N_PAD), F32)],
    )(m_part, s_part)

    headc = jnp.stack([
        jnp.clip(head - p * NR_RANGE, 0, NR_RANGE - 1).reshape(NW, NCH, CH)
        for p in range(2)])
    parts = _sc_agg(tab, head.reshape(NW, EPT), headc, trow, att,
                    m2.reshape(N_PAD), inv2.reshape(N_PAD))

    entity_agg = pl.pallas_call(
        _final_body,
        grid=(8,),
        in_specs=[pl.BlockSpec((1280, D), lambda i: (i, 0)),
                  pl.BlockSpec((1280, D), lambda i: (i, 0))],
        out_specs=pl.BlockSpec((1280, D), lambda i: (i, 0)),
        out_shape=jax.ShapeDtypeStruct((N_PAD, D), F32),
    )(parts[0], parts[1])[:N_ENT]

    user_agg = pl.pallas_call(
        _user_body,
        grid=(16,),
        in_specs=[pl.BlockSpec((256, N_ENT), lambda i: (i, 0)),
                  pl.BlockSpec((N_ENT, D), lambda i: (0, 0)),
                  pl.BlockSpec((256, D), lambda i: (i, 0)),
                  pl.BlockSpec((16, D), lambda i: (0, 0))],
        out_specs=pl.BlockSpec((256, D), lambda i: (i, 0)),
        out_shape=jax.ShapeDtypeStruct((N_USERS, D), F32),
    )(interact_mat, entity_emb, user_emb, wp)

    return entity_agg, user_agg

# --- scband reference (transcript-rebuilt; emitter-appended) ---
"""Pipeline reference for scband-recommender-54485955117546 (READ-ONLY COPY).

The authoritative reference and input builder live on the scoring server;
editing this copy changes nothing except your own understanding.
"""

import jax, jax.numpy as jnp
import numpy as np

N_ENTITIES = 10000
N_USERS = 4096
N_REL_M1 = 11
D = 128
E = 320000


def setup_inputs(seed: int = 0) -> dict:
    key = jax.random.key(seed)
    k1, k2, k3, k4, k5, k6 = jax.random.split(key, 6)
    entity_emb = jax.random.normal(k1, (N_ENTITIES, D), dtype=jnp.float32)
    user_emb = jax.random.normal(k2, (N_USERS, D), dtype=jnp.float32)
    edge_index = jax.random.randint(k3, (2, E), 0, N_ENTITIES, dtype=jnp.int32)
    edge_type = jax.random.randint(k4, (E,), 0, N_REL_M1, dtype=jnp.int32)
    interact_mat = jax.random.uniform(k5, (N_USERS, N_ENTITIES), dtype=jnp.float32)
    weight = jax.random.normal(k6, (N_REL_M1, D), dtype=jnp.float32)
    return {
        'entity_emb': entity_emb,
        'user_emb': user_emb,
        'edge_index': edge_index,
        'edge_type': edge_type,
        'interact_mat': interact_mat,
        'weight': weight,
    }


def reference(entity_emb, user_emb, edge_index, edge_type, interact_mat, weight):
    n_entities = entity_emb.shape[0]
    head = edge_index[0]
    tail = edge_index[1]

    # KG aggregate
    edge_relation_emb = weight[edge_type - 1]  # negative index wraps, same as torch
    neigh_relation_emb = entity_emb[tail] * edge_relation_emb  # [E, D]

    # calculate_sim_hrt
    tail_rel = entity_emb[tail] * edge_relation_emb
    tail_norm = jnp.linalg.norm(tail_rel, ord=2, axis=1, keepdims=True)  # [E,1]
    head_rel = entity_emb[head] * edge_relation_emb
    head_norm = jnp.linalg.norm(head_rel, ord=2, axis=1, keepdims=True)  # [E,1]
    att_weights = (head_norm * tail_norm) ** 2  # [E,1] (bmm of [E,1,1]x[E,1,1] squeezed)

    att = jnp.broadcast_to(att_weights, neigh_relation_emb.shape)  # expand to [E, D]

    # scatter_softmax over index=head, dim=0 (numerically stabilized, as torch_scatter)
    seg_max = jax.ops.segment_max(att, head, num_segments=n_entities)
    att_exp = jnp.exp(att - seg_max[head])
    seg_sum = jax.ops.segment_sum(att_exp, head, num_segments=n_entities)
    neigh_w = att_exp / seg_sum[head]

    neigh_relation_emb = neigh_w * neigh_relation_emb
    entity_agg = jax.ops.segment_sum(neigh_relation_emb, head, num_segments=n_entities)

    # user aggregate (interact_mat given dense; torch.sparse.mm == matmul)
    user_agg = interact_mat @ entity_emb
    score = jax.nn.softmax(user_emb @ weight.T, axis=-1)
    user_agg = user_agg + (score @ weight) * user_agg
    return (entity_agg, user_agg)

if __name__ == "__main__":
    import jax
    _d = setup_inputs()
    print(jax.jit(kernel)(*tuple(_d.values())))

</pallas_src>

<mosaic_0001>
#map = affine_map<(d0, d1) -> (0, 0)>
#map1 = affine_map<(d0, d1) -> (0, 0, 0, 0)>
#map2 = affine_map<(d0, d1) -> (0)>
#map3 = affine_map<(d0, d1) -> (0, 0, 0)>
module attributes {stable_mosaic.version = 14 : i64} {
  func.func @_sc_agg(%arg0: i32, %arg1: i32, %arg2: memref<110000x128xf32, #tpu.memory_space<hbm>>, %arg3: memref<32x10000xi32, #tpu.memory_space<hbm>>, %arg4: memref<2x32x125x80xi32, #tpu.memory_space<hbm>>, %arg5: memref<32x10000xi32, #tpu.memory_space<hbm>>, %arg6: memref<32x10000xf32, #tpu.memory_space<hbm>>, %arg7: memref<10240xf32, #tpu.memory_space<hbm>>, %arg8: memref<10240xf32, #tpu.memory_space<hbm>>, %arg9: memref<2x10240x128xf32, #tpu.memory_space<hbm>>, %arg10: memref<10000xi32, #tpu.memory_space<vmem>>, %arg11: memref<125x80xi32, #tpu.memory_space<vmem>>, %arg12: memref<10000xi32, #tpu.memory_space<vmem>>, %arg13: memref<10000xf32, #tpu.memory_space<vmem>>, %arg14: memref<10240xf32, #tpu.memory_space<vmem>>, %arg15: memref<10240xf32, #tpu.memory_space<vmem>>, %arg16: memref<80x128xf32, #tpu.memory_space<vmem>>, %arg17: memref<80xf32, #tpu.memory_space<vmem>>, %arg18: memref<5120x128xf32, #tpu.memory_space<vmem_shared>>, %arg19: memref<!tpu.dma_semaphore, #tpu.memory_space<semaphore_mem>>, %arg20: memref<!tpu.dma_semaphore, #tpu.memory_space<semaphore_mem>>) attributes {dimension_semantics = [#tpu.dimension_semantics<core_parallel>, #tpu.dimension_semantics<subcore_parallel>], iteration_bounds = array<i64: 2, 16>, scalar_prefetch = 0 : i64, scratch_operands = 11 : i64, tpu.core_type = #tpu.core_type<sc_vector_subcore>, window_params = [{transform_indices = #map}, {transform_indices = #map}, {transform_indices = #map1}, {transform_indices = #map}, {transform_indices = #map}, {transform_indices = #map2}, {transform_indices = #map2}, {transform_indices = #map3}]} {
    %mul3A = arith.constant 2 : i32
    %mul3A_0 = arith.muli %arg1, %mul3A : i32
    %add3A = arith.addi %mul3A_0, %arg0 : i32
    "tpu.region"() ({
      %run_scoped3A_114 = tpu.sem_alloc : memref<!tpu.dma_semaphore, #tpu.memory_space<semaphore_mem>>
      %dma_start3A = arith.constant 0 : i32
      %dma_start3A_115 = tpu.memref_slice %arg3[%add3A, %dma_start3A] : memref<32x10000xi32, #tpu.memory_space<hbm>> -> memref<1x10000xi32, #tpu.memory_space<hbm>>
      %dma_start3A_116 = tpu.memref_squeeze %dma_start3A_115 : memref<1x10000xi32, #tpu.memory_space<hbm>> -> memref<10000xi32, #tpu.memory_space<hbm>>
      %dma_start3A_117 = arith.constant 0 : i32
      %dma_start3A_118 = tpu.memref_slice %arg3[%add3A, %dma_start3A_117] : memref<32x10000xi32, #tpu.memory_space<hbm>> -> memref<1x10000xi32, #tpu.memory_space<hbm>>
      %dma_start3A_119 = tpu.memref_squeeze %dma_start3A_118 : memref<1x10000xi32, #tpu.memory_space<hbm>> -> memref<10000xi32, #tpu.memory_space<hbm>>
      tpu.enqueue_dma source(%dma_start3A_119 : memref<10000xi32, #tpu.memory_space<hbm>>) target(%arg10 : memref<10000xi32, #tpu.memory_space<vmem>>) target_semaphore(%run_scoped3A_114 : memref<!tpu.dma_semaphore, #tpu.memory_space<semaphore_mem>>)
      %dma_wait3A = arith.constant 0 : i32
      %dma_wait3A_120 = tpu.memref_slice %arg3[%add3A, %dma_wait3A] : memref<32x10000xi32, #tpu.memory_space<hbm>> -> memref<1x10000xi32, #tpu.memory_space<hbm>>
      %dma_wait3A_121 = tpu.memref_squeeze %dma_wait3A_120 : memref<1x10000xi32, #tpu.memory_space<hbm>> -> memref<10000xi32, #tpu.memory_space<hbm>>
      %dma_wait3A_122 = arith.constant 0 : i32
      %dma_wait3A_123 = tpu.memref_slice %arg3[%add3A, %dma_wait3A_122] : memref<32x10000xi32, #tpu.memory_space<hbm>> -> memref<1x10000xi32, #tpu.memory_space<hbm>>
      %dma_wait3A_124 = tpu.memref_squeeze %dma_wait3A_123 : memref<1x10000xi32, #tpu.memory_space<hbm>> -> memref<10000xi32, #tpu.memory_space<hbm>>
      tpu.wait_dma2 semaphore(%run_scoped3A_114 : memref<!tpu.dma_semaphore, #tpu.memory_space<semaphore_mem>>) src(%dma_wait3A_124 : memref<10000xi32, #tpu.memory_space<hbm>>) dst(%arg10 : memref<10000xi32, #tpu.memory_space<vmem>>)
      tpu.yield
    }) : () -> ()
    "tpu.region"() ({
      %run_scoped3A_114 = tpu.sem_alloc : memref<!tpu.dma_semaphore, #tpu.memory_space<semaphore_mem>>
      %dma_start3A = arith.constant 0 : i32
      %dma_start3A_115 = tpu.memref_slice %arg5[%add3A, %dma_start3A] : memref<32x10000xi32, #tpu.memory_space<hbm>> -> memref<1x10000xi32, #tpu.memory_space<hbm>>
      %dma_start3A_116 = tpu.memref_squeeze %dma_start3A_115 : memref<1x10000xi32, #tpu.memory_space<hbm>> -> memref<10000xi32, #tpu.memory_space<hbm>>
      %dma_start3A_117 = arith.constant 0 : i32
      %dma_start3A_118 = tpu.memref_slice %arg5[%add3A, %dma_start3A_117] : memref<32x10000xi32, #tpu.memory_space<hbm>> -> memref<1x10000xi32, #tpu.memory_space<hbm>>
      %dma_start3A_119 = tpu.memref_squeeze %dma_start3A_118 : memref<1x10000xi32, #tpu.memory_space<hbm>> -> memref<10000xi32, #tpu.memory_space<hbm>>
      tpu.enqueue_dma source(%dma_start3A_119 : memref<10000xi32, #tpu.memory_space<hbm>>) target(%arg12 : memref<10000xi32, #tpu.memory_space<vmem>>) target_semaphore(%run_scoped3A_114 : memref<!tpu.dma_semaphore, #tpu.memory_space<semaphore_mem>>)
      %dma_wait3A = arith.constant 0 : i32
      %dma_wait3A_120 = tpu.memref_slice %arg5[%add3A, %dma_wait3A] : memref<32x10000xi32, #tpu.memory_space<hbm>> -> memref<1x10000xi32, #tpu.memory_space<hbm>>
      %dma_wait3A_121 = tpu.memref_squeeze %dma_wait3A_120 : memref<1x10000xi32, #tpu.memory_space<hbm>> -> memref<10000xi32, #tpu.memory_space<hbm>>
      %dma_wait3A_122 = arith.constant 0 : i32
      %dma_wait3A_123 = tpu.memref_slice %arg5[%add3A, %dma_wait3A_122] : memref<32x10000xi32, #tpu.memory_space<hbm>> -> memref<1x10000xi32, #tpu.memory_space<hbm>>
      %dma_wait3A_124 = tpu.memref_squeeze %dma_wait3A_123 : memref<1x10000xi32, #tpu.memory_space<hbm>> -> memref<10000xi32, #tpu.memory_space<hbm>>
      tpu.wait_dma2 semaphore(%run_scoped3A_114 : memref<!tpu.dma_semaphore, #tpu.memory_space<semaphore_mem>>) src(%dma_wait3A_124 : memref<10000xi32, #tpu.memory_space<hbm>>) dst(%arg12 : memref<10000xi32, #tpu.memory_space<vmem>>)
      tpu.yield
    }) : () -> ()
    "tpu.region"() ({
      %run_scoped3A_114 = tpu.sem_alloc : memref<!tpu.dma_semaphore, #tpu.memory_space<semaphore_mem>>
      %dma_start3A = arith.constant 0 : i32
      %dma_start3A_115 = tpu.memref_slice %arg6[%add3A, %dma_start3A] : memref<32x10000xf32, #tpu.memory_space<hbm>> -> memref<1x10000xf32, #tpu.memory_space<hbm>>
      %dma_start3A_116 = tpu.memref_squeeze %dma_start3A_115 : memref<1x10000xf32, #tpu.memory_space<hbm>> -> memref<10000xf32, #tpu.memory_space<hbm>>
      %dma_start3A_117 = arith.constant 0 : i32
      %dma_start3A_118 = tpu.memref_slice %arg6[%add3A, %dma_start3A_117] : memref<32x10000xf32, #tpu.memory_space<hbm>> -> memref<1x10000xf32, #tpu.memory_space<hbm>>
      %dma_start3A_119 = tpu.memref_squeeze %dma_start3A_118 : memref<1x10000xf32, #tpu.memory_space<hbm>> -> memref<10000xf32, #tpu.memory_space<hbm>>
      tpu.enqueue_dma source(%dma_start3A_119 : memref<10000xf32, #tpu.memory_space<hbm>>) target(%arg13 : memref<10000xf32, #tpu.memory_space<vmem>>) target_semaphore(%run_scoped3A_114 : memref<!tpu.dma_semaphore, #tpu.memory_space<semaphore_mem>>)
      %dma_wait3A = arith.constant 0 : i32
      %dma_wait3A_120 = tpu.memref_slice %arg6[%add3A, %dma_wait3A] : memref<32x10000xf32, #tpu.memory_space<hbm>> -> memref<1x10000xf32, #tpu.memory_space<hbm>>
      %dma_wait3A_121 = tpu.memref_squeeze %dma_wait3A_120 : memref<1x10000xf32, #tpu.memory_space<hbm>> -> memref<10000xf32, #tpu.memory_space<hbm>>
      %dma_wait3A_122 = arith.constant 0 : i32
      %dma_wait3A_123 = tpu.memref_slice %arg6[%add3A, %dma_wait3A_122] : memref<32x10000xf32, #tpu.memory_space<hbm>> -> memref<1x10000xf32, #tpu.memory_space<hbm>>
      %dma_wait3A_124 = tpu.memref_squeeze %dma_wait3A_123 : memref<1x10000xf32, #tpu.memory_space<hbm>> -> memref<10000xf32, #tpu.memory_space<hbm>>
      tpu.wait_dma2 semaphore(%run_scoped3A_114 : memref<!tpu.dma_semaphore, #tpu.memory_space<semaphore_mem>>) src(%dma_wait3A_124 : memref<10000xf32, #tpu.memory_space<hbm>>) dst(%arg13 : memref<10000xf32, #tpu.memory_space<vmem>>)
      tpu.yield
    }) : () -> ()
    "tpu.region"() ({
      %run_scoped3A_114 = tpu.sem_alloc : memref<!tpu.dma_semaphore, #tpu.memory_space<semaphore_mem>>
      tpu.enqueue_dma source(%arg7 : memref<10240xf32, #tpu.memory_space<hbm>>) target(%arg14 : memref<10240xf32, #tpu.memory_space<vmem>>) target_semaphore(%run_scoped3A_114 : memref<!tpu.dma_semaphore, #tpu.memory_space<semaphore_mem>>)
      tpu.wait_dma2 semaphore(%run_scoped3A_114 : memref<!tpu.dma_semaphore, #tpu.memory_space<semaphore_mem>>) src(%arg7 : memref<10240xf32, #tpu.memory_space<hbm>>) dst(%arg14 : memref<10240xf32, #tpu.memory_space<vmem>>)
      tpu.yield
    }) : () -> ()
    "tpu.region"() ({
      %run_scoped3A_114 = tpu.sem_alloc : memref<!tpu.dma_semaphore, #tpu.memory_space<semaphore_mem>>
      tpu.enqueue_dma source(%arg8 : memref<10240xf32, #tpu.memory_space<hbm>>) target(%arg15 : memref<10240xf32, #tpu.memory_space<vmem>>) target_semaphore(%run_scoped3A_114 : memref<!tpu.dma_semaphore, #tpu.memory_space<semaphore_mem>>)
      tpu.wait_dma2 semaphore(%run_scoped3A_114 : memref<!tpu.dma_semaphore, #tpu.memory_space<semaphore_mem>>) src(%arg8 : memref<10240xf32, #tpu.memory_space<hbm>>) dst(%arg15 : memref<10240xf32, #tpu.memory_space<vmem>>)
      tpu.yield
    }) : () -> ()
    %run_scoped3A = arith.constant 0 : i32
    "tpu.region"() ({
      %run_scoped3A_114 = tpu.sem_alloc : memref<!tpu.dma_semaphore, #tpu.memory_space<semaphore_mem>>
      %dma_start3A = arith.constant 0 : i32
      %dma_start3A_115 = arith.constant 0 : i32
      %dma_start3A_116 = tpu.memref_slice %arg4[%run_scoped3A, %add3A, %dma_start3A, %dma_start3A_115] : memref<2x32x125x80xi32, #tpu.memory_space<hbm>> -> memref<1x1x125x80xi32, #tpu.memory_space<hbm>>
      %dma_start3A_117 = tpu.memref_squeeze %dma_start3A_116 : memref<1x1x125x80xi32, #tpu.memory_space<hbm>> -> memref<125x80xi32, #tpu.memory_space<hbm>>
      %dma_start3A_118 = arith.constant 0 : i32
      %dma_start3A_119 = arith.constant 0 : i32
      %dma_start3A_120 = tpu.memref_slice %arg4[%run_scoped3A, %add3A, %dma_start3A_118, %dma_start3A_119] : memref<2x32x125x80xi32, #tpu.memory_space<hbm>> -> memref<1x1x125x80xi32, #tpu.memory_space<hbm>>
      %dma_start3A_121 = tpu.memref_squeeze %dma_start3A_120 : memref<1x1x125x80xi32, #tpu.memory_space<hbm>> -> memref<125x80xi32, #tpu.memory_space<hbm>>
      tpu.enqueue_dma source(%dma_start3A_121 : memref<125x80xi32, #tpu.memory_space<hbm>>) target(%arg11 : memref<125x80xi32, #tpu.memory_space<vmem>>) target_semaphore(%run_scoped3A_114 : memref<!tpu.dma_semaphore, #tpu.memory_space<semaphore_mem>>)
      %dma_wait3A = arith.constant 0 : i32
      %dma_wait3A_122 = arith.constant 0 : i32
      %dma_wait3A_123 = tpu.memref_slice %arg4[%run_scoped3A, %add3A, %dma_wait3A, %dma_wait3A_122] : memref<2x32x125x80xi32, #tpu.memory_space<hbm>> -> memref<1x1x125x80xi32, #tpu.memory_space<hbm>>
      %dma_wait3A_124 = tpu.memref_squeeze %dma_wait3A_123 : memref<1x1x125x80xi32, #tpu.memory_space<hbm>> -> memref<125x80xi32, #tpu.memory_space<hbm>>
      %dma_wait3A_125 = arith.constant 0 : i32
      %dma_wait3A_126 = arith.constant 0 : i32
      %dma_wait3A_127 = tpu.memref_slice %arg4[%run_scoped3A, %add3A, %dma_wait3A_125, %dma_wait3A_126] : memref<2x32x125x80xi32, #tpu.memory_space<hbm>> -> memref<1x1x125x80xi32, #tpu.memory_space<hbm>>
      %dma_wait3A_128 = tpu.memref_squeeze %dma_wait3A_127 : memref<1x1x125x80xi32, #tpu.memory_space<hbm>> -> memref<125x80xi32, #tpu.memory_space<hbm>>
      tpu.wait_dma2 semaphore(%run_scoped3A_114 : memref<!tpu.dma_semaphore, #tpu.memory_space<semaphore_mem>>) src(%dma_wait3A_128 : memref<125x80xi32, #tpu.memory_space<hbm>>) dst(%arg11 : memref<125x80xi32, #tpu.memory_space<vmem>>)
      tpu.yield
    }) : () -> ()
    %scan3A = arith.constant 0 : i32
    %scan3A_1 = arith.constant 0 : i32
    %scan3A_2 = arith.constant 80 : i32
    %scan3A_3 = arith.addi %scan3A_1, %scan3A_2 : i32
    %scan3A_4 = arith.constant 1 : i32
    %scan3A_5 = scf.for %scan3A_114 = %scan3A_1 to %scan3A_3 step %scan3A_4 iter_args(%scan3A_115 = %scan3A) -> (i32)  : i32 {
      %broadcast_in_dim3A = arith.constant 0.000000e+00 : f32
      %broadcast_in_dim3A_116 = vector.broadcast %broadcast_in_dim3A : f32 to vector<16xf32>
      %swap3A = arith.index_cast %scan3A_114 : i32 to index
      %swap3A_117 = arith.constant 0 : index
      %swap3A_118 = tpu.vector_load %arg16[%swap3A, %swap3A_117] {strides = array<i32>} : memref<80x128xf32, #tpu.memory_space<vmem>>, vector<16xf32>,
      tpu.vector_store %arg16[%swap3A, %swap3A_117], %broadcast_in_dim3A_116 {strides = array<i32>} : memref<80x128xf32, #tpu.memory_space<vmem>>, vector<16xf32>,
      %broadcast_in_dim3A_119 = arith.constant 0.000000e+00 : f32
      %broadcast_in_dim3A_120 = vector.broadcast %broadcast_in_dim3A_119 : f32 to vector<16xf32>
      %swap3A_121 = arith.index_cast %scan3A_114 : i32 to index
      %swap3A_122 = arith.constant 16 : index
      %swap3A_123 = tpu.vector_load %arg16[%swap3A_121, %swap3A_122] {strides = array<i32>} : memref<80x128xf32, #tpu.memory_space<vmem>>, vector<16xf32>,
      tpu.vector_store %arg16[%swap3A_121, %swap3A_122], %broadcast_in_dim3A_120 {strides = array<i32>} : memref<80x128xf32, #tpu.memory_space<vmem>>, vector<16xf32>,
      %broadcast_in_dim3A_124 = arith.constant 0.000000e+00 : f32
      %broadcast_in_dim3A_125 = vector.broadcast %broadcast_in_dim3A_124 : f32 to vector<16xf32>
      %swap3A_126 = arith.index_cast %scan3A_114 : i32 to index
      %swap3A_127 = arith.constant 32 : index
      %swap3A_128 = tpu.vector_load %arg16[%swap3A_126, %swap3A_127] {strides = array<i32>} : memref<80x128xf32, #tpu.memory_space<vmem>>, vector<16xf32>,
      tpu.vector_store %arg16[%swap3A_126, %swap3A_127], %broadcast_in_dim3A_125 {strides = array<i32>} : memref<80x128xf32, #tpu.memory_space<vmem>>, vector<16xf32>,
      %broadcast_in_dim3A_129 = arith.constant 0.000000e+00 : f32
      %broadcast_in_dim3A_130 = vector.broadcast %broadcast_in_dim3A_129 : f32 to vector<16xf32>
      %swap3A_131 = arith.index_cast %scan3A_114 : i32 to index
      %swap3A_132 = arith.constant 48 : index
      %swap3A_133 = tpu.vector_load %arg16[%swap3A_131, %swap3A_132] {strides = array<i32>} : memref<80x128xf32, #tpu.memory_space<vmem>>, vector<16xf32>,
      tpu.vector_store %arg16[%swap3A_131, %swap3A_132], %broadcast_in_dim3A_130 {strides = array<i32>} : memref<80x128xf32, #tpu.memory_space<vmem>>, vector<16xf32>,
      %broadcast_in_dim3A_134 = arith.constant 0.000000e+00 : f32
      %broadcast_in_dim3A_135 = vector.broadcast %broadcast_in_dim3A_134 : f32 to vector<16xf32>
      %swap3A_136 = arith.index_cast %scan3A_114 : i32 to index
      %swap3A_137 = arith.constant 64 : index
      %swap3A_138 = tpu.vector_load %arg16[%swap3A_136, %swap3A_137] {strides = array<i32>} : memref<80x128xf32, #tpu.memory_space<vmem>>, vector<16xf32>,
      tpu.vector_store %arg16[%swap3A_136, %swap3A_137], %broadcast_in_dim3A_135 {strides = array<i32>} : memref<80x128xf32, #tpu.memory_space<vmem>>, vector<16xf32>,
      %broadcast_in_dim3A_139 = arith.constant 0.000000e+00 : f32
      %broadcast_in_dim3A_140 = vector.broadcast %broadcast_in_dim3A_139 : f32 to vector<16xf32>
      %swap3A_141 = arith.index_cast %scan3A_114 : i32 to index
      %swap3A_142 = arith.constant 80 : index
      %swap3A_143 = tpu.vector_load %arg16[%swap3A_141, %swap3A_142] {strides = array<i32>} : memref<80x128xf32, #tpu.memory_space<vmem>>, vector<16xf32>,
      tpu.vector_store %arg16[%swap3A_141, %swap3A_142], %broadcast_in_dim3A_140 {strides = array<i32>} : memref<80x128xf32, #tpu.memory_space<vmem>>, vector<16xf32>,
      %broadcast_in_dim3A_144 = arith.constant 0.000000e+00 : f32
      %broadcast_in_dim3A_145 = vector.broadcast %broadcast_in_dim3A_144 : f32 to vector<16xf32>
      %swap3A_146 = arith.index_cast %scan3A_114 : i32 to index
      %swap3A_147 = arith.constant 96 : index
      %swap3A_148 = tpu.vector_load %arg16[%swap3A_146, %swap3A_147] {strides = array<i32>} : memref<80x128xf32, #tpu.memory_space<vmem>>, vector<16xf32>,
      tpu.vector_store %arg16[%swap3A_146, %swap3A_147], %broadcast_in_dim3A_145 {strides = array<i32>} : memref<80x128xf32, #tpu.memory_space<vmem>>, vector<16xf32>,
      %broadcast_in_dim3A_149 = arith.constant 0.000000e+00 : f32
      %broadcast_in_dim3A_150 = vector.broadcast %broadcast_in_dim3A_149 : f32 to vector<16xf32>
      %swap3A_151 = arith.index_cast %scan3A_114 : i32 to index
      %swap3A_152 = arith.constant 112 : index
      %swap3A_153 = tpu.vector_load %arg16[%swap3A_151, %swap3A_152] {strides = array<i32>} : memref<80x128xf32, #tpu.memory_space<vmem>>, vector<16xf32>,
      tpu.vector_store %arg16[%swap3A_151, %swap3A_152], %broadcast_in_dim3A_150 {strides = array<i32>} : memref<80x128xf32, #tpu.memory_space<vmem>>, vector<16xf32>,
      %scan3A_154 = arith.constant 0 : i32
      scf.yield %scan3A_154 : i32
    }
    %scan3A_6 = arith.constant 80 : i32
    %mul3A_7 = arith.constant 320 : i32
    %mul3A_8 = arith.muli %arg1, %mul3A_7 : i32
    %add3A_9 = arith.constant 0 : i32
    %add3A_10 = arith.addi %mul3A_8, %add3A_9 : i32
    "tpu.region"() ({
      %run_scoped3A_114 = tpu.sem_alloc : memref<!tpu.dma_semaphore, #tpu.memory_space<semaphore_mem>>
      %dma_start3A = arith.constant 0 : i32
      %dma_start3A_115 = tpu.memref_slice %arg18[%add3A_10, %dma_start3A] : memref<5120x128xf32, #tpu.memory_space<vmem_shared>> -> memref<80x128xf32, #tpu.memory_space<vmem_shared>>
      %dma_start3A_116 = arith.constant 0 : i32
      %dma_start3A_117 = tpu.memref_slice %arg18[%add3A_10, %dma_start3A_116] : memref<5120x128xf32, #tpu.memory_space<vmem_shared>> -> memref<80x128xf32, #tpu.memory_space<vmem_shared>>
      tpu.enqueue_dma source(%arg16 : memref<80x128xf32, #tpu.memory_space<vmem>>) target(%dma_start3A_117 : memref<80x128xf32, #tpu.memory_space<vmem_shared>>) target_semaphore(%run_scoped3A_114 : memref<!tpu.dma_semaphore, #tpu.memory_space<semaphore_mem>>)
      %dma_wait3A = arith.constant 0 : i32
      %dma_wait3A_118 = tpu.memref_slice %arg18[%add3A_10, %dma_wait3A] : memref<5120x128xf32, #tpu.memory_space<vmem_shared>> -> memref<80x128xf32, #tpu.memory_space<vmem_shared>>
      %dma_wait3A_119 = arith.constant 0 : i32
      %dma_wait3A_120 = tpu.memref_slice %arg18[%add3A_10, %dma_wait3A_119] : memref<5120x128xf32, #tpu.memory_space<vmem_shared>> -> memref<80x128xf32, #tpu.memory_space<vmem_shared>>
      tpu.wait_dma2 semaphore(%run_scoped3A_114 : memref<!tpu.dma_semaphore, #tpu.memory_space<semaphore_mem>>) src(%arg16 : memref<80x128xf32, #tpu.memory_space<vmem>>) dst(%dma_wait3A_120 : memref<80x128xf32, #tpu.memory_space<vmem_shared>>)
      tpu.yield
    }) : () -> ()
    %mul3A_11 = arith.constant 320 : i32
    %mul3A_12 = arith.muli %arg1, %mul3A_11 : i32
    %add3A_13 = arith.constant 80 : i32
    %add3A_14 = arith.addi %mul3A_12, %add3A_13 : i32
    "tpu.region"() ({
      %run_scoped3A_114 = tpu.sem_alloc : memref<!tpu.dma_semaphore, #tpu.memory_space<semaphore_mem>>
      %dma_start3A = arith.constant 0 : i32
      %dma_start3A_115 = tpu.memref_slice %arg18[%add3A_14, %dma_start3A] : memref<5120x128xf32, #tpu.memory_space<vmem_shared>> -> memref<80x128xf32, #tpu.memory_space<vmem_shared>>
      %dma_start3A_116 = arith.constant 0 : i32
      %dma_start3A_117 = tpu.memref_slice %arg18[%add3A_14, %dma_start3A_116] : memref<5120x128xf32, #tpu.memory_space<vmem_shared>> -> memref<80x128xf32, #tpu.memory_space<vmem_shared>>
      tpu.enqueue_dma source(%arg16 : memref<80x128xf32, #tpu.memory_space<vmem>>) target(%dma_start3A_117 : memref<80x128xf32, #tpu.memory_space<vmem_shared>>) target_semaphore(%run_scoped3A_114 : memref<!tpu.dma_semaphore, #tpu.memory_space<semaphore_mem>>)
      %dma_wait3A = arith.constant 0 : i32
      %dma_wait3A_118 = tpu.memref_slice %arg18[%add3A_14, %dma_wait3A] : memref<5120x128xf32, #tpu.memory_space<vmem_shared>> -> memref<80x128xf32, #tpu.memory_space<vmem_shared>>
      %dma_wait3A_119 = arith.constant 0 : i32
      %dma_wait3A_120 = tpu.memref_slice %arg18[%add3A_14, %dma_wait3A_119] : memref<5120x128xf32, #tpu.memory_space<vmem_shared>> -> memref<80x128xf32, #tpu.memory_space<vmem_shared>>
      tpu.wait_dma2 semaphore(%run_scoped3A_114 : memref<!tpu.dma_semaphore, #tpu.memory_space<semaphore_mem>>) src(%arg16 : memref<80x128xf32, #tpu.memory_space<vmem>>) dst(%dma_wait3A_120 : memref<80x128xf32, #tpu.memory_space<vmem_shared>>)
      tpu.yield
    }) : () -> ()
    %mul3A_15 = arith.constant 320 : i32
    %mul3A_16 = arith.muli %arg1, %mul3A_15 : i32
    %add3A_17 = arith.constant 160 : i32
    %add3A_18 = arith.addi %mul3A_16, %add3A_17 : i32
    "tpu.region"() ({
      %run_scoped3A_114 = tpu.sem_alloc : memref<!tpu.dma_semaphore, #tpu.memory_space<semaphore_mem>>
      %dma_start3A = arith.constant 0 : i32
      %dma_start3A_115 = tpu.memref_slice %arg18[%add3A_18, %dma_start3A] : memref<5120x128xf32, #tpu.memory_space<vmem_shared>> -> memref<80x128xf32, #tpu.memory_space<vmem_shared>>
      %dma_start3A_116 = arith.constant 0 : i32
      %dma_start3A_117 = tpu.memref_slice %arg18[%add3A_18, %dma_start3A_116] : memref<5120x128xf32, #tpu.memory_space<vmem_shared>> -> memref<80x128xf32, #tpu.memory_space<vmem_shared>>
      tpu.enqueue_dma source(%arg16 : memref<80x128xf32, #tpu.memory_space<vmem>>) target(%dma_start3A_117 : memref<80x128xf32, #tpu.memory_space<vmem_shared>>) target_semaphore(%run_scoped3A_114 : memref<!tpu.dma_semaphore, #tpu.memory_space<semaphore_mem>>)
      %dma_wait3A = arith.constant 0 : i32
      %dma_wait3A_118 = tpu.memref_slice %arg18[%add3A_18, %dma_wait3A] : memref<5120x128xf32, #tpu.memory_space<vmem_shared>> -> memref<80x128xf32, #tpu.memory_space<vmem_shared>>
      %dma_wait3A_119 = arith.constant 0 : i32
      %dma_wait3A_120 = tpu.memref_slice %arg18[%add3A_18, %dma_wait3A_119] : memref<5120x128xf32, #tpu.memory_space<vmem_shared>> -> memref<80x128xf32, #tpu.memory_space<vmem_shared>>
      tpu.wait_dma2 semaphore(%run_scoped3A_114 : memref<!tpu.dma_semaphore, #tpu.memory_space<semaphore_mem>>) src(%arg16 : memref<80x128xf32, #tpu.memory_space<vmem>>) dst(%dma_wait3A_120 : memref<80x128xf32, #tpu.memory_space<vmem_shared>>)
      tpu.yield
    }) : () -> ()
    %mul3A_19 = arith.constant 320 : i32
    %mul3A_20 = arith.muli %arg1, %mul3A_19 : i32
    %add3A_21 = arith.constant 240 : i32
    %add3A_22 = arith.addi %mul3A_20, %add3A_21 : i32
    "tpu.region"() ({
      %run_scoped3A_114 = tpu.sem_alloc : memref<!tpu.dma_semaphore, #tpu.memory_space<semaphore_mem>>
      %dma_start3A = arith.constant 0 : i32
      %dma_start3A_115 = tpu.memref_slice %arg18[%add3A_22, %dma_start3A] : memref<5120x128xf32, #tpu.memory_space<vmem_shared>> -> memref<80x128xf32, #tpu.memory_space<vmem_shared>>
      %dma_start3A_116 = arith.constant 0 : i32
      %dma_start3A_117 = tpu.memref_slice %arg18[%add3A_22, %dma_start3A_116] : memref<5120x128xf32, #tpu.memory_space<vmem_shared>> -> memref<80x128xf32, #tpu.memory_space<vmem_shared>>
      tpu.enqueue_dma source(%arg16 : memref<80x128xf32, #tpu.memory_space<vmem>>) target(%dma_start3A_117 : memref<80x128xf32, #tpu.memory_space<vmem_shared>>) target_semaphore(%run_scoped3A_114 : memref<!tpu.dma_semaphore, #tpu.memory_space<semaphore_mem>>)
      %dma_wait3A = arith.constant 0 : i32
      %dma_wait3A_118 = tpu.memref_slice %arg18[%add3A_22, %dma_wait3A] : memref<5120x128xf32, #tpu.memory_space<vmem_shared>> -> memref<80x128xf32, #tpu.memory_space<vmem_shared>>
      %dma_wait3A_119 = arith.constant 0 : i32
      %dma_wait3A_120 = tpu.memref_slice %arg18[%add3A_22, %dma_wait3A_119] : memref<5120x128xf32, #tpu.memory_space<vmem_shared>> -> memref<80x128xf32, #tpu.memory_space<vmem_shared>>
      tpu.wait_dma2 semaphore(%run_scoped3A_114 : memref<!tpu.dma_semaphore, #tpu.memory_space<semaphore_mem>>) src(%arg16 : memref<80x128xf32, #tpu.memory_space<vmem>>) dst(%dma_wait3A_120 : memref<80x128xf32, #tpu.memory_space<vmem_shared>>)
      tpu.yield
    }) : () -> ()
    %barrier3A = arith.constant 0 : index
    tpu.barrier barrier_id(%barrier3A)
    %scan3A_23 = arith.constant 0 : i32
    %scan3A_24 = arith.constant 0 : i32
    %scan3A_25 = arith.constant 125 : i32
    %scan3A_26 = arith.addi %scan3A_24, %scan3A_25 : i32
    %scan3A_27 = arith.constant 1 : i32
    %scan3A_28 = scf.for %scan3A_114 = %scan3A_24 to %scan3A_26 step %scan3A_27 iter_args(%scan3A_115 = %scan3A_23) -> (i32)  : i32 {
      %mul3A_116 = arith.constant 80 : i32
      %mul3A_117 = arith.muli %scan3A_114, %mul3A_116 : i32
      "tpu.region"() ({
        %run_scoped3A_126 = tpu.sem_alloc : memref<!tpu.dma_semaphore, #tpu.memory_space<semaphore_mem>>
        %dma_start3A = tpu.memref_slice %arg12[%mul3A_117] : memref<10000xi32, #tpu.memory_space<vmem>> -> memref<80xi32, #tpu.memory_space<vmem>>
        %dma_start3A_127 = arith.constant 0 : i32
        %dma_start3A_128 = arith.constant 0 : i32
        %dma_start3A_129 = tpu.memref_slice %arg2[%dma_start3A_127, %dma_start3A_128] : memref<110000x128xf32, #tpu.memory_space<hbm>> -> memref<110000x128xf32, #tpu.memory_space<hbm>>
        tpu.enqueue_indirect_dma source(%dma_start3A_129 : memref<110000x128xf32, #tpu.memory_space<hbm>>) target(%arg16 : memref<80x128xf32, #tpu.memory_space<vmem>>) offsets(%dma_start3A : memref<80xi32, #tpu.memory_space<vmem>>) semaphore(%run_scoped3A_126 : memref<!tpu.dma_semaphore, #tpu.memory_space<semaphore_mem>>)
        %dma_wait3A = tpu.memref_slice %arg12[%mul3A_117] : memref<10000xi32, #tpu.memory_space<vmem>> -> memref<80xi32, #tpu.memory_space<vmem>>
        %dma_wait3A_130 = arith.constant 0 : i32
        %dma_wait3A_131 = arith.constant 0 : i32
        %dma_wait3A_132 = tpu.memref_slice %arg2[%dma_wait3A_130, %dma_wait3A_131] : memref<110000x128xf32, #tpu.memory_space<hbm>> -> memref<110000x128xf32, #tpu.memory_space<hbm>>
        tpu.wait_indirect_dma semaphore(%run_scoped3A_126 : memref<!tpu.dma_semaphore, #tpu.memory_space<semaphore_mem>>) src(%dma_wait3A_132 : memref<110000x128xf32, #tpu.memory_space<hbm>>) dst(%arg16 : memref<80x128xf32, #tpu.memory_space<vmem>>)
        tpu.yield
      }) : () -> ()
      %mul3A_118 = arith.constant 80 : i32
      %mul3A_119 = arith.muli %scan3A_114, %mul3A_118 : i32
      %parallel_loop3A = arith.constant 0 : i32
      %parallel_loop3A_120 = arith.constant 5 : i32
      %parallel_loop3A_121 = arith.constant 1 : i32
      scf.for %parallel_loop3A_126 = %parallel_loop3A to %parallel_loop3A_120 step %parallel_loop3A_121  : i32 {
        %parallel_loop3A_127 = arith.constant 16 : i32
        %parallel_loop3A_128 = arith.muli %parallel_loop3A_126, %parallel_loop3A_127 : i32
        %parallel_loop3A_129 = arith.addi %mul3A_119, %parallel_loop3A_128 : i32
        %parallel_loop3A_130 = arith.index_cast %parallel_loop3A_129 : i32 to index
        %parallel_loop3A_131 = tpu.vector_load %arg10[%parallel_loop3A_130] {strides = array<i32>} : memref<10000xi32, #tpu.memory_space<vmem>>, vector<16xi32>,
        %parallel_loop3A_132 = arith.index_cast %parallel_loop3A_129 : i32 to index
        %parallel_loop3A_133 = tpu.vector_load %arg13[%parallel_loop3A_132] {strides = array<i32>} : memref<10000xf32, #tpu.memory_space<vmem>>, vector<16xf32>,
        %parallel_loop3A_134 = tpu.vector_load_idx %arg14[%parallel_loop3A_131] : memref<10240xf32, #tpu.memory_space<vmem>>[vector<16xi32>], vector<16xf32>,
        %parallel_loop3A_135 = tpu.vector_load_idx %arg15[%parallel_loop3A_131] : memref<10240xf32, #tpu.memory_space<vmem>>[vector<16xi32>], vector<16xf32>,
        %parallel_loop3A_136 = arith.subf %parallel_loop3A_133, %parallel_loop3A_134 : vector<16xf32>
        %parallel_loop3A_137 = math.exp %parallel_loop3A_136 : vector<16xf32>
        %parallel_loop3A_138 = arith.mulf %parallel_loop3A_137, %parallel_loop3A_135 : vector<16xf32>
        %parallel_loop3A_139 = arith.constant 0 : i32
        %parallel_loop3A_140 = vector.broadcast %parallel_loop3A_139 : i32 to vector<16xi32>
        %parallel_loop3A_141 = arith.cmpi sge, %parallel_loop3A_131, %parallel_loop3A_140 : vector<16xi32>
        %parallel_loop3A_142 = arith.constant 5120 : i32
        %parallel_loop3A_143 = vector.broadcast %parallel_loop3A_142 : i32 to vector<16xi32>
        %parallel_loop3A_144 = arith.cmpi slt, %parallel_loop3A_131, %parallel_loop3A_143 : vector<16xi32>
        %parallel_loop3A_145 = arith.andi %parallel_loop3A_141, %parallel_loop3A_144 : vector<16xi1>
        %parallel_loop3A_146 = arith.constant 0.000000e+00 : f32
        %parallel_loop3A_147 = vector.broadcast %parallel_loop3A_146 : f32 to vector<16xf32>
        %parallel_loop3A_148 = arith.select %parallel_loop3A_145, %parallel_loop3A_138, %parallel_loop3A_147 : vector<16xi1>, vector<16xf32>
        %parallel_loop3A_149 = arith.constant 16 : i32
        %parallel_loop3A_150 = arith.muli %parallel_loop3A_126, %parallel_loop3A_149 : i32
        %parallel_loop3A_151 = arith.index_cast %parallel_loop3A_150 : i32 to index
        %parallel_loop3A_152 = tpu.vector_load %arg17[%parallel_loop3A_151] {strides = array<i32>} : memref<80xf32, #tpu.memory_space<vmem>>, vector<16xf32>,
        tpu.vector_store %arg17[%parallel_loop3A_151], %parallel_loop3A_148 {strides = array<i32>} : memref<80xf32, #tpu.memory_space<vmem>>, vector<16xf32>,
      } {sc.loop_unroll_factor = 2 : i64, sc.parallel_access}
      %parallel_loop3A_122 = arith.constant 0 : i32
      %parallel_loop3A_123 = arith.constant 80 : i32
      %parallel_loop3A_124 = arith.constant 1 : i32
      scf.for %parallel_loop3A_126 = %parallel_loop3A_122 to %parallel_loop3A_123 step %parallel_loop3A_124  : i32 {
        %parallel_loop3A_127 = vector.broadcast %parallel_loop3A_126 : i32 to vector<16xi32>
        %parallel_loop3A_128 = tpu.vector_load_idx %arg17[%parallel_loop3A_127] : memref<80xf32, #tpu.memory_space<vmem>>[vector<16xi32>], vector<16xf32>,
        %parallel_loop3A_129 = arith.index_cast %parallel_loop3A_126 : i32 to index
        %parallel_loop3A_130 = arith.constant 0 : index
        %parallel_loop3A_131 = tpu.vector_load %arg16[%parallel_loop3A_129, %parallel_loop3A_130] {strides = array<i32>} : memref<80x128xf32, #tpu.memory_space<vmem>>, vector<16xf32>,
        %parallel_loop3A_132 = arith.mulf %parallel_loop3A_131, %parallel_loop3A_128 : vector<16xf32>
        %parallel_loop3A_133 = arith.index_cast %parallel_loop3A_126 : i32 to index
        %parallel_loop3A_134 = arith.constant 0 : index
        %parallel_loop3A_135 = tpu.vector_load %arg16[%parallel_loop3A_133, %parallel_loop3A_134] {strides = array<i32>} : memref<80x128xf32, #tpu.memory_space<vmem>>, vector<16xf32>,
        tpu.vector_store %arg16[%parallel_loop3A_133, %parallel_loop3A_134], %parallel_loop3A_132 {strides = array<i32>} : memref<80x128xf32, #tpu.memory_space<vmem>>, vector<16xf32>,
        %parallel_loop3A_136 = arith.index_cast %parallel_loop3A_126 : i32 to index
        %parallel_loop3A_137 = arith.constant 16 : index
        %parallel_loop3A_138 = tpu.vector_load %arg16[%parallel_loop3A_136, %parallel_loop3A_137] {strides = array<i32>} : memref<80x128xf32, #tpu.memory_space<vmem>>, vector<16xf32>,
        %parallel_loop3A_139 = arith.mulf %parallel_loop3A_138, %parallel_loop3A_128 : vector<16xf32>
        %parallel_loop3A_140 = arith.index_cast %parallel_loop3A_126 : i32 to index
        %parallel_loop3A_141 = arith.constant 16 : index
        %parallel_loop3A_142 = tpu.vector_load %arg16[%parallel_loop3A_140, %parallel_loop3A_141] {strides = array<i32>} : memref<80x128xf32, #tpu.memory_space<vmem>>, vector<16xf32>,
        tpu.vector_store %arg16[%parallel_loop3A_140, %parallel_loop3A_141], %parallel_loop3A_139 {strides = array<i32>} : memref<80x128xf32, #tpu.memory_space<vmem>>, vector<16xf32>,
        %parallel_loop3A_143 = arith.index_cast %parallel_loop3A_126 : i32 to index
        %parallel_loop3A_144 = arith.constant 32 : index
        %parallel_loop3A_145 = tpu.vector_load %arg16[%parallel_loop3A_143, %parallel_loop3A_144] {strides = array<i32>} : memref<80x128xf32, #tpu.memory_space<vmem>>, vector<16xf32>,
        %parallel_loop3A_146 = arith.mulf %parallel_loop3A_145, %parallel_loop3A_128 : vector<16xf32>
        %parallel_loop3A_147 = arith.index_cast %parallel_loop3A_126 : i32 to index
        %parallel_loop3A_148 = arith.constant 32 : index
        %parallel_loop3A_149 = tpu.vector_load %arg16[%parallel_loop3A_147, %parallel_loop3A_148] {strides = array<i32>} : memref<80x128xf32, #tpu.memory_space<vmem>>, vector<16xf32>,
        tpu.vector_store %arg16[%parallel_loop3A_147, %parallel_loop3A_148], %parallel_loop3A_146 {strides = array<i32>} : memref<80x128xf32, #tpu.memory_space<vmem>>, vector<16xf32>,
        %parallel_loop3A_150 = arith.index_cast %parallel_loop3A_126 : i32 to index
        %parallel_loop3A_151 = arith.constant 48 : index
        %parallel_loop3A_152 = tpu.vector_load %arg16[%parallel_loop3A_150, %parallel_loop3A_151] {strides = array<i32>} : memref<80x128xf32, #tpu.memory_space<vmem>>, vector<16xf32>,
        %parallel_loop3A_153 = arith.mulf %parallel_loop3A_152, %parallel_loop3A_128 : vector<16xf32>
        %parallel_loop3A_154 = arith.index_cast %parallel_loop3A_126 : i32 to index
        %parallel_loop3A_155 = arith.constant 48 : index
        %parallel_loop3A_156 = tpu.vector_load %arg16[%parallel_loop3A_154, %parallel_loop3A_155] {strides = array<i32>} : memref<80x128xf32, #tpu.memory_space<vmem>>, vector<16xf32>,
        tpu.vector_store %arg16[%parallel_loop3A_154, %parallel_loop3A_155], %parallel_loop3A_153 {strides = array<i32>} : memref<80x128xf32, #tpu.memory_space<vmem>>, vector<16xf32>,
        %parallel_loop3A_157 = arith.index_cast %parallel_loop3A_126 : i32 to index
        %parallel_loop3A_158 = arith.constant 64 : index
        %parallel_loop3A_159 = tpu.vector_load %arg16[%parallel_loop3A_157, %parallel_loop3A_158] {strides = array<i32>} : memref<80x128xf32, #tpu.memory_space<vmem>>, vector<16xf32>,
        %parallel_loop3A_160 = arith.mulf %parallel_loop3A_159, %parallel_loop3A_128 : vector<16xf32>
        %parallel_loop3A_161 = arith.index_cast %parallel_loop3A_126 : i32 to index
        %parallel_loop3A_162 = arith.constant 64 : index
        %parallel_loop3A_163 = tpu.vector_load %arg16[%parallel_loop3A_161, %parallel_loop3A_162] {strides = array<i32>} : memref<80x128xf32, #tpu.memory_space<vmem>>, vector<16xf32>,
        tpu.vector_store %arg16[%parallel_loop3A_161, %parallel_loop3A_162], %parallel_loop3A_160 {strides = array<i32>} : memref<80x128xf32, #tpu.memory_space<vmem>>, vector<16xf32>,
        %parallel_loop3A_164 = arith.index_cast %parallel_loop3A_126 : i32 to index
        %parallel_loop3A_165 = arith.constant 80 : index
        %parallel_loop3A_166 = tpu.vector_load %arg16[%parallel_loop3A_164, %parallel_loop3A_165] {strides = array<i32>} : memref<80x128xf32, #tpu.memory_space<vmem>>, vector<16xf32>,
        %parallel_loop3A_167 = arith.mulf %parallel_loop3A_166, %parallel_loop3A_128 : vector<16xf32>
        %parallel_loop3A_168 = arith.index_cast %parallel_loop3A_126 : i32 to index
        %parallel_loop3A_169 = arith.constant 80 : index
        %parallel_loop3A_170 = tpu.vector_load %arg16[%parallel_loop3A_168, %parallel_loop3A_169] {strides = array<i32>} : memref<80x128xf32, #tpu.memory_space<vmem>>, vector<16xf32>,
        tpu.vector_store %arg16[%parallel_loop3A_168, %parallel_loop3A_169], %parallel_loop3A_167 {strides = array<i32>} : memref<80x128xf32, #tpu.memory_space<vmem>>, vector<16xf32>,
        %parallel_loop3A_171 = arith.index_cast %parallel_loop3A_126 : i32 to index
        %parallel_loop3A_172 = arith.constant 96 : index
        %parallel_loop3A_173 = tpu.vector_load %arg16[%parallel_loop3A_171, %parallel_loop3A_172] {strides = array<i32>} : memref<80x128xf32, #tpu.memory_space<vmem>>, vector<16xf32>,
        %parallel_loop3A_174 = arith.mulf %parallel_loop3A_173, %parallel_loop3A_128 : vector<16xf32>
        %parallel_loop3A_175 = arith.index_cast %parallel_loop3A_126 : i32 to index
        %parallel_loop3A_176 = arith.constant 96 : index
        %parallel_loop3A_177 = tpu.vector_load %arg16[%parallel_loop3A_175, %parallel_loop3A_176] {strides = array<i32>} : memref<80x128xf32, #tpu.memory_space<vmem>>, vector<16xf32>,
        tpu.vector_store %arg16[%parallel_loop3A_175, %parallel_loop3A_176], %parallel_loop3A_174 {strides = array<i32>} : memref<80x128xf32, #tpu.memory_space<vmem>>, vector<16xf32>,
        %parallel_loop3A_178 = arith.index_cast %parallel_loop3A_126 : i32 to index
        %parallel_loop3A_179 = arith.constant 112 : index
        %parallel_loop3A_180 = tpu.vector_load %arg16[%parallel_loop3A_178, %parallel_loop3A_179] {strides = array<i32>} : memref<80x128xf32, #tpu.memory_space<vmem>>, vector<16xf32>,
        %parallel_loop3A_181 = arith.mulf %parallel_loop3A_180, %parallel_loop3A_128 : vector<16xf32>
        %parallel_loop3A_182 = arith.index_cast %parallel_loop3A_126 : i32 to index
        %parallel_loop3A_183 = arith.constant 112 : index
        %parallel_loop3A_184 = tpu.vector_load %arg16[%parallel_loop3A_182, %parallel_loop3A_183] {strides = array<i32>} : memref<80x128xf32, #tpu.memory_space<vmem>>, vector<16xf32>,
        tpu.vector_store %arg16[%parallel_loop3A_182, %parallel_loop3A_183], %parallel_loop3A_181 {strides = array<i32>} : memref<80x128xf32, #tpu.memory_space<vmem>>, vector<16xf32>,
      } {sc.loop_unroll_factor = 4 : i64, sc.parallel_access}
      "tpu.region"() ({
        %run_scoped3A_126 = tpu.sem_alloc : memref<!tpu.dma_semaphore, #tpu.memory_space<semaphore_mem>>
        %dma_start3A = arith.constant 0 : i32
        %dma_start3A_127 = tpu.memref_slice %arg11[%scan3A_114, %dma_start3A] : memref<125x80xi32, #tpu.memory_space<vmem>> -> memref<1x80xi32, #tpu.memory_space<vmem>>
        %dma_start3A_128 = tpu.memref_squeeze %dma_start3A_127 : memref<1x80xi32, #tpu.memory_space<vmem>> -> memref<80xi32, #tpu.memory_space<vmem>>
        %dma_start3A_129 = arith.constant 0 : i32
        %dma_start3A_130 = arith.constant 0 : i32
        %dma_start3A_131 = tpu.memref_slice %arg18[%dma_start3A_129, %dma_start3A_130] : memref<5120x128xf32, #tpu.memory_space<vmem_shared>> -> memref<5120x128xf32, #tpu.memory_space<vmem_shared>>
        tpu.enqueue_indirect_dma source(%arg16 : memref<80x128xf32, #tpu.memory_space<vmem>>) target(%dma_start3A_131 : memref<5120x128xf32, #tpu.memory_space<vmem_shared>>) offsets(%dma_start3A_128 : memref<80xi32, #tpu.memory_space<vmem>>) semaphore(%run_scoped3A_126 : memref<!tpu.dma_semaphore, #tpu.memory_space<semaphore_mem>>) {add = true}
        %dma_wait3A = arith.constant 0 : i32
        %dma_wait3A_132 = tpu.memref_slice %arg11[%scan3A_114, %dma_wait3A] : memref<125x80xi32, #tpu.memory_space<vmem>> -> memref<1x80xi32, #tpu.memory_space<vmem>>
        %dma_wait3A_133 = tpu.memref_squeeze %dma_wait3A_132 : memref<1x80xi32, #tpu.memory_space<vmem>> -> memref<80xi32, #tpu.memory_space<vmem>>
        %dma_wait3A_134 = arith.constant 0 : i32
        %dma_wait3A_135 = arith.constant 0 : i32
        %dma_wait3A_136 = tpu.memref_slice %arg18[%dma_wait3A_134, %dma_wait3A_135] : memref<5120x128xf32, #tpu.memory_space<vmem_shared>> -> memref<5120x128xf32, #tpu.memory_space<vmem_shared>>
        tpu.wait_indirect_dma semaphore(%run_scoped3A_126 : memref<!tpu.dma_semaphore, #tpu.memory_space<semaphore_mem>>) src(%arg16 : memref<80x128xf32, #tpu.memory_space<vmem>>) dst(%dma_wait3A_136 : memref<5120x128xf32, #tpu.memory_space<vmem_shared>>)
        tpu.yield
      }) : () -> ()
      %scan3A_125 = arith.constant 0 : i32
      scf.yield %scan3A_125 : i32
    }
    %scan3A_29 = arith.constant 125 : i32
    %barrier3A_30 = arith.constant 0 : index
    tpu.barrier barrier_id(%barrier3A_30)
    %mul3A_31 = arith.constant 320 : i32
    %mul3A_32 = arith.muli %arg1, %mul3A_31 : i32
    %add3A_33 = arith.constant 0 : i32
    %add3A_34 = arith.addi %mul3A_32, %add3A_33 : i32
    %add3A_35 = arith.constant 0 : i32
    %add3A_36 = arith.addi %add3A_35, %add3A_34 : i32
    "tpu.region"() ({
      %run_scoped3A_114 = tpu.sem_alloc : memref<!tpu.dma_semaphore, #tpu.memory_space<semaphore_mem>>
      %dma_start3A = arith.constant 0 : i32
      %dma_start3A_115 = tpu.memref_slice %arg9[%arg0, %add3A_36, %dma_start3A] : memref<2x10240x128xf32, #tpu.memory_space<hbm>> -> memref<1x80x128xf32, #tpu.memory_space<hbm>>
      %dma_start3A_116 = tpu.memref_squeeze %dma_start3A_115 : memref<1x80x128xf32, #tpu.memory_space<hbm>> -> memref<80x128xf32, #tpu.memory_space<hbm>>
      %dma_start3A_117 = arith.constant 0 : i32
      %dma_start3A_118 = tpu.memref_slice %arg18[%add3A_34, %dma_start3A_117] : memref<5120x128xf32, #tpu.memory_space<vmem_shared>> -> memref<80x128xf32, #tpu.memory_space<vmem_shared>>
      tpu.enqueue_dma source(%dma_start3A_118 : memref<80x128xf32, #tpu.memory_space<vmem_shared>>) target(%dma_start3A_116 : memref<80x128xf32, #tpu.memory_space<hbm>>) target_semaphore(%run_scoped3A_114 : memref<!tpu.dma_semaphore, #tpu.memory_space<semaphore_mem>>)
      %dma_wait3A = arith.constant 0 : i32
      %dma_wait3A_119 = tpu.memref_slice %arg9[%arg0, %add3A_36, %dma_wait3A] : memref<2x10240x128xf32, #tpu.memory_space<hbm>> -> memref<1x80x128xf32, #tpu.memory_space<hbm>>
      %dma_wait3A_120 = tpu.memref_squeeze %dma_wait3A_119 : memref<1x80x128xf32, #tpu.memory_space<hbm>> -> memref<80x128xf32, #tpu.memory_space<hbm>>
      %dma_wait3A_121 = arith.constant 0 : i32
      %dma_wait3A_122 = tpu.memref_slice %arg18[%add3A_34, %dma_wait3A_121] : memref<5120x128xf32, #tpu.memory_space<vmem_shared>> -> memref<80x128xf32, #tpu.memory_space<vmem_shared>>
      tpu.wait_dma2 semaphore(%run_scoped3A_114 : memref<!tpu.dma_semaphore, #tpu.memory_space<semaphore_mem>>) src(%dma_wait3A_122 : memref<80x128xf32, #tpu.memory_space<vmem_shared>>) dst(%dma_wait3A_120 : memref<80x128xf32, #tpu.memory_space<hbm>>)
      tpu.yield
    }) : () -> ()
    %mul3A_37 = arith.constant 320 : i32
    %mul3A_38 = arith.muli %arg1, %mul3A_37 : i32
    %add3A_39 = arith.constant 80 : i32
    %add3A_40 = arith.addi %mul3A_38, %add3A_39 : i32
    %add3A_41 = arith.constant 0 : i32
    %add3A_42 = arith.addi %add3A_41, %add3A_40 : i32
    "tpu.region"() ({
      %run_scoped3A_114 = tpu.sem_alloc : memref<!tpu.dma_semaphore, #tpu.memory_space<semaphore_mem>>
      %dma_start3A = arith.constant 0 : i32
      %dma_start3A_115 = tpu.memref_slice %arg9[%arg0, %add3A_42, %dma_start3A] : memref<2x10240x128xf32, #tpu.memory_space<hbm>> -> memref<1x80x128xf32, #tpu.memory_space<hbm>>
      %dma_start3A_116 = tpu.memref_squeeze %dma_start3A_115 : memref<1x80x128xf32, #tpu.memory_space<hbm>> -> memref<80x128xf32, #tpu.memory_space<hbm>>
      %dma_start3A_117 = arith.constant 0 : i32
      %dma_start3A_118 = tpu.memref_slice %arg18[%add3A_40, %dma_start3A_117] : memref<5120x128xf32, #tpu.memory_space<vmem_shared>> -> memref<80x128xf32, #tpu.memory_space<vmem_shared>>
      tpu.enqueue_dma source(%dma_start3A_118 : memref<80x128xf32, #tpu.memory_space<vmem_shared>>) target(%dma_start3A_116 : memref<80x128xf32, #tpu.memory_space<hbm>>) target_semaphore(%run_scoped3A_114 : memref<!tpu.dma_semaphore, #tpu.memory_space<semaphore_mem>>)
      %dma_wait3A = arith.constant 0 : i32
      %dma_wait3A_119 = tpu.memref_slice %arg9[%arg0, %add3A_42, %dma_wait3A] : memref<2x10240x128xf32, #tpu.memory_space<hbm>> -> memref<1x80x128xf32, #tpu.memory_space<hbm>>
      %dma_wait3A_120 = tpu.memref_squeeze %dma_wait3A_119 : memref<1x80x128xf32, #tpu.memory_space<hbm>> -> memref<80x128xf32, #tpu.memory_space<hbm>>
      %dma_wait3A_121 = arith.constant 0 : i32
      %dma_wait3A_122 = tpu.memref_slice %arg18[%add3A_40, %dma_wait3A_121] : memref<5120x128xf32, #tpu.memory_space<vmem_shared>> -> memref<80x128xf32, #tpu.memory_space<vmem_shared>>
      tpu.wait_dma2 semaphore(%run_scoped3A_114 : memref<!tpu.dma_semaphore, #tpu.memory_space<semaphore_mem>>) src(%dma_wait3A_122 : memref<80x128xf32, #tpu.memory_space<vmem_shared>>) dst(%dma_wait3A_120 : memref<80x128xf32, #tpu.memory_space<hbm>>)
      tpu.yield
    }) : () -> ()
    %mul3A_43 = arith.constant 320 : i32
    %mul3A_44 = arith.muli %arg1, %mul3A_43 : i32
    %add3A_45 = arith.constant 160 : i32
    %add3A_46 = arith.addi %mul3A_44, %add3A_45 : i32
    %add3A_47 = arith.constant 0 : i32
    %add3A_48 = arith.addi %add3A_47, %add3A_46 : i32
    "tpu.region"() ({
      %run_scoped3A_114 = tpu.sem_alloc : memref<!tpu.dma_semaphore, #tpu.memory_space<semaphore_mem>>
      %dma_start3A = arith.constant 0 : i32
      %dma_start3A_115 = tpu.memref_slice %arg9[%arg0, %add3A_48, %dma_start3A] : memref<2x10240x128xf32, #tpu.memory_space<hbm>> -> memref<1x80x128xf32, #tpu.memory_space<hbm>>
      %dma_start3A_116 = tpu.memref_squeeze %dma_start3A_115 : memref<1x80x128xf32, #tpu.memory_space<hbm>> -> memref<80x128xf32, #tpu.memory_space<hbm>>
      %dma_start3A_117 = arith.constant 0 : i32
      %dma_start3A_118 = tpu.memref_slice %arg18[%add3A_46, %dma_start3A_117] : memref<5120x128xf32, #tpu.memory_space<vmem_shared>> -> memref<80x128xf32, #tpu.memory_space<vmem_shared>>
      tpu.enqueue_dma source(%dma_start3A_118 : memref<80x128xf32, #tpu.memory_space<vmem_shared>>) target(%dma_start3A_116 : memref<80x128xf32, #tpu.memory_space<hbm>>) target_semaphore(%run_scoped3A_114 : memref<!tpu.dma_semaphore, #tpu.memory_space<semaphore_mem>>)
      %dma_wait3A = arith.constant 0 : i32
      %dma_wait3A_119 = tpu.memref_slice %arg9[%arg0, %add3A_48, %dma_wait3A] : memref<2x10240x128xf32, #tpu.memory_space<hbm>> -> memref<1x80x128xf32, #tpu.memory_space<hbm>>
      %dma_wait3A_120 = tpu.memref_squeeze %dma_wait3A_119 : memref<1x80x128xf32, #tpu.memory_space<hbm>> -> memref<80x128xf32, #tpu.memory_space<hbm>>
      %dma_wait3A_121 = arith.constant 0 : i32
      %dma_wait3A_122 = tpu.memref_slice %arg18[%add3A_46, %dma_wait3A_121] : memref<5120x128xf32, #tpu.memory_space<vmem_shared>> -> memref<80x128xf32, #tpu.memory_space<vmem_shared>>
      tpu.wait_dma2 semaphore(%run_scoped3A_114 : memref<!tpu.dma_semaphore, #tpu.memory_space<semaphore_mem>>) src(%dma_wait3A_122 : memref<80x128xf32, #tpu.memory_space<vmem_shared>>) dst(%dma_wait3A_120 : memref<80x128xf32, #tpu.memory_space<hbm>>)
      tpu.yield
    }) : () -> ()
    %mul3A_49 = arith.constant 320 : i32
    %mul3A_50 = arith.muli %arg1, %mul3A_49 : i32
    %add3A_51 = arith.constant 240 : i32
    %add3A_52 = arith.addi %mul3A_50, %add3A_51 : i32
    %add3A_53 = arith.constant 0 : i32
    %add3A_54 = arith.addi %add3A_53, %add3A_52 : i32
    "tpu.region"() ({
      %run_scoped3A_114 = tpu.sem_alloc : memref<!tpu.dma_semaphore, #tpu.memory_space<semaphore_mem>>
      %dma_start3A = arith.constant 0 : i32
      %dma_start3A_115 = tpu.memref_slice %arg9[%arg0, %add3A_54, %dma_start3A] : memref<2x10240x128xf32, #tpu.memory_space<hbm>> -> memref<1x80x128xf32, #tpu.memory_space<hbm>>
      %dma_start3A_116 = tpu.memref_squeeze %dma_start3A_115 : memref<1x80x128xf32, #tpu.memory_space<hbm>> -> memref<80x128xf32, #tpu.memory_space<hbm>>
      %dma_start3A_117 = arith.constant 0 : i32
      %dma_start3A_118 = tpu.memref_slice %arg18[%add3A_52, %dma_start3A_117] : memref<5120x128xf32, #tpu.memory_space<vmem_shared>> -> memref<80x128xf32, #tpu.memory_space<vmem_shared>>
      tpu.enqueue_dma source(%dma_start3A_118 : memref<80x128xf32, #tpu.memory_space<vmem_shared>>) target(%dma_start3A_116 : memref<80x128xf32, #tpu.memory_space<hbm>>) target_semaphore(%run_scoped3A_114 : memref<!tpu.dma_semaphore, #tpu.memory_space<semaphore_mem>>)
      %dma_wait3A = arith.constant 0 : i32
      %dma_wait3A_119 = tpu.memref_slice %arg9[%arg0, %add3A_54, %dma_wait3A] : memref<2x10240x128xf32, #tpu.memory_space<hbm>> -> memref<1x80x128xf32, #tpu.memory_space<hbm>>
      %dma_wait3A_120 = tpu.memref_squeeze %dma_wait3A_119 : memref<1x80x128xf32, #tpu.memory_space<hbm>> -> memref<80x128xf32, #tpu.memory_space<hbm>>
      %dma_wait3A_121 = arith.constant 0 : i32
      %dma_wait3A_122 = tpu.memref_slice %arg18[%add3A_52, %dma_wait3A_121] : memref<5120x128xf32, #tpu.memory_space<vmem_shared>> -> memref<80x128xf32, #tpu.memory_space<vmem_shared>>
      tpu.wait_dma2 semaphore(%run_scoped3A_114 : memref<!tpu.dma_semaphore, #tpu.memory_space<semaphore_mem>>) src(%dma_wait3A_122 : memref<80x128xf32, #tpu.memory_space<vmem_shared>>) dst(%dma_wait3A_120 : memref<80x128xf32, #tpu.memory_space<hbm>>)
      tpu.yield
    }) : () -> ()
    %barrier3A_55 = arith.constant 0 : index
    tpu.barrier barrier_id(%barrier3A_55)
    %run_scoped3A_56 = arith.constant 1 : i32
    "tpu.region"() ({
      %run_scoped3A_114 = tpu.sem_alloc : memref<!tpu.dma_semaphore, #tpu.memory_space<semaphore_mem>>
      %dma_start3A = arith.constant 0 : i32
      %dma_start3A_115 = arith.constant 0 : i32
      %dma_start3A_116 = tpu.memref_slice %arg4[%run_scoped3A_56, %add3A, %dma_start3A, %dma_start3A_115] : memref<2x32x125x80xi32, #tpu.memory_space<hbm>> -> memref<1x1x125x80xi32, #tpu.memory_space<hbm>>
      %dma_start3A_117 = tpu.memref_squeeze %dma_start3A_116 : memref<1x1x125x80xi32, #tpu.memory_space<hbm>> -> memref<125x80xi32, #tpu.memory_space<hbm>>
      %dma_start3A_118 = arith.constant 0 : i32
      %dma_start3A_119 = arith.constant 0 : i32
      %dma_start3A_120 = tpu.memref_slice %arg4[%run_scoped3A_56, %add3A, %dma_start3A_118, %dma_start3A_119] : memref<2x32x125x80xi32, #tpu.memory_space<hbm>> -> memref<1x1x125x80xi32, #tpu.memory_space<hbm>>
      %dma_start3A_121 = tpu.memref_squeeze %dma_start3A_120 : memref<1x1x125x80xi32, #tpu.memory_space<hbm>> -> memref<125x80xi32, #tpu.memory_space<hbm>>
      tpu.enqueue_dma source(%dma_start3A_121 : memref<125x80xi32, #tpu.memory_space<hbm>>) target(%arg11 : memref<125x80xi32, #tpu.memory_space<vmem>>) target_semaphore(%run_scoped3A_114 : memref<!tpu.dma_semaphore, #tpu.memory_space<semaphore_mem>>)
      %dma_wait3A = arith.constant 0 : i32
      %dma_wait3A_122 = arith.constant 0 : i32
      %dma_wait3A_123 = tpu.memref_slice %arg4[%run_scoped3A_56, %add3A, %dma_wait3A, %dma_wait3A_122] : memref<2x32x125x80xi32, #tpu.memory_space<hbm>> -> memref<1x1x125x80xi32, #tpu.memory_space<hbm>>
      %dma_wait3A_124 = tpu.memref_squeeze %dma_wait3A_123 : memref<1x1x125x80xi32, #tpu.memory_space<hbm>> -> memref<125x80xi32, #tpu.memory_space<hbm>>
      %dma_wait3A_125 = arith.constant 0 : i32
      %dma_wait3A_126 = arith.constant 0 : i32
      %dma_wait3A_127 = tpu.memref_slice %arg4[%run_scoped3A_56, %add3A, %dma_wait3A_125, %dma_wait3A_126] : memref<2x32x125x80xi32, #tpu.memory_space<hbm>> -> memref<1x1x125x80xi32, #tpu.memory_space<hbm>>
      %dma_wait3A_128 = tpu.memref_squeeze %dma_wait3A_127 : memref<1x1x125x80xi32, #tpu.memory_space<hbm>> -> memref<125x80xi32, #tpu.memory_space<hbm>>
      tpu.wait_dma2 semaphore(%run_scoped3A_114 : memref<!tpu.dma_semaphore, #tpu.memory_space<semaphore_mem>>) src(%dma_wait3A_128 : memref<125x80xi32, #tpu.memory_space<hbm>>) dst(%arg11 : memref<125x80xi32, #tpu.memory_space<vmem>>)
      tpu.yield
    }) : () -> ()
    %scan3A_57 = arith.constant 0 : i32
    %scan3A_58 = arith.constant 0 : i32
    %scan3A_59 = arith.constant 80 : i32
    %scan3A_60 = arith.addi %scan3A_58, %scan3A_59 : i32
    %scan3A_61 = arith.constant 1 : i32
    %scan3A_62 = scf.for %scan3A_114 = %scan3A_58 to %scan3A_60 step %scan3A_61 iter_args(%scan3A_115 = %scan3A_57) -> (i32)  : i32 {
      %broadcast_in_dim3A = arith.constant 0.000000e+00 : f32
      %broadcast_in_dim3A_116 = vector.broadcast %broadcast_in_dim3A : f32 to vector<16xf32>
      %swap3A = arith.index_cast %scan3A_114 : i32 to index
      %swap3A_117 = arith.constant 0 : index
      %swap3A_118 = tpu.vector_load %arg16[%swap3A, %swap3A_117] {strides = array<i32>} : memref<80x128xf32, #tpu.memory_space<vmem>>, vector<16xf32>,
      tpu.vector_store %arg16[%swap3A, %swap3A_117], %broadcast_in_dim3A_116 {strides = array<i32>} : memref<80x128xf32, #tpu.memory_space<vmem>>, vector<16xf32>,
      %broadcast_in_dim3A_119 = arith.constant 0.000000e+00 : f32
      %broadcast_in_dim3A_120 = vector.broadcast %broadcast_in_dim3A_119 : f32 to vector<16xf32>
      %swap3A_121 = arith.index_cast %scan3A_114 : i32 to index
      %swap3A_122 = arith.constant 16 : index
      %swap3A_123 = tpu.vector_load %arg16[%swap3A_121, %swap3A_122] {strides = array<i32>} : memref<80x128xf32, #tpu.memory_space<vmem>>, vector<16xf32>,
      tpu.vector_store %arg16[%swap3A_121, %swap3A_122], %broadcast_in_dim3A_120 {strides = array<i32>} : memref<80x128xf32, #tpu.memory_space<vmem>>, vector<16xf32>,
      %broadcast_in_dim3A_124 = arith.constant 0.000000e+00 : f32
      %broadcast_in_dim3A_125 = vector.broadcast %broadcast_in_dim3A_124 : f32 to vector<16xf32>
      %swap3A_126 = arith.index_cast %scan3A_114 : i32 to index
      %swap3A_127 = arith.constant 32 : index
      %swap3A_128 = tpu.vector_load %arg16[%swap3A_126, %swap3A_127] {strides = array<i32>} : memref<80x128xf32, #tpu.memory_space<vmem>>, vector<16xf32>,
      tpu.vector_store %arg16[%swap3A_126, %swap3A_127], %broadcast_in_dim3A_125 {strides = array<i32>} : memref<80x128xf32, #tpu.memory_space<vmem>>, vector<16xf32>,
      %broadcast_in_dim3A_129 = arith.constant 0.000000e+00 : f32
      %broadcast_in_dim3A_130 = vector.broadcast %broadcast_in_dim3A_129 : f32 to vector<16xf32>
      %swap3A_131 = arith.index_cast %scan3A_114 : i32 to index
      %swap3A_132 = arith.constant 48 : index
      %swap3A_133 = tpu.vector_load %arg16[%swap3A_131, %swap3A_132] {strides = array<i32>} : memref<80x128xf32, #tpu.memory_space<vmem>>, vector<16xf32>,
      tpu.vector_store %arg16[%swap3A_131, %swap3A_132], %broadcast_in_dim3A_130 {strides = array<i32>} : memref<80x128xf32, #tpu.memory_space<vmem>>, vector<16xf32>,
      %broadcast_in_dim3A_134 = arith.constant 0.000000e+00 : f32
      %broadcast_in_dim3A_135 = vector.broadcast %broadcast_in_dim3A_134 : f32 to vector<16xf32>
      %swap3A_136 = arith.index_cast %scan3A_114 : i32 to index
      %swap3A_137 = arith.constant 64 : index
      %swap3A_138 = tpu.vector_load %arg16[%swap3A_136, %swap3A_137] {strides = array<i32>} : memref<80x128xf32, #tpu.memory_space<vmem>>, vector<16xf32>,
      tpu.vector_store %arg16[%swap3A_136, %swap3A_137], %broadcast_in_dim3A_135 {strides = array<i32>} : memref<80x128xf32, #tpu.memory_space<vmem>>, vector<16xf32>,
      %broadcast_in_dim3A_139 = arith.constant 0.000000e+00 : f32
      %broadcast_in_dim3A_140 = vector.broadcast %broadcast_in_dim3A_139 : f32 to vector<16xf32>
      %swap3A_141 = arith.index_cast %scan3A_114 : i32 to index
      %swap3A_142 = arith.constant 80 : index
      %swap3A_143 = tpu.vector_load %arg16[%swap3A_141, %swap3A_142] {strides = array<i32>} : memref<80x128xf32, #tpu.memory_space<vmem>>, vector<16xf32>,
      tpu.vector_store %arg16[%swap3A_141, %swap3A_142], %broadcast_in_dim3A_140 {strides = array<i32>} : memref<80x128xf32, #tpu.memory_space<vmem>>, vector<16xf32>,
      %broadcast_in_dim3A_144 = arith.constant 0.000000e+00 : f32
      %broadcast_in_dim3A_145 = vector.broadcast %broadcast_in_dim3A_144 : f32 to vector<16xf32>
      %swap3A_146 = arith.index_cast %scan3A_114 : i32 to index
      %swap3A_147 = arith.constant 96 : index
      %swap3A_148 = tpu.vector_load %arg16[%swap3A_146, %swap3A_147] {strides = array<i32>} : memref<80x128xf32, #tpu.memory_space<vmem>>, vector<16xf32>,
      tpu.vector_store %arg16[%swap3A_146, %swap3A_147], %broadcast_in_dim3A_145 {strides = array<i32>} : memref<80x128xf32, #tpu.memory_space<vmem>>, vector<16xf32>,
      %broadcast_in_dim3A_149 = arith.constant 0.000000e+00 : f32
      %broadcast_in_dim3A_150 = vector.broadcast %broadcast_in_dim3A_149 : f32 to vector<16xf32>
      %swap3A_151 = arith.index_cast %scan3A_114 : i32 to index
      %swap3A_152 = arith.constant 112 : index
      %swap3A_153 = tpu.vector_load %arg16[%swap3A_151, %swap3A_152] {strides = array<i32>} : memref<80x128xf32, #tpu.memory_space<vmem>>, vector<16xf32>,
      tpu.vector_store %arg16[%swap3A_151, %swap3A_152], %broadcast_in_dim3A_150 {strides = array<i32>} : memref<80x128xf32, #tpu.memory_space<vmem>>, vector<16xf32>,
      %scan3A_154 = arith.constant 0 : i32
      scf.yield %scan3A_154 : i32
    }
    %scan3A_63 = arith.constant 80 : i32
    %mul3A_64 = arith.constant 320 : i32
    %mul3A_65 = arith.muli %arg1, %mul3A_64 : i32
    %add3A_66 = arith.constant 0 : i32
    %add3A_67 = arith.addi %mul3A_65, %add3A_66 : i32
    "tpu.region"() ({
      %run_scoped3A_114 = tpu.sem_alloc : memref<!tpu.dma_semaphore, #tpu.memory_space<semaphore_mem>>
      %dma_start3A = arith.constant 0 : i32
      %dma_start3A_115 = tpu.memref_slice %arg18[%add3A_67, %dma_start3A] : memref<5120x128xf32, #tpu.memory_space<vmem_shared>> -> memref<80x128xf32, #tpu.memory_space<vmem_shared>>
      %dma_start3A_116 = arith.constant 0 : i32
      %dma_start3A_117 = tpu.memref_slice %arg18[%add3A_67, %dma_start3A_116] : memref<5120x128xf32, #tpu.memory_space<vmem_shared>> -> memref<80x128xf32, #tpu.memory_space<vmem_shared>>
      tpu.enqueue_dma source(%arg16 : memref<80x128xf32, #tpu.memory_space<vmem>>) target(%dma_start3A_117 : memref<80x128xf32, #tpu.memory_space<vmem_shared>>) target_semaphore(%run_scoped3A_114 : memref<!tpu.dma_semaphore, #tpu.memory_space<semaphore_mem>>)
      %dma_wait3A = arith.constant 0 : i32
      %dma_wait3A_118 = tpu.memref_slice %arg18[%add3A_67, %dma_wait3A] : memref<5120x128xf32, #tpu.memory_space<vmem_shared>> -> memref<80x128xf32, #tpu.memory_space<vmem_shared>>
      %dma_wait3A_119 = arith.constant 0 : i32
      %dma_wait3A_120 = tpu.memref_slice %arg18[%add3A_67, %dma_wait3A_119] : memref<5120x128xf32, #tpu.memory_space<vmem_shared>> -> memref<80x128xf32, #tpu.memory_space<vmem_shared>>
      tpu.wait_dma2 semaphore(%run_scoped3A_114 : memref<!tpu.dma_semaphore, #tpu.memory_space<semaphore_mem>>) src(%arg16 : memref<80x128xf32, #tpu.memory_space<vmem>>) dst(%dma_wait3A_120 : memref<80x128xf32, #tpu.memory_space<vmem_shared>>)
      tpu.yield
    }) : () -> ()
    %mul3A_68 = arith.constant 320 : i32
    %mul3A_69 = arith.muli %arg1, %mul3A_68 : i32
    %add3A_70 = arith.constant 80 : i32
    %add3A_71 = arith.addi %mul3A_69, %add3A_70 : i32
    "tpu.region"() ({
      %run_scoped3A_114 = tpu.sem_alloc : memref<!tpu.dma_semaphore, #tpu.memory_space<semaphore_mem>>
      %dma_start3A = arith.constant 0 : i32
      %dma_start3A_115 = tpu.memref_slice %arg18[%add3A_71, %dma_start3A] : memref<5120x128xf32, #tpu.memory_space<vmem_shared>> -> memref<80x128xf32, #tpu.memory_space<vmem_shared>>
      %dma_start3A_116 = arith.constant 0 : i32
      %dma_start3A_117 = tpu.memref_slice %arg18[%add3A_71, %dma_start3A_116] : memref<5120x128xf32, #tpu.memory_space<vmem_shared>> -> memref<80x128xf32, #tpu.memory_space<vmem_shared>>
      tpu.enqueue_dma source(%arg16 : memref<80x128xf32, #tpu.memory_space<vmem>>) target(%dma_start3A_117 : memref<80x128xf32, #tpu.memory_space<vmem_shared>>) target_semaphore(%run_scoped3A_114 : memref<!tpu.dma_semaphore, #tpu.memory_space<semaphore_mem>>)
      %dma_wait3A = arith.constant 0 : i32
      %dma_wait3A_118 = tpu.memref_slice %arg18[%add3A_71, %dma_wait3A] : memref<5120x128xf32, #tpu.memory_space<vmem_shared>> -> memref<80x128xf32, #tpu.memory_space<vmem_shared>>
      %dma_wait3A_119 = arith.constant 0 : i32
      %dma_wait3A_120 = tpu.memref_slice %arg18[%add3A_71, %dma_wait3A_119] : memref<5120x128xf32, #tpu.memory_space<vmem_shared>> -> memref<80x128xf32, #tpu.memory_space<vmem_shared>>
      tpu.wait_dma2 semaphore(%run_scoped3A_114 : memref<!tpu.dma_semaphore, #tpu.memory_space<semaphore_mem>>) src(%arg16 : memref<80x128xf32, #tpu.memory_space<vmem>>) dst(%dma_wait3A_120 : memref<80x128xf32, #tpu.memory_space<vmem_shared>>)
      tpu.yield
    }) : () -> ()
    %mul3A_72 = arith.constant 320 : i32
    %mul3A_73 = arith.muli %arg1, %mul3A_72 : i32
    %add3A_74 = arith.constant 160 : i32
    %add3A_75 = arith.addi %mul3A_73, %add3A_74 : i32
    "tpu.region"() ({
      %run_scoped3A_114 = tpu.sem_alloc : memref<!tpu.dma_semaphore, #tpu.memory_space<semaphore_mem>>
      %dma_start3A = arith.constant 0 : i32
      %dma_start3A_115 = tpu.memref_slice %arg18[%add3A_75, %dma_start3A] : memref<5120x128xf32, #tpu.memory_space<vmem_shared>> -> memref<80x128xf32, #tpu.memory_space<vmem_shared>>
      %dma_start3A_116 = arith.constant 0 : i32
      %dma_start3A_117 = tpu.memref_slice %arg18[%add3A_75, %dma_start3A_116] : memref<5120x128xf32, #tpu.memory_space<vmem_shared>> -> memref<80x128xf32, #tpu.memory_space<vmem_shared>>
      tpu.enqueue_dma source(%arg16 : memref<80x128xf32, #tpu.memory_space<vmem>>) target(%dma_start3A_117 : memref<80x128xf32, #tpu.memory_space<vmem_shared>>) target_semaphore(%run_scoped3A_114 : memref<!tpu.dma_semaphore, #tpu.memory_space<semaphore_mem>>)
      %dma_wait3A = arith.constant 0 : i32
      %dma_wait3A_118 = tpu.memref_slice %arg18[%add3A_75, %dma_wait3A] : memref<5120x128xf32, #tpu.memory_space<vmem_shared>> -> memref<80x128xf32, #tpu.memory_space<vmem_shared>>
      %dma_wait3A_119 = arith.constant 0 : i32
      %dma_wait3A_120 = tpu.memref_slice %arg18[%add3A_75, %dma_wait3A_119] : memref<5120x128xf32, #tpu.memory_space<vmem_shared>> -> memref<80x128xf32, #tpu.memory_space<vmem_shared>>
      tpu.wait_dma2 semaphore(%run_scoped3A_114 : memref<!tpu.dma_semaphore, #tpu.memory_space<semaphore_mem>>) src(%arg16 : memref<80x128xf32, #tpu.memory_space<vmem>>) dst(%dma_wait3A_120 : memref<80x128xf32, #tpu.memory_space<vmem_shared>>)
      tpu.yield
    }) : () -> ()
    %mul3A_76 = arith.constant 320 : i32
    %mul3A_77 = arith.muli %arg1, %mul3A_76 : i32
    %add3A_78 = arith.constant 240 : i32
    %add3A_79 = arith.addi %mul3A_77, %add3A_78 : i32
    "tpu.region"() ({
      %run_scoped3A_114 = tpu.sem_alloc : memref<!tpu.dma_semaphore, #tpu.memory_space<semaphore_mem>>
      %dma_start3A = arith.constant 0 : i32
      %dma_start3A_115 = tpu.memref_slice %arg18[%add3A_79, %dma_start3A] : memref<5120x128xf32, #tpu.memory_space<vmem_shared>> -> memref<80x128xf32, #tpu.memory_space<vmem_shared>>
      %dma_start3A_116 = arith.constant 0 : i32
      %dma_start3A_117 = tpu.memref_slice %arg18[%add3A_79, %dma_start3A_116] : memref<5120x128xf32, #tpu.memory_space<vmem_shared>> -> memref<80x128xf32, #tpu.memory_space<vmem_shared>>
      tpu.enqueue_dma source(%arg16 : memref<80x128xf32, #tpu.memory_space<vmem>>) target(%dma_start3A_117 : memref<80x128xf32, #tpu.memory_space<vmem_shared>>) target_semaphore(%run_scoped3A_114 : memref<!tpu.dma_semaphore, #tpu.memory_space<semaphore_mem>>)
      %dma_wait3A = arith.constant 0 : i32
      %dma_wait3A_118 = tpu.memref_slice %arg18[%add3A_79, %dma_wait3A] : memref<5120x128xf32, #tpu.memory_space<vmem_shared>> -> memref<80x128xf32, #tpu.memory_space<vmem_shared>>
      %dma_wait3A_119 = arith.constant 0 : i32
      %dma_wait3A_120 = tpu.memref_slice %arg18[%add3A_79, %dma_wait3A_119] : memref<5120x128xf32, #tpu.memory_space<vmem_shared>> -> memref<80x128xf32, #tpu.memory_space<vmem_shared>>
      tpu.wait_dma2 semaphore(%run_scoped3A_114 : memref<!tpu.dma_semaphore, #tpu.memory_space<semaphore_mem>>) src(%arg16 : memref<80x128xf32, #tpu.memory_space<vmem>>) dst(%dma_wait3A_120 : memref<80x128xf32, #tpu.memory_space<vmem_shared>>)
      tpu.yield
    }) : () -> ()
    %barrier3A_80 = arith.constant 0 : index
    tpu.barrier barrier_id(%barrier3A_80)
    %scan3A_81 = arith.constant 0 : i32
    %scan3A_82 = arith.constant 0 : i32
    %scan3A_83 = arith.constant 125 : i32
    %scan3A_84 = arith.addi %scan3A_82, %scan3A_83 : i32
    %scan3A_85 = arith.constant 1 : i32
    %scan3A_86 = scf.for %scan3A_114 = %scan3A_82 to %scan3A_84 step %scan3A_85 iter_args(%scan3A_115 = %scan3A_81) -> (i32)  : i32 {
      %mul3A_116 = arith.constant 80 : i32
      %mul3A_117 = arith.muli %scan3A_114, %mul3A_116 : i32
      "tpu.region"() ({
        %run_scoped3A_126 = tpu.sem_alloc : memref<!tpu.dma_semaphore, #tpu.memory_space<semaphore_mem>>
        %dma_start3A = tpu.memref_slice %arg12[%mul3A_117] : memref<10000xi32, #tpu.memory_space<vmem>> -> memref<80xi32, #tpu.memory_space<vmem>>
        %dma_start3A_127 = arith.constant 0 : i32
        %dma_start3A_128 = arith.constant 0 : i32
        %dma_start3A_129 = tpu.memref_slice %arg2[%dma_start3A_127, %dma_start3A_128] : memref<110000x128xf32, #tpu.memory_space<hbm>> -> memref<110000x128xf32, #tpu.memory_space<hbm>>
        tpu.enqueue_indirect_dma source(%dma_start3A_129 : memref<110000x128xf32, #tpu.memory_space<hbm>>) target(%arg16 : memref<80x128xf32, #tpu.memory_space<vmem>>) offsets(%dma_start3A : memref<80xi32, #tpu.memory_space<vmem>>) semaphore(%run_scoped3A_126 : memref<!tpu.dma_semaphore, #tpu.memory_space<semaphore_mem>>)
        %dma_wait3A = tpu.memref_slice %arg12[%mul3A_117] : memref<10000xi32, #tpu.memory_space<vmem>> -> memref<80xi32, #tpu.memory_space<vmem>>
        %dma_wait3A_130 = arith.constant 0 : i32
        %dma_wait3A_131 = arith.constant 0 : i32
        %dma_wait3A_132 = tpu.memref_slice %arg2[%dma_wait3A_130, %dma_wait3A_131] : memref<110000x128xf32, #tpu.memory_space<hbm>> -> memref<110000x128xf32, #tpu.memory_space<hbm>>
        tpu.wait_indirect_dma semaphore(%run_scoped3A_126 : memref<!tpu.dma_semaphore, #tpu.memory_space<semaphore_mem>>) src(%dma_wait3A_132 : memref<110000x128xf32, #tpu.memory_space<hbm>>) dst(%arg16 : memref<80x128xf32, #tpu.memory_space<vmem>>)
        tpu.yield
      }) : () -> ()
      %mul3A_118 = arith.constant 80 : i32
      %mul3A_119 = arith.muli %scan3A_114, %mul3A_118 : i32
      %parallel_loop3A = arith.constant 0 : i32
      %parallel_loop3A_120 = arith.constant 5 : i32
      %parallel_loop3A_121 = arith.constant 1 : i32
      scf.for %parallel_loop3A_126 = %parallel_loop3A to %parallel_loop3A_120 step %parallel_loop3A_121  : i32 {
        %parallel_loop3A_127 = arith.constant 16 : i32
        %parallel_loop3A_128 = arith.muli %parallel_loop3A_126, %parallel_loop3A_127 : i32
        %parallel_loop3A_129 = arith.addi %mul3A_119, %parallel_loop3A_128 : i32
        %parallel_loop3A_130 = arith.index_cast %parallel_loop3A_129 : i32 to index
        %parallel_loop3A_131 = tpu.vector_load %arg10[%parallel_loop3A_130] {strides = array<i32>} : memref<10000xi32, #tpu.memory_space<vmem>>, vector<16xi32>,
        %parallel_loop3A_132 = arith.index_cast %parallel_loop3A_129 : i32 to index
        %parallel_loop3A_133 = tpu.vector_load %arg13[%parallel_loop3A_132] {strides = array<i32>} : memref<10000xf32, #tpu.memory_space<vmem>>, vector<16xf32>,
        %parallel_loop3A_134 = tpu.vector_load_idx %arg14[%parallel_loop3A_131] : memref<10240xf32, #tpu.memory_space<vmem>>[vector<16xi32>], vector<16xf32>,
        %parallel_loop3A_135 = tpu.vector_load_idx %arg15[%parallel_loop3A_131] : memref<10240xf32, #tpu.memory_space<vmem>>[vector<16xi32>], vector<16xf32>,
        %parallel_loop3A_136 = arith.subf %parallel_loop3A_133, %parallel_loop3A_134 : vector<16xf32>
        %parallel_loop3A_137 = math.exp %parallel_loop3A_136 : vector<16xf32>
        %parallel_loop3A_138 = arith.mulf %parallel_loop3A_137, %parallel_loop3A_135 : vector<16xf32>
        %parallel_loop3A_139 = arith.constant 5120 : i32
        %parallel_loop3A_140 = vector.broadcast %parallel_loop3A_139 : i32 to vector<16xi32>
        %parallel_loop3A_141 = arith.cmpi sge, %parallel_loop3A_131, %parallel_loop3A_140 : vector<16xi32>
        %parallel_loop3A_142 = arith.constant 10240 : i32
        %parallel_loop3A_143 = vector.broadcast %parallel_loop3A_142 : i32 to vector<16xi32>
        %parallel_loop3A_144 = arith.cmpi slt, %parallel_loop3A_131, %parallel_loop3A_143 : vector<16xi32>
        %parallel_loop3A_145 = arith.andi %parallel_loop3A_141, %parallel_loop3A_144 : vector<16xi1>
        %parallel_loop3A_146 = arith.constant 0.000000e+00 : f32
        %parallel_loop3A_147 = vector.broadcast %parallel_loop3A_146 : f32 to vector<16xf32>
        %parallel_loop3A_148 = arith.select %parallel_loop3A_145, %parallel_loop3A_138, %parallel_loop3A_147 : vector<16xi1>, vector<16xf32>
        %parallel_loop3A_149 = arith.constant 16 : i32
        %parallel_loop3A_150 = arith.muli %parallel_loop3A_126, %parallel_loop3A_149 : i32
        %parallel_loop3A_151 = arith.index_cast %parallel_loop3A_150 : i32 to index
        %parallel_loop3A_152 = tpu.vector_load %arg17[%parallel_loop3A_151] {strides = array<i32>} : memref<80xf32, #tpu.memory_space<vmem>>, vector<16xf32>,
        tpu.vector_store %arg17[%parallel_loop3A_151], %parallel_loop3A_148 {strides = array<i32>} : memref<80xf32, #tpu.memory_space<vmem>>, vector<16xf32>,
      } {sc.loop_unroll_factor = 2 : i64, sc.parallel_access}
      %parallel_loop3A_122 = arith.constant 0 : i32
      %parallel_loop3A_123 = arith.constant 80 : i32
      %parallel_loop3A_124 = arith.constant 1 : i32
      scf.for %parallel_loop3A_126 = %parallel_loop3A_122 to %parallel_loop3A_123 step %parallel_loop3A_124  : i32 {
        %parallel_loop3A_127 = vector.broadcast %parallel_loop3A_126 : i32 to vector<16xi32>
        %parallel_loop3A_128 = tpu.vector_load_idx %arg17[%parallel_loop3A_127] : memref<80xf32, #tpu.memory_space<vmem>>[vector<16xi32>], vector<16xf32>,
        %parallel_loop3A_129 = arith.index_cast %parallel_loop3A_126 : i32 to index
        %parallel_loop3A_130 = arith.constant 0 : index
        %parallel_loop3A_131 = tpu.vector_load %arg16[%parallel_loop3A_129, %parallel_loop3A_130] {strides = array<i32>} : memref<80x128xf32, #tpu.memory_space<vmem>>, vector<16xf32>,
        %parallel_loop3A_132 = arith.mulf %parallel_loop3A_131, %parallel_loop3A_128 : vector<16xf32>
        %parallel_loop3A_133 = arith.index_cast %parallel_loop3A_126 : i32 to index
        %parallel_loop3A_134 = arith.constant 0 : index
        %parallel_loop3A_135 = tpu.vector_load %arg16[%parallel_loop3A_133, %parallel_loop3A_134] {strides = array<i32>} : memref<80x128xf32, #tpu.memory_space<vmem>>, vector<16xf32>,
        tpu.vector_store %arg16[%parallel_loop3A_133, %parallel_loop3A_134], %parallel_loop3A_132 {strides = array<i32>} : memref<80x128xf32, #tpu.memory_space<vmem>>, vector<16xf32>,
        %parallel_loop3A_136 = arith.index_cast %parallel_loop3A_126 : i32 to index
        %parallel_loop3A_137 = arith.constant 16 : index
        %parallel_loop3A_138 = tpu.vector_load %arg16[%parallel_loop3A_136, %parallel_loop3A_137] {strides = array<i32>} : memref<80x128xf32, #tpu.memory_space<vmem>>, vector<16xf32>,
        %parallel_loop3A_139 = arith.mulf %parallel_loop3A_138, %parallel_loop3A_128 : vector<16xf32>
        %parallel_loop3A_140 = arith.index_cast %parallel_loop3A_126 : i32 to index
        %parallel_loop3A_141 = arith.constant 16 : index
        %parallel_loop3A_142 = tpu.vector_load %arg16[%parallel_loop3A_140, %parallel_loop3A_141] {strides = array<i32>} : memref<80x128xf32, #tpu.memory_space<vmem>>, vector<16xf32>,
        tpu.vector_store %arg16[%parallel_loop3A_140, %parallel_loop3A_141], %parallel_loop3A_139 {strides = array<i32>} : memref<80x128xf32, #tpu.memory_space<vmem>>, vector<16xf32>,
        %parallel_loop3A_143 = arith.index_cast %parallel_loop3A_126 : i32 to index
        %parallel_loop3A_144 = arith.constant 32 : index
        %parallel_loop3A_145 = tpu.vector_load %arg16[%parallel_loop3A_143, %parallel_loop3A_144] {strides = array<i32>} : memref<80x128xf32, #tpu.memory_space<vmem>>, vector<16xf32>,
        %parallel_loop3A_146 = arith.mulf %parallel_loop3A_145, %parallel_loop3A_128 : vector<16xf32>
        %parallel_loop3A_147 = arith.index_cast %parallel_loop3A_126 : i32 to index
        %parallel_loop3A_148 = arith.constant 32 : index
        %parallel_loop3A_149 = tpu.vector_load %arg16[%parallel_loop3A_147, %parallel_loop3A_148] {strides = array<i32>} : memref<80x128xf32, #tpu.memory_space<vmem>>, vector<16xf32>,
        tpu.vector_store %arg16[%parallel_loop3A_147, %parallel_loop3A_148], %parallel_loop3A_146 {strides = array<i32>} : memref<80x128xf32, #tpu.memory_space<vmem>>, vector<16xf32>,
        %parallel_loop3A_150 = arith.index_cast %parallel_loop3A_126 : i32 to index
        %parallel_loop3A_151 = arith.constant 48 : index
        %parallel_loop3A_152 = tpu.vector_load %arg16[%parallel_loop3A_150, %parallel_loop3A_151] {strides = array<i32>} : memref<80x128xf32, #tpu.memory_space<vmem>>, vector<16xf32>,
        %parallel_loop3A_153 = arith.mulf %parallel_loop3A_152, %parallel_loop3A_128 : vector<16xf32>
        %parallel_loop3A_154 = arith.index_cast %parallel_loop3A_126 : i32 to index
        %parallel_loop3A_155 = arith.constant 48 : index
        %parallel_loop3A_156 = tpu.vector_load %arg16[%parallel_loop3A_154, %parallel_loop3A_155] {strides = array<i32>} : memref<80x128xf32, #tpu.memory_space<vmem>>, vector<16xf32>,
        tpu.vector_store %arg16[%parallel_loop3A_154, %parallel_loop3A_155], %parallel_loop3A_153 {strides = array<i32>} : memref<80x128xf32, #tpu.memory_space<vmem>>, vector<16xf32>,
        %parallel_loop3A_157 = arith.index_cast %parallel_loop3A_126 : i32 to index
        %parallel_loop3A_158 = arith.constant 64 : index
        %parallel_loop3A_159 = tpu.vector_load %arg16[%parallel_loop3A_157, %parallel_loop3A_158] {strides = array<i32>} : memref<80x128xf32, #tpu.memory_space<vmem>>, vector<16xf32>,
        %parallel_loop3A_160 = arith.mulf %parallel_loop3A_159, %parallel_loop3A_128 : vector<16xf32>
        %parallel_loop3A_161 = arith.index_cast %parallel_loop3A_126 : i32 to index
        %parallel_loop3A_162 = arith.constant 64 : index
        %parallel_loop3A_163 = tpu.vector_load %arg16[%parallel_loop3A_161, %parallel_loop3A_162] {strides = array<i32>} : memref<80x128xf32, #tpu.memory_space<vmem>>, vector<16xf32>,
        tpu.vector_store %arg16[%parallel_loop3A_161, %parallel_loop3A_162], %parallel_loop3A_160 {strides = array<i32>} : memref<80x128xf32, #tpu.memory_space<vmem>>, vector<16xf32>,
        %parallel_loop3A_164 = arith.index_cast %parallel_loop3A_126 : i32 to index
        %parallel_loop3A_165 = arith.constant 80 : index
        %parallel_loop3A_166 = tpu.vector_load %arg16[%parallel_loop3A_164, %parallel_loop3A_165] {strides = array<i32>} : memref<80x128xf32, #tpu.memory_space<vmem>>, vector<16xf32>,
        %parallel_loop3A_167 = arith.mulf %parallel_loop3A_166, %parallel_loop3A_128 : vector<16xf32>
        %parallel_loop3A_168 = arith.index_cast %parallel_loop3A_126 : i32 to index
        %parallel_loop3A_169 = arith.constant 80 : index
        %parallel_loop3A_170 = tpu.vector_load %arg16[%parallel_loop3A_168, %parallel_loop3A_169] {strides = array<i32>} : memref<80x128xf32, #tpu.memory_space<vmem>>, vector<16xf32>,
        tpu.vector_store %arg16[%parallel_loop3A_168, %parallel_loop3A_169], %parallel_loop3A_167 {strides = array<i32>} : memref<80x128xf32, #tpu.memory_space<vmem>>, vector<16xf32>,
        %parallel_loop3A_171 = arith.index_cast %parallel_loop3A_126 : i32 to index
        %parallel_loop3A_172 = arith.constant 96 : index
        %parallel_loop3A_173 = tpu.vector_load %arg16[%parallel_loop3A_171, %parallel_loop3A_172] {strides = array<i32>} : memref<80x128xf32, #tpu.memory_space<vmem>>, vector<16xf32>,
        %parallel_loop3A_174 = arith.mulf %parallel_loop3A_173, %parallel_loop3A_128 : vector<16xf32>
        %parallel_loop3A_175 = arith.index_cast %parallel_loop3A_126 : i32 to index
        %parallel_loop3A_176 = arith.constant 96 : index
        %parallel_loop3A_177 = tpu.vector_load %arg16[%parallel_loop3A_175, %parallel_loop3A_176] {strides = array<i32>} : memref<80x128xf32, #tpu.memory_space<vmem>>, vector<16xf32>,
        tpu.vector_store %arg16[%parallel_loop3A_175, %parallel_loop3A_176], %parallel_loop3A_174 {strides = array<i32>} : memref<80x128xf32, #tpu.memory_space<vmem>>, vector<16xf32>,
        %parallel_loop3A_178 = arith.index_cast %parallel_loop3A_126 : i32 to index
        %parallel_loop3A_179 = arith.constant 112 : index
        %parallel_loop3A_180 = tpu.vector_load %arg16[%parallel_loop3A_178, %parallel_loop3A_179] {strides = array<i32>} : memref<80x128xf32, #tpu.memory_space<vmem>>, vector<16xf32>,
        %parallel_loop3A_181 = arith.mulf %parallel_loop3A_180, %parallel_loop3A_128 : vector<16xf32>
        %parallel_loop3A_182 = arith.index_cast %parallel_loop3A_126 : i32 to index
        %parallel_loop3A_183 = arith.constant 112 : index
        %parallel_loop3A_184 = tpu.vector_load %arg16[%parallel_loop3A_182, %parallel_loop3A_183] {strides = array<i32>} : memref<80x128xf32, #tpu.memory_space<vmem>>, vector<16xf32>,
        tpu.vector_store %arg16[%parallel_loop3A_182, %parallel_loop3A_183], %parallel_loop3A_181 {strides = array<i32>} : memref<80x128xf32, #tpu.memory_space<vmem>>, vector<16xf32>,
      } {sc.loop_unroll_factor = 4 : i64, sc.parallel_access}
      "tpu.region"() ({
        %run_scoped3A_126 = tpu.sem_alloc : memref<!tpu.dma_semaphore, #tpu.memory_space<semaphore_mem>>
        %dma_start3A = arith.constant 0 : i32
        %dma_start3A_127 = tpu.memref_slice %arg11[%scan3A_114, %dma_start3A] : memref<125x80xi32, #tpu.memory_space<vmem>> -> memref<1x80xi32, #tpu.memory_space<vmem>>
        %dma_start3A_128 = tpu.memref_squeeze %dma_start3A_127 : memref<1x80xi32, #tpu.memory_space<vmem>> -> memref<80xi32, #tpu.memory_space<vmem>>
        %dma_start3A_129 = arith.constant 0 : i32
        %dma_start3A_130 = arith.constant 0 : i32
        %dma_start3A_131 = tpu.memref_slice %arg18[%dma_start3A_129, %dma_start3A_130] : memref<5120x128xf32, #tpu.memory_space<vmem_shared>> -> memref<5120x128xf32, #tpu.memory_space<vmem_shared>>
        tpu.enqueue_indirect_dma source(%arg16 : memref<80x128xf32, #tpu.memory_space<vmem>>) target(%dma_start3A_131 : memref<5120x128xf32, #tpu.memory_space<vmem_shared>>) offsets(%dma_start3A_128 : memref<80xi32, #tpu.memory_space<vmem>>) semaphore(%run_scoped3A_126 : memref<!tpu.dma_semaphore, #tpu.memory_space<semaphore_mem>>) {add = true}
        %dma_wait3A = arith.constant 0 : i32
        %dma_wait3A_132 = tpu.memref_slice %arg11[%scan3A_114, %dma_wait3A] : memref<125x80xi32, #tpu.memory_space<vmem>> -> memref<1x80xi32, #tpu.memory_space<vmem>>
        %dma_wait3A_133 = tpu.memref_squeeze %dma_wait3A_132 : memref<1x80xi32, #tpu.memory_space<vmem>> -> memref<80xi32, #tpu.memory_space<vmem>>
        %dma_wait3A_134 = arith.constant 0 : i32
        %dma_wait3A_135 = arith.constant 0 : i32
        %dma_wait3A_136 = tpu.memref_slice %arg18[%dma_wait3A_134, %dma_wait3A_135] : memref<5120x128xf32, #tpu.memory_space<vmem_shared>> -> memref<5120x128xf32, #tpu.memory_space<vmem_shared>>
        tpu.wait_indirect_dma semaphore(%run_scoped3A_126 : memref<!tpu.dma_semaphore, #tpu.memory_space<semaphore_mem>>) src(%arg16 : memref<80x128xf32, #tpu.memory_space<vmem>>) dst(%dma_wait3A_136 : memref<5120x128xf32, #tpu.memory_space<vmem_shared>>)
        tpu.yield
      }) : () -> ()
      %scan3A_125 = arith.constant 0 : i32
      scf.yield %scan3A_125 : i32
    }
    %scan3A_87 = arith.constant 125 : i32
    %barrier3A_88 = arith.constant 0 : index
    tpu.barrier barrier_id(%barrier3A_88)
    %mul3A_89 = arith.constant 320 : i32
    %mul3A_90 = arith.muli %arg1, %mul3A_89 : i32
    %add3A_91 = arith.constant 0 : i32
    %add3A_92 = arith.addi %mul3A_90, %add3A_91 : i32
    %add3A_93 = arith.constant 5120 : i32
    %add3A_94 = arith.addi %add3A_93, %add3A_92 : i32
    "tpu.region"() ({
      %run_scoped3A_114 = tpu.sem_alloc : memref<!tpu.dma_semaphore, #tpu.memory_space<semaphore_mem>>
      %dma_start3A = arith.constant 0 : i32
      %dma_start3A_115 = tpu.memref_slice %arg9[%arg0, %add3A_94, %dma_start3A] : memref<2x10240x128xf32, #tpu.memory_space<hbm>> -> memref<1x80x128xf32, #tpu.memory_space<hbm>>
      %dma_start3A_116 = tpu.memref_squeeze %dma_start3A_115 : memref<1x80x128xf32, #tpu.memory_space<hbm>> -> memref<80x128xf32, #tpu.memory_space<hbm>>
      %dma_start3A_117 = arith.constant 0 : i32
      %dma_start3A_118 = tpu.memref_slice %arg18[%add3A_92, %dma_start3A_117] : memref<5120x128xf32, #tpu.memory_space<vmem_shared>> -> memref<80x128xf32, #tpu.memory_space<vmem_shared>>
      tpu.enqueue_dma source(%dma_start3A_118 : memref<80x128xf32, #tpu.memory_space<vmem_shared>>) target(%dma_start3A_116 : memref<80x128xf32, #tpu.memory_space<hbm>>) target_semaphore(%run_scoped3A_114 : memref<!tpu.dma_semaphore, #tpu.memory_space<semaphore_mem>>)
      %dma_wait3A = arith.constant 0 : i32
      %dma_wait3A_119 = tpu.memref_slice %arg9[%arg0, %add3A_94, %dma_wait3A] : memref<2x10240x128xf32, #tpu.memory_space<hbm>> -> memref<1x80x128xf32, #tpu.memory_space<hbm>>
      %dma_wait3A_120 = tpu.memref_squeeze %dma_wait3A_119 : memref<1x80x128xf32, #tpu.memory_space<hbm>> -> memref<80x128xf32, #tpu.memory_space<hbm>>
      %dma_wait3A_121 = arith.constant 0 : i32
      %dma_wait3A_122 = tpu.memref_slice %arg18[%add3A_92, %dma_wait3A_121] : memref<5120x128xf32, #tpu.memory_space<vmem_shared>> -> memref<80x128xf32, #tpu.memory_space<vmem_shared>>
      tpu.wait_dma2 semaphore(%run_scoped3A_114 : memref<!tpu.dma_semaphore, #tpu.memory_space<semaphore_mem>>) src(%dma_wait3A_122 : memref<80x128xf32, #tpu.memory_space<vmem_shared>>) dst(%dma_wait3A_120 : memref<80x128xf32, #tpu.memory_space<hbm>>)
      tpu.yield
    }) : () -> ()
    %mul3A_95 = arith.constant 320 : i32
    %mul3A_96 = arith.muli %arg1, %mul3A_95 : i32
    %add3A_97 = arith.constant 80 : i32
    %add3A_98 = arith.addi %mul3A_96, %add3A_97 : i32
    %add3A_99 = arith.constant 5120 : i32
    %add3A_100 = arith.addi %add3A_99, %add3A_98 : i32
    "tpu.region"() ({
      %run_scoped3A_114 = tpu.sem_alloc : memref<!tpu.dma_semaphore, #tpu.memory_space<semaphore_mem>>
      %dma_start3A = arith.constant 0 : i32
      %dma_start3A_115 = tpu.memref_slice %arg9[%arg0, %add3A_100, %dma_start3A] : memref<2x10240x128xf32, #tpu.memory_space<hbm>> -> memref<1x80x128xf32, #tpu.memory_space<hbm>>
      %dma_start3A_116 = tpu.memref_squeeze %dma_start3A_115 : memref<1x80x128xf32, #tpu.memory_space<hbm>> -> memref<80x128xf32, #tpu.memory_space<hbm>>
      %dma_start3A_117 = arith.constant 0 : i32
      %dma_start3A_118 = tpu.memref_slice %arg18[%add3A_98, %dma_start3A_117] : memref<5120x128xf32, #tpu.memory_space<vmem_shared>> -> memref<80x128xf32, #tpu.memory_space<vmem_shared>>
      tpu.enqueue_dma source(%dma_start3A_118 : memref<80x128xf32, #tpu.memory_space<vmem_shared>>) target(%dma_start3A_116 : memref<80x128xf32, #tpu.memory_space<hbm>>) target_semaphore(%run_scoped3A_114 : memref<!tpu.dma_semaphore, #tpu.memory_space<semaphore_mem>>)
      %dma_wait3A = arith.constant 0 : i32
      %dma_wait3A_119 = tpu.memref_slice %arg9[%arg0, %add3A_100, %dma_wait3A] : memref<2x10240x128xf32, #tpu.memory_space<hbm>> -> memref<1x80x128xf32, #tpu.memory_space<hbm>>
      %dma_wait3A_120 = tpu.memref_squeeze %dma_wait3A_119 : memref<1x80x128xf32, #tpu.memory_space<hbm>> -> memref<80x128xf32, #tpu.memory_space<hbm>>
      %dma_wait3A_121 = arith.constant 0 : i32
      %dma_wait3A_122 = tpu.memref_slice %arg18[%add3A_98, %dma_wait3A_121] : memref<5120x128xf32, #tpu.memory_space<vmem_shared>> -> memref<80x128xf32, #tpu.memory_space<vmem_shared>>
      tpu.wait_dma2 semaphore(%run_scoped3A_114 : memref<!tpu.dma_semaphore, #tpu.memory_space<semaphore_mem>>) src(%dma_wait3A_122 : memref<80x128xf32, #tpu.memory_space<vmem_shared>>) dst(%dma_wait3A_120 : memref<80x128xf32, #tpu.memory_space<hbm>>)
      tpu.yield
    }) : () -> ()
    %mul3A_101 = arith.constant 320 : i32
    %mul3A_102 = arith.muli %arg1, %mul3A_101 : i32
    %add3A_103 = arith.constant 160 : i32
    %add3A_104 = arith.addi %mul3A_102, %add3A_103 : i32
    %add3A_105 = arith.constant 5120 : i32
    %add3A_106 = arith.addi %add3A_105, %add3A_104 : i32
    "tpu.region"() ({
      %run_scoped3A_114 = tpu.sem_alloc : memref<!tpu.dma_semaphore, #tpu.memory_space<semaphore_mem>>
      %dma_start3A = arith.constant 0 : i32
      %dma_start3A_115 = tpu.memref_slice %arg9[%arg0, %add3A_106, %dma_start3A] : memref<2x10240x128xf32, #tpu.memory_space<hbm>> -> memref<1x80x128xf32, #tpu.memory_space<hbm>>
      %dma_start3A_116 = tpu.memref_squeeze %dma_start3A_115 : memref<1x80x128xf32, #tpu.memory_space<hbm>> -> memref<80x128xf32, #tpu.memory_space<hbm>>
      %dma_start3A_117 = arith.constant 0 : i32
      %dma_start3A_118 = tpu.memref_slice %arg18[%add3A_104, %dma_start3A_117] : memref<5120x128xf32, #tpu.memory_space<vmem_shared>> -> memref<80x128xf32, #tpu.memory_space<vmem_shared>>
      tpu.enqueue_dma source(%dma_start3A_118 : memref<80x128xf32, #tpu.memory_space<vmem_shared>>) target(%dma_start3A_116 : memref<80x128xf32, #tpu.memory_space<hbm>>) target_semaphore(%run_scoped3A_114 : memref<!tpu.dma_semaphore, #tpu.memory_space<semaphore_mem>>)
      %dma_wait3A = arith.constant 0 : i32
      %dma_wait3A_119 = tpu.memref_slice %arg9[%arg0, %add3A_106, %dma_wait3A] : memref<2x10240x128xf32, #tpu.memory_space<hbm>> -> memref<1x80x128xf32, #tpu.memory_space<hbm>>
      %dma_wait3A_120 = tpu.memref_squeeze %dma_wait3A_119 : memref<1x80x128xf32, #tpu.memory_space<hbm>> -> memref<80x128xf32, #tpu.memory_space<hbm>>
      %dma_wait3A_121 = arith.constant 0 : i32
      %dma_wait3A_122 = tpu.memref_slice %arg18[%add3A_104, %dma_wait3A_121] : memref<5120x128xf32, #tpu.memory_space<vmem_shared>> -> memref<80x128xf32, #tpu.memory_space<vmem_shared>>
      tpu.wait_dma2 semaphore(%run_scoped3A_114 : memref<!tpu.dma_semaphore, #tpu.memory_space<semaphore_mem>>) src(%dma_wait3A_122 : memref<80x128xf32, #tpu.memory_space<vmem_shared>>) dst(%dma_wait3A_120 : memref<80x128xf32, #tpu.memory_space<hbm>>)
      tpu.yield
    }) : () -> ()
    %mul3A_107 = arith.constant 320 : i32
    %mul3A_108 = arith.muli %arg1, %mul3A_107 : i32
    %add3A_109 = arith.constant 240 : i32
    %add3A_110 = arith.addi %mul3A_108, %add3A_109 : i32
    %add3A_111 = arith.constant 5120 : i32
    %add3A_112 = arith.addi %add3A_111, %add3A_110 : i32
    "tpu.region"() ({
      %run_scoped3A_114 = tpu.sem_alloc : memref<!tpu.dma_semaphore, #tpu.memory_space<semaphore_mem>>
      %dma_start3A = arith.constant 0 : i32
      %dma_start3A_115 = tpu.memref_slice %arg9[%arg0, %add3A_112, %dma_start3A] : memref<2x10240x128xf32, #tpu.memory_space<hbm>> -> memref<1x80x128xf32, #tpu.memory_space<hbm>>
      %dma_start3A_116 = tpu.memref_squeeze %dma_start3A_115 : memref<1x80x128xf32, #tpu.memory_space<hbm>> -> memref<80x128xf32, #tpu.memory_space<hbm>>
      %dma_start3A_117 = arith.constant 0 : i32
      %dma_start3A_118 = tpu.memref_slice %arg18[%add3A_110, %dma_start3A_117] : memref<5120x128xf32, #tpu.memory_space<vmem_shared>> -> memref<80x128xf32, #tpu.memory_space<vmem_shared>>
      tpu.enqueue_dma source(%dma_start3A_118 : memref<80x128xf32, #tpu.memory_space<vmem_shared>>) target(%dma_start3A_116 : memref<80x128xf32, #tpu.memory_space<hbm>>) target_semaphore(%run_scoped3A_114 : memref<!tpu.dma_semaphore, #tpu.memory_space<semaphore_mem>>)
      %dma_wait3A = arith.constant 0 : i32
      %dma_wait3A_119 = tpu.memref_slice %arg9[%arg0, %add3A_112, %dma_wait3A] : memref<2x10240x128xf32, #tpu.memory_space<hbm>> -> memref<1x80x128xf32, #tpu.memory_space<hbm>>
      %dma_wait3A_120 = tpu.memref_squeeze %dma_wait3A_119 : memref<1x80x128xf32, #tpu.memory_space<hbm>> -> memref<80x128xf32, #tpu.memory_space<hbm>>
      %dma_wait3A_121 = arith.constant 0 : i32
      %dma_wait3A_122 = tpu.memref_slice %arg18[%add3A_110, %dma_wait3A_121] : memref<5120x128xf32, #tpu.memory_space<vmem_shared>> -> memref<80x128xf32, #tpu.memory_space<vmem_shared>>
      tpu.wait_dma2 semaphore(%run_scoped3A_114 : memref<!tpu.dma_semaphore, #tpu.memory_space<semaphore_mem>>) src(%dma_wait3A_122 : memref<80x128xf32, #tpu.memory_space<vmem_shared>>) dst(%dma_wait3A_120 : memref<80x128xf32, #tpu.memory_space<hbm>>)
      tpu.yield
    }) : () -> ()
    %barrier3A_113 = arith.constant 0 : index
    tpu.barrier barrier_id(%barrier3A_113)
    return
  }
}

#map = affine_map<(d0, d1) -> (0)>
#map1 = affine_map<(d0, d1) -> (0, 0)>
module attributes {stable_mosaic.version = 14 : i64} {
  func.func @_sc_stats(%arg0: i32, %arg1: i32, %arg2: memref<163840xf32, #tpu.memory_space<hbm>>, %arg3: memref<32x10000xi32, #tpu.memory_space<hbm>>, %arg4: memref<32x10000xi32, #tpu.memory_space<hbm>>, %arg5: memref<32x10240xf32, #tpu.memory_space<hbm>>, %arg6: memref<32x10240xf32, #tpu.memory_space<hbm>>, %arg7: memref<32x10000xf32, #tpu.memory_space<hbm>>, %arg8: memref<10000xi32, #tpu.memory_space<vmem>>, %arg9: memref<10000xi32, #tpu.memory_space<vmem>>, %arg10: memref<10000xf32, #tpu.memory_space<vmem>>, %arg11: memref<10240xf32, #tpu.memory_space<vmem>>, %arg12: memref<10240xf32, #tpu.memory_space<vmem>>, %arg13: memref<80xf32, #tpu.memory_space<vmem>>, %arg14: memref<80xf32, #tpu.memory_space<vmem>>, %arg15: memref<80xf32, #tpu.memory_space<vmem>>, %arg16: memref<80xf32, #tpu.memory_space<vmem>>, %arg17: memref<!tpu.dma_semaphore, #tpu.memory_space<semaphore_mem>>, %arg18: memref<!tpu.dma_semaphore, #tpu.memory_space<semaphore_mem>>) attributes {dimension_semantics = [#tpu.dimension_semantics<core_parallel>, #tpu.dimension_semantics<subcore_parallel>], iteration_bounds = array<i64: 2, 16>, scalar_prefetch = 0 : i64, scratch_operands = 11 : i64, tpu.core_type = #tpu.core_type<sc_vector_subcore>, window_params = [{transform_indices = #map}, {transform_indices = #map1}, {transform_indices = #map1}, {transform_indices = #map1}, {transform_indices = #map1}, {transform_indices = #map1}]} {
    %mul3A = arith.constant 2 : i32
    %mul3A_0 = arith.muli %arg1, %mul3A : i32
    %add3A = arith.addi %mul3A_0, %arg0 : i32
    "tpu.region"() ({
      %run_scoped3A = tpu.sem_alloc : memref<!tpu.dma_semaphore, #tpu.memory_space<semaphore_mem>>
      %dma_start3A_42 = arith.constant 0 : i32
      %dma_start3A_43 = tpu.memref_slice %arg3[%add3A, %dma_start3A_42] : memref<32x10000xi32, #tpu.memory_space<hbm>> -> memref<1x10000xi32, #tpu.memory_space<hbm>>
      %dma_start3A_44 = tpu.memref_squeeze %dma_start3A_43 : memref<1x10000xi32, #tpu.memory_space<hbm>> -> memref<10000xi32, #tpu.memory_space<hbm>>
      %dma_start3A_45 = arith.constant 0 : i32
      %dma_start3A_46 = tpu.memref_slice %arg3[%add3A, %dma_start3A_45] : memref<32x10000xi32, #tpu.memory_space<hbm>> -> memref<1x10000xi32, #tpu.memory_space<hbm>>
      %dma_start3A_47 = tpu.memref_squeeze %dma_start3A_46 : memref<1x10000xi32, #tpu.memory_space<hbm>> -> memref<10000xi32, #tpu.memory_space<hbm>>
      tpu.enqueue_dma source(%dma_start3A_47 : memref<10000xi32, #tpu.memory_space<hbm>>) target(%arg8 : memref<10000xi32, #tpu.memory_space<vmem>>) target_semaphore(%run_scoped3A : memref<!tpu.dma_semaphore, #tpu.memory_space<semaphore_mem>>)
      %dma_wait3A_48 = arith.constant 0 : i32
      %dma_wait3A_49 = tpu.memref_slice %arg3[%add3A, %dma_wait3A_48] : memref<32x10000xi32, #tpu.memory_space<hbm>> -> memref<1x10000xi32, #tpu.memory_space<hbm>>
      %dma_wait3A_50 = tpu.memref_squeeze %dma_wait3A_49 : memref<1x10000xi32, #tpu.memory_space<hbm>> -> memref<10000xi32, #tpu.memory_space<hbm>>
      %dma_wait3A_51 = arith.constant 0 : i32
      %dma_wait3A_52 = tpu.memref_slice %arg3[%add3A, %dma_wait3A_51] : memref<32x10000xi32, #tpu.memory_space<hbm>> -> memref<1x10000xi32, #tpu.memory_space<hbm>>
      %dma_wait3A_53 = tpu.memref_squeeze %dma_wait3A_52 : memref<1x10000xi32, #tpu.memory_space<hbm>> -> memref<10000xi32, #tpu.memory_space<hbm>>
      tpu.wait_dma2 semaphore(%run_scoped3A : memref<!tpu.dma_semaphore, #tpu.memory_space<semaphore_mem>>) src(%dma_wait3A_53 : memref<10000xi32, #tpu.memory_space<hbm>>) dst(%arg8 : memref<10000xi32, #tpu.memory_space<vmem>>)
      tpu.yield
    }) : () -> ()
    "tpu.region"() ({
      %run_scoped3A = tpu.sem_alloc : memref<!tpu.dma_semaphore, #tpu.memory_space<semaphore_mem>>
      %dma_start3A_42 = arith.constant 0 : i32
      %dma_start3A_43 = tpu.memref_slice %arg4[%add3A, %dma_start3A_42] : memref<32x10000xi32, #tpu.memory_space<hbm>> -> memref<1x10000xi32, #tpu.memory_space<hbm>>
      %dma_start3A_44 = tpu.memref_squeeze %dma_start3A_43 : memref<1x10000xi32, #tpu.memory_space<hbm>> -> memref<10000xi32, #tpu.memory_space<hbm>>
      %dma_start3A_45 = arith.constant 0 : i32
      %dma_start3A_46 = tpu.memref_slice %arg4[%add3A, %dma_start3A_45] : memref<32x10000xi32, #tpu.memory_space<hbm>> -> memref<1x10000xi32, #tpu.memory_space<hbm>>
      %dma_start3A_47 = tpu.memref_squeeze %dma_start3A_46 : memref<1x10000xi32, #tpu.memory_space<hbm>> -> memref<10000xi32, #tpu.memory_space<hbm>>
      tpu.enqueue_dma source(%dma_start3A_47 : memref<10000xi32, #tpu.memory_space<hbm>>) target(%arg9 : memref<10000xi32, #tpu.memory_space<vmem>>) target_semaphore(%run_scoped3A : memref<!tpu.dma_semaphore, #tpu.memory_space<semaphore_mem>>)
      %dma_wait3A_48 = arith.constant 0 : i32
      %dma_wait3A_49 = tpu.memref_slice %arg4[%add3A, %dma_wait3A_48] : memref<32x10000xi32, #tpu.memory_space<hbm>> -> memref<1x10000xi32, #tpu.memory_space<hbm>>
      %dma_wait3A_50 = tpu.memref_squeeze %dma_wait3A_49 : memref<1x10000xi32, #tpu.memory_space<hbm>> -> memref<10000xi32, #tpu.memory_space<hbm>>
      %dma_wait3A_51 = arith.constant 0 : i32
      %dma_wait3A_52 = tpu.memref_slice %arg4[%add3A, %dma_wait3A_51] : memref<32x10000xi32, #tpu.memory_space<hbm>> -> memref<1x10000xi32, #tpu.memory_space<hbm>>
      %dma_wait3A_53 = tpu.memref_squeeze %dma_wait3A_52 : memref<1x10000xi32, #tpu.memory_space<hbm>> -> memref<10000xi32, #tpu.memory_space<hbm>>
      tpu.wait_dma2 semaphore(%run_scoped3A : memref<!tpu.dma_semaphore, #tpu.memory_space<semaphore_mem>>) src(%dma_wait3A_53 : memref<10000xi32, #tpu.memory_space<hbm>>) dst(%arg9 : memref<10000xi32, #tpu.memory_space<vmem>>)
      tpu.yield
    }) : () -> ()
    %scan3A = arith.constant 0 : i32
    %scan3A_1 = arith.constant 0 : i32
    %scan3A_2 = arith.constant 640 : i32
    %scan3A_3 = arith.addi %scan3A_1, %scan3A_2 : i32
    %scan3A_4 = arith.constant 1 : i32
    %scan3A_5 = scf.for %scan3A_42 = %scan3A_1 to %scan3A_3 step %scan3A_4 iter_args(%scan3A_43 = %scan3A) -> (i32)  : i32 {
      %broadcast_in_dim3A = arith.constant -3.000000e+38 : f32
      %broadcast_in_dim3A_44 = vector.broadcast %broadcast_in_dim3A : f32 to vector<16xf32>
      %mul3A_45 = arith.constant 16 : i32
      %mul3A_46 = arith.muli %scan3A_42, %mul3A_45 : i32
      %swap3A = arith.index_cast %mul3A_46 : i32 to index
      %swap3A_47 = tpu.vector_load %arg11[%swap3A] {strides = array<i32>} : memref<10240xf32, #tpu.memory_space<vmem>>, vector<16xf32>,
      tpu.vector_store %arg11[%swap3A], %broadcast_in_dim3A_44 {strides = array<i32>} : memref<10240xf32, #tpu.memory_space<vmem>>, vector<16xf32>,
      %broadcast_in_dim3A_48 = arith.constant 0.000000e+00 : f32
      %broadcast_in_dim3A_49 = vector.broadcast %broadcast_in_dim3A_48 : f32 to vector<16xf32>
      %mul3A_50 = arith.constant 16 : i32
      %mul3A_51 = arith.muli %scan3A_42, %mul3A_50 : i32
      %swap3A_52 = arith.index_cast %mul3A_51 : i32 to index
      %swap3A_53 = tpu.vector_load %arg12[%swap3A_52] {strides = array<i32>} : memref<10240xf32, #tpu.memory_space<vmem>>, vector<16xf32>,
      tpu.vector_store %arg12[%swap3A_52], %broadcast_in_dim3A_49 {strides = array<i32>} : memref<10240xf32, #tpu.memory_space<vmem>>, vector<16xf32>,
      %scan3A_54 = arith.constant 0 : i32
      scf.yield %scan3A_54 : i32
    }
    %scan3A_6 = arith.constant 640 : i32
    %dma_start3A = arith.constant 0 : i32
    %dma_start3A_7 = tpu.memref_slice %arg8[%dma_start3A] : memref<10000xi32, #tpu.memory_space<vmem>> -> memref<80xi32, #tpu.memory_space<vmem>>
    %dma_start3A_8 = arith.constant 0 : i32
    %dma_start3A_9 = tpu.memref_slice %arg2[%dma_start3A_8] : memref<163840xf32, #tpu.memory_space<hbm>> -> memref<163840xf32, #tpu.memory_space<hbm>>
    tpu.enqueue_indirect_dma source(%dma_start3A_9 : memref<163840xf32, #tpu.memory_space<hbm>>) target(%arg13 : memref<80xf32, #tpu.memory_space<vmem>>) offsets(%dma_start3A_7 : memref<80xi32, #tpu.memory_space<vmem>>) semaphore(%arg17 : memref<!tpu.dma_semaphore, #tpu.memory_space<semaphore_mem>>)
    %dma_start3A_10 = arith.constant 0 : i32
    %dma_start3A_11 = tpu.memref_slice %arg9[%dma_start3A_10] : memref<10000xi32, #tpu.memory_space<vmem>> -> memref<80xi32, #tpu.memory_space<vmem>>
    %dma_start3A_12 = arith.constant 0 : i32
    %dma_start3A_13 = tpu.memref_slice %arg2[%dma_start3A_12] : memref<163840xf32, #tpu.memory_space<hbm>> -> memref<163840xf32, #tpu.memory_space<hbm>>
    tpu.enqueue_indirect_dma source(%dma_start3A_13 : memref<163840xf32, #tpu.memory_space<hbm>>) target(%arg14 : memref<80xf32, #tpu.memory_space<vmem>>) offsets(%dma_start3A_11 : memref<80xi32, #tpu.memory_space<vmem>>) semaphore(%arg17 : memref<!tpu.dma_semaphore, #tpu.memory_space<semaphore_mem>>)
    %scan3A_14 = arith.constant 0 : i32
    %scan3A_15 = arith.constant 0 : i32
    %scan3A_16 = arith.constant 62 : i32
    %scan3A_17 = arith.addi %scan3A_15, %scan3A_16 : i32
    %scan3A_18 = arith.constant 1 : i32
    %scan3A_19 = scf.for %scan3A_42 = %scan3A_15 to %scan3A_17 step %scan3A_18 iter_args(%scan3A_43 = %scan3A_14) -> (i32)  : i32 {
      %mul3A_44 = arith.constant 2 : i32
      %mul3A_45 = arith.muli %scan3A_42, %mul3A_44 : i32
      %add3A_46 = arith.constant 1 : i32
      %add3A_47 = arith.addi %mul3A_45, %add3A_46 : i32
      %mul3A_48 = arith.constant 80 : i32
      %mul3A_49 = arith.muli %add3A_47, %mul3A_48 : i32
      %dma_start3A_50 = tpu.memref_slice %arg8[%mul3A_49] : memref<10000xi32, #tpu.memory_space<vmem>> -> memref<80xi32, #tpu.memory_space<vmem>>
      %dma_start3A_51 = arith.constant 0 : i32
      %dma_start3A_52 = tpu.memref_slice %arg2[%dma_start3A_51] : memref<163840xf32, #tpu.memory_space<hbm>> -> memref<163840xf32, #tpu.memory_space<hbm>>
      tpu.enqueue_indirect_dma source(%dma_start3A_52 : memref<163840xf32, #tpu.memory_space<hbm>>) target(%arg15 : memref<80xf32, #tpu.memory_space<vmem>>) offsets(%dma_start3A_50 : memref<80xi32, #tpu.memory_space<vmem>>) semaphore(%arg18 : memref<!tpu.dma_semaphore, #tpu.memory_space<semaphore_mem>>)
      %mul3A_53 = arith.constant 80 : i32
      %mul3A_54 = arith.muli %add3A_47, %mul3A_53 : i32
      %dma_start3A_55 = tpu.memref_slice %arg9[%mul3A_54] : memref<10000xi32, #tpu.memory_space<vmem>> -> memref<80xi32, #tpu.memory_space<vmem>>
      %dma_start3A_56 = arith.constant 0 : i32
      %dma_start3A_57 = tpu.memref_slice %arg2[%dma_start3A_56] : memref<163840xf32, #tpu.memory_space<hbm>> -> memref<163840xf32, #tpu.memory_space<hbm>>
      tpu.enqueue_indirect_dma source(%dma_start3A_57 : memref<163840xf32, #tpu.memory_space<hbm>>) target(%arg16 : memref<80xf32, #tpu.memory_space<vmem>>) offsets(%dma_start3A_55 : memref<80xi32, #tpu.memory_space<vmem>>) semaphore(%arg18 : memref<!tpu.dma_semaphore, #tpu.memory_space<semaphore_mem>>)
      %dma_wait3A_58 = arith.constant 0 : i32
      %dma_wait3A_59 = tpu.memref_slice %arg2[%dma_wait3A_58] : memref<163840xf32, #tpu.memory_space<hbm>> -> memref<80xf32, #tpu.memory_space<hbm>>
      %dma_wait3A_60 = arith.constant 0 : i32
      %dma_wait3A_61 = tpu.memref_slice %arg2[%dma_wait3A_60] : memref<163840xf32, #tpu.memory_space<hbm>> -> memref<80xf32, #tpu.memory_space<hbm>>
      tpu.wait_dma2 semaphore(%arg17 : memref<!tpu.dma_semaphore, #tpu.memory_space<semaphore_mem>>) src(%dma_wait3A_61 : memref<80xf32, #tpu.memory_space<hbm>>) dst(%arg13 : memref<80xf32, #tpu.memory_space<vmem>>)
      %dma_wait3A_62 = arith.constant 0 : i32
      %dma_wait3A_63 = tpu.memref_slice %arg2[%dma_wait3A_62] : memref<163840xf32, #tpu.memory_space<hbm>> -> memref<80xf32, #tpu.memory_space<hbm>>
      %dma_wait3A_64 = arith.constant 0 : i32
      %dma_wait3A_65 = tpu.memref_slice %arg2[%dma_wait3A_64] : memref<163840xf32, #tpu.memory_space<hbm>> -> memref<80xf32, #tpu.memory_space<hbm>>
      tpu.wait_dma2 semaphore(%arg17 : memref<!tpu.dma_semaphore, #tpu.memory_space<semaphore_mem>>) src(%dma_wait3A_65 : memref<80xf32, #tpu.memory_space<hbm>>) dst(%arg14 : memref<80xf32, #tpu.memory_space<vmem>>)
      %mul3A_66 = arith.constant 80 : i32
      %mul3A_67 = arith.muli %mul3A_45, %mul3A_66 : i32
      %scan3A_68 = arith.constant 0 : i32
      %scan3A_69 = arith.constant 0 : i32
      %scan3A_70 = arith.constant 5 : i32
      %scan3A_71 = arith.addi %scan3A_69, %scan3A_70 : i32
      %scan3A_72 = arith.constant 1 : i32
      %scan3A_73 = scf.for %scan3A_107 = %scan3A_69 to %scan3A_71 step %scan3A_72 iter_args(%scan3A_108 = %scan3A_68) -> (i32)  : i32 {
        %mul3A_109 = arith.constant 16 : i32
        %mul3A_110 = arith.muli %scan3A_107, %mul3A_109 : i32
        %get3A = arith.index_cast %mul3A_110 : i32 to index
        %get3A_111 = tpu.vector_load %arg13[%get3A] {strides = array<i32>} : memref<80xf32, #tpu.memory_space<vmem>>, vector<16xf32>,
        %get3A_112 = arith.index_cast %mul3A_110 : i32 to index
        %get3A_113 = tpu.vector_load %arg14[%get3A_112] {strides = array<i32>} : memref<80xf32, #tpu.memory_space<vmem>>, vector<16xf32>,
        %mul3A_114 = arith.mulf %get3A_111, %get3A_113 : vector<16xf32>
        %add3A_115 = arith.addi %mul3A_67, %mul3A_110 : i32
        %swap3A = arith.index_cast %add3A_115 : i32 to index
        %swap3A_116 = tpu.vector_load %arg10[%swap3A] {strides = array<i32>} : memref<10000xf32, #tpu.memory_space<vmem>>, vector<16xf32>,
        tpu.vector_store %arg10[%swap3A], %mul3A_114 {strides = array<i32>} : memref<10000xf32, #tpu.memory_space<vmem>>, vector<16xf32>,
        %add3A_117 = arith.addi %mul3A_67, %mul3A_110 : i32
        %get3A_118 = arith.index_cast %add3A_117 : i32 to index
        %get3A_119 = tpu.vector_load %arg8[%get3A_118] {strides = array<i32>} : memref<10000xi32, #tpu.memory_space<vmem>>, vector<16xi32>,
        %shift_right_logical3A = arith.constant 4 : i32
        %shift_right_logical3A_120 = vector.broadcast %shift_right_logical3A : i32 to vector<16xi32>
        %shift_right_logical3A_121 = arith.shrui %get3A_119, %shift_right_logical3A_120 : vector<16xi32>
        %iota3A = tpu.iota {dimensions = array<i32: 0>} : vector<16xi32>
        %masked_sort3A = arith.constant dense<true> : vector<16xi1>
        %masked_sort3A_122 = arith.constant -2147483648 : i32
        %masked_sort3A_123 = vector.broadcast %masked_sort3A_122 : i32 to vector<16xi32>
        %masked_sort3A_124 = arith.xori %shift_right_logical3A_121, %masked_sort3A_123 : vector<16xi32>
        %masked_sort3A_125, %masked_sort3A_126, %masked_sort3A_127 = tpu.sort %masked_sort3A_124, %iota3A masked %masked_sort3A : (vector<16xi32>, vector<16xi32>, vector<16xi1>) -> (vector<16xi1>, vector<16xi32>, vector<16xi32>)
        %masked_sort3A_128 = arith.xori %masked_sort3A_126, %masked_sort3A_123 : vector<16xi32>
        %reshape3A = vector.shape_cast %masked_sort3A_127 : vector<16xi32> to vector<16x1xi32>
        %gather3A = vector.shape_cast %reshape3A : vector<16x1xi32> to vector<16xi32>
        %gather3A_129 = tpu.dynamic_gather %mul3A_114[%gather3A] in [0] : vector<16xf32>, vector<16xi32> -> vector<16xf32>
        %sub3A = arith.constant 1 : i32
        %sub3A_130 = vector.broadcast %sub3A : i32 to vector<16xi32>
        %sub3A_131 = arith.subi %iota3A, %sub3A_130 : vector<16xi32>
        %max3A = arith.constant 0 : i32
        %max3A_132 = vector.broadcast %max3A : i32 to vector<16xi32>
        %max3A_133 = arith.maxsi %sub3A_131, %max3A_132 : vector<16xi32>
        %reshape3A_134 = vector.shape_cast %max3A_133 : vector<16xi32> to vector<16x1xi32>
        %gather3A_135 = vector.shape_cast %reshape3A_134 : vector<16x1xi32> to vector<16xi32>
        %gather3A_136 = tpu.dynamic_gather %masked_sort3A_128[%gather3A_135] in [0] : vector<16xi32>, vector<16xi32> -> vector<16xi32>
        %eq3A = arith.cmpi eq, %gather3A_136, %masked_sort3A_128 : vector<16xi32>
        %ge3A = arith.constant 1 : i32
        %ge3A_137 = vector.broadcast %ge3A : i32 to vector<16xi32>
        %ge3A_138 = arith.cmpi sge, %iota3A, %ge3A_137 : vector<16xi32>
        %and3A = arith.andi %eq3A, %ge3A_138 : vector<16xi1>
        %reshape3A_139 = vector.shape_cast %max3A_133 : vector<16xi32> to vector<16x1xi32>
        %gather3A_140 = vector.shape_cast %reshape3A_139 : vector<16x1xi32> to vector<16xi32>
        %gather3A_141 = tpu.dynamic_gather %gather3A_129[%gather3A_140] in [0] : vector<16xf32>, vector<16xi32> -> vector<16xf32>
        %max3A_142 = arith.maximumf %gather3A_129, %gather3A_141 : vector<16xf32>
        %select_n3A = arith.select %and3A, %max3A_142, %gather3A_129 : vector<16xi1>, vector<16xf32>
        %sub3A_143 = arith.constant 2 : i32
        %sub3A_144 = vector.broadcast %sub3A_143 : i32 to vector<16xi32>
        %sub3A_145 = arith.subi %iota3A, %sub3A_144 : vector<16xi32>
        %max3A_146 = arith.constant 0 : i32
        %max3A_147 = vector.broadcast %max3A_146 : i32 to vector<16xi32>
        %max3A_148 = arith.maxsi %sub3A_145, %max3A_147 : vector<16xi32>
        %reshape3A_149 = vector.shape_cast %max3A_148 : vector<16xi32> to vector<16x1xi32>
        %gather3A_150 = vector.shape_cast %reshape3A_149 : vector<16x1xi32> to vector<16xi32>
        %gather3A_151 = tpu.dynamic_gather %masked_sort3A_128[%gather3A_150] in [0] : vector<16xi32>, vector<16xi32> -> vector<16xi32>
        %eq3A_152 = arith.cmpi eq, %gather3A_151, %masked_sort3A_128 : vector<16xi32>
        %ge3A_153 = arith.constant 2 : i32
        %ge3A_154 = vector.broadcast %ge3A_153 : i32 to vector<16xi32>
        %ge3A_155 = arith.cmpi sge, %iota3A, %ge3A_154 : vector<16xi32>
        %and3A_156 = arith.andi %eq3A_152, %ge3A_155 : vector<16xi1>
        %reshape3A_157 = vector.shape_cast %max3A_148 : vector<16xi32> to vector<16x1xi32>
        %gather3A_158 = vector.shape_cast %reshape3A_157 : vector<16x1xi32> to vector<16xi32>
        %gather3A_159 = tpu.dynamic_gather %select_n3A[%gather3A_158] in [0] : vector<16xf32>, vector<16xi32> -> vector<16xf32>
        %max3A_160 = arith.maximumf %select_n3A, %gather3A_159 : vector<16xf32>
        %select_n3A_161 = arith.select %and3A_156, %max3A_160, %select_n3A : vector<16xi1>, vector<16xf32>
        %sub3A_162 = arith.constant 4 : i32
        %sub3A_163 = vector.broadcast %sub3A_162 : i32 to vector<16xi32>
        %sub3A_164 = arith.subi %iota3A, %sub3A_163 : vector<16xi32>
        %max3A_165 = arith.constant 0 : i32
        %max3A_166 = vector.broadcast %max3A_165 : i32 to vector<16xi32>
        %max3A_167 = arith.maxsi %sub3A_164, %max3A_166 : vector<16xi32>
        %reshape3A_168 = vector.shape_cast %max3A_167 : vector<16xi32> to vector<16x1xi32>
        %gather3A_169 = vector.shape_cast %reshape3A_168 : vector<16x1xi32> to vector<16xi32>
        %gather3A_170 = tpu.dynamic_gather %masked_sort3A_128[%gather3A_169] in [0] : vector<16xi32>, vector<16xi32> -> vector<16xi32>
        %eq3A_171 = arith.cmpi eq, %gather3A_170, %masked_sort3A_128 : vector<16xi32>
        %ge3A_172 = arith.constant 4 : i32
        %ge3A_173 = vector.broadcast %ge3A_172 : i32 to vector<16xi32>
        %ge3A_174 = arith.cmpi sge, %iota3A, %ge3A_173 : vector<16xi32>
        %and3A_175 = arith.andi %eq3A_171, %ge3A_174 : vector<16xi1>
        %reshape3A_176 = vector.shape_cast %max3A_167 : vector<16xi32> to vector<16x1xi32>
        %gather3A_177 = vector.shape_cast %reshape3A_176 : vector<16x1xi32> to vector<16xi32>
        %gather3A_178 = tpu.dynamic_gather %select_n3A_161[%gather3A_177] in [0] : vector<16xf32>, vector<16xi32> -> vector<16xf32>
        %max3A_179 = arith.maximumf %select_n3A_161, %gather3A_178 : vector<16xf32>
        %select_n3A_180 = arith.select %and3A_175, %max3A_179, %select_n3A_161 : vector<16xi1>, vector<16xf32>
        %sub3A_181 = arith.constant 8 : i32
        %sub3A_182 = vector.broadcast %sub3A_181 : i32 to vector<16xi32>
        %sub3A_183 = arith.subi %iota3A, %sub3A_182 : vector<16xi32>
        %max3A_184 = arith.constant 0 : i32
        %max3A_185 = vector.broadcast %max3A_184 : i32 to vector<16xi32>
        %max3A_186 = arith.maxsi %sub3A_183, %max3A_185 : vector<16xi32>
        %reshape3A_187 = vector.shape_cast %max3A_186 : vector<16xi32> to vector<16x1xi32>
        %gather3A_188 = vector.shape_cast %reshape3A_187 : vector<16x1xi32> to vector<16xi32>
        %gather3A_189 = tpu.dynamic_gather %masked_sort3A_128[%gather3A_188] in [0] : vector<16xi32>, vector<16xi32> -> vector<16xi32>
        %eq3A_190 = arith.cmpi eq, %gather3A_189, %masked_sort3A_128 : vector<16xi32>
        %ge3A_191 = arith.constant 8 : i32
        %ge3A_192 = vector.broadcast %ge3A_191 : i32 to vector<16xi32>
        %ge3A_193 = arith.cmpi sge, %iota3A, %ge3A_192 : vector<16xi32>
        %and3A_194 = arith.andi %eq3A_190, %ge3A_193 : vector<16xi1>
        %reshape3A_195 = vector.shape_cast %max3A_186 : vector<16xi32> to vector<16x1xi32>
        %gather3A_196 = vector.shape_cast %reshape3A_195 : vector<16x1xi32> to vector<16xi32>
        %gather3A_197 = tpu.dynamic_gather %select_n3A_180[%gather3A_196] in [0] : vector<16xf32>, vector<16xi32> -> vector<16xf32>
        %max3A_198 = arith.maximumf %select_n3A_180, %gather3A_197 : vector<16xf32>
        %select_n3A_199 = arith.select %and3A_194, %max3A_198, %select_n3A_180 : vector<16xi1>, vector<16xf32>
        %eq3A_200 = arith.constant 15 : i32
        %eq3A_201 = vector.broadcast %eq3A_200 : i32 to vector<16xi32>
        %eq3A_202 = arith.cmpi eq, %iota3A, %eq3A_201 : vector<16xi32>
        %add3A_203 = arith.constant 1 : i32
        %add3A_204 = vector.broadcast %add3A_203 : i32 to vector<16xi32>
        %add3A_205 = arith.addi %iota3A, %add3A_204 : vector<16xi32>
        %min3A = arith.constant 15 : i32
        %min3A_206 = vector.broadcast %min3A : i32 to vector<16xi32>
        %min3A_207 = arith.minsi %add3A_205, %min3A_206 : vector<16xi32>
        %reshape3A_208 = vector.shape_cast %min3A_207 : vector<16xi32> to vector<16x1xi32>
        %gather3A_209 = vector.shape_cast %reshape3A_208 : vector<16x1xi32> to vector<16xi32>
        %gather3A_210 = tpu.dynamic_gather %masked_sort3A_128[%gather3A_209] in [0] : vector<16xi32>, vector<16xi32> -> vector<16xi32>
        %ne3A = arith.cmpi ne, %gather3A_210, %masked_sort3A_128 : vector<16xi32>
        %or3A = arith.ori %eq3A_202, %ne3A : vector<16xi1>
        %gather3A_211 = tpu.vector_load_idx %arg11[%masked_sort3A_128] masked %or3A : memref<10240xf32, #tpu.memory_space<vmem>>[vector<16xi32>], vector<16xf32>, vector<16xi1>
        %max3A_212 = arith.maximumf %gather3A_211, %select_n3A_199 : vector<16xf32>
        tpu.vector_store_idx %arg11[%masked_sort3A_128], %max3A_212 masked %or3A : memref<10240xf32, #tpu.memory_space<vmem>>[vector<16xi32>], vector<16xf32>, vector<16xi1>
        %scan3A_213 = arith.constant 0 : i32
        scf.yield %scan3A_213 : i32
      }
      %scan3A_74 = arith.constant 5 : i32
      %add3A_75 = arith.constant 2 : i32
      %add3A_76 = arith.addi %mul3A_45, %add3A_75 : i32
      %mul3A_77 = arith.constant 80 : i32
      %mul3A_78 = arith.muli %add3A_76, %mul3A_77 : i32
      %dma_start3A_79 = tpu.memref_slice %arg8[%mul3A_78] : memref<10000xi32, #tpu.memory_space<vmem>> -> memref<80xi32, #tpu.memory_space<vmem>>
      %dma_start3A_80 = arith.constant 0 : i32
      %dma_start3A_81 = tpu.memref_slice %arg2[%dma_start3A_80] : memref<163840xf32, #tpu.memory_space<hbm>> -> memref<163840xf32, #tpu.memory_space<hbm>>
      tpu.enqueue_indirect_dma source(%dma_start3A_81 : memref<163840xf32, #tpu.memory_space<hbm>>) target(%arg13 : memref<80xf32, #tpu.memory_space<vmem>>) offsets(%dma_start3A_79 : memref<80xi32, #tpu.memory_space<vmem>>) semaphore(%arg17 : memref<!tpu.dma_semaphore, #tpu.memory_space<semaphore_mem>>)
      %mul3A_82 = arith.constant 80 : i32
      %mul3A_83 = arith.muli %add3A_76, %mul3A_82 : i32
      %dma_start3A_84 = tpu.memref_slice %arg9[%mul3A_83] : memref<10000xi32, #tpu.memory_space<vmem>> -> memref<80xi32, #tpu.memory_space<vmem>>
      %dma_start3A_85 = arith.constant 0 : i32
      %dma_start3A_86 = tpu.memref_slice %arg2[%dma_start3A_85] : memref<163840xf32, #tpu.memory_space<hbm>> -> memref<163840xf32, #tpu.memory_space<hbm>>
      tpu.enqueue_indirect_dma source(%dma_start3A_86 : memref<163840xf32, #tpu.memory_space<hbm>>) target(%arg14 : memref<80xf32, #tpu.memory_space<vmem>>) offsets(%dma_start3A_84 : memref<80xi32, #tpu.memory_space<vmem>>) semaphore(%arg17 : memref<!tpu.dma_semaphore, #tpu.memory_space<semaphore_mem>>)
      %dma_wait3A_87 = arith.constant 0 : i32
      %dma_wait3A_88 = tpu.memref_slice %arg2[%dma_wait3A_87] : memref<163840xf32, #tpu.memory_space<hbm>> -> memref<80xf32, #tpu.memory_space<hbm>>
      %dma_wait3A_89 = arith.constant 0 : i32
      %dma_wait3A_90 = tpu.memref_slice %arg2[%dma_wait3A_89] : memref<163840xf32, #tpu.memory_space<hbm>> -> memref<80xf32, #tpu.memory_space<hbm>>
      tpu.wait_dma2 semaphore(%arg18 : memref<!tpu.dma_semaphore, #tpu.memory_space<semaphore_mem>>) src(%dma_wait3A_90 : memref<80xf32, #tpu.memory_space<hbm>>) dst(%arg15 : memref<80xf32, #tpu.memory_space<vmem>>)
      %dma_wait3A_91 = arith.constant 0 : i32
      %dma_wait3A_92 = tpu.memref_slice %arg2[%dma_wait3A_91] : memref<163840xf32, #tpu.memory_space<hbm>> -> memref<80xf32, #tpu.memory_space<hbm>>
      %dma_wait3A_93 = arith.constant 0 : i32
      %dma_wait3A_94 = tpu.memref_slice %arg2[%dma_wait3A_93] : memref<163840xf32, #tpu.memory_space<hbm>> -> memref<80xf32, #tpu.memory_space<hbm>>
      tpu.wait_dma2 semaphore(%arg18 : memref<!tpu.dma_semaphore, #tpu.memory_space<semaphore_mem>>) src(%dma_wait3A_94 : memref<80xf32, #tpu.memory_space<hbm>>) dst(%arg16 : memref<80xf32, #tpu.memory_space<vmem>>)
      %add3A_95 = arith.constant 1 : i32
      %add3A_96 = arith.addi %mul3A_45, %add3A_95 : i32
      %mul3A_97 = arith.constant 80 : i32
      %mul3A_98 = arith.muli %add3A_96, %mul3A_97 : i32
      %scan3A_99 = arith.constant 0 : i32
      %scan3A_100 = arith.constant 0 : i32
      %scan3A_101 = arith.constant 5 : i32
      %scan3A_102 = arith.addi %scan3A_100, %scan3A_101 : i32
      %scan3A_103 = arith.constant 1 : i32
      %scan3A_104 = scf.for %scan3A_107 = %scan3A_100 to %scan3A_102 step %scan3A_103 iter_args(%scan3A_108 = %scan3A_99) -> (i32)  : i32 {
        %mul3A_109 = arith.constant 16 : i32
        %mul3A_110 = arith.muli %scan3A_107, %mul3A_109 : i32
        %get3A = arith.index_cast %mul3A_110 : i32 to index
        %get3A_111 = tpu.vector_load %arg15[%get3A] {strides = array<i32>} : memref<80xf32, #tpu.memory_space<vmem>>, vector<16xf32>,
        %get3A_112 = arith.index_cast %mul3A_110 : i32 to index
        %get3A_113 = tpu.vector_load %arg16[%get3A_112] {strides = array<i32>} : memref<80xf32, #tpu.memory_space<vmem>>, vector<16xf32>,
        %mul3A_114 = arith.mulf %get3A_111, %get3A_113 : vector<16xf32>
        %add3A_115 = arith.addi %mul3A_98, %mul3A_110 : i32
        %swap3A = arith.index_cast %add3A_115 : i32 to index
        %swap3A_116 = tpu.vector_load %arg10[%swap3A] {strides = array<i32>} : memref<10000xf32, #tpu.memory_space<vmem>>, vector<16xf32>,
        tpu.vector_store %arg10[%swap3A], %mul3A_114 {strides = array<i32>} : memref<10000xf32, #tpu.memory_space<vmem>>, vector<16xf32>,
        %add3A_117 = arith.addi %mul3A_98, %mul3A_110 : i32
        %get3A_118 = arith.index_cast %add3A_117 : i32 to index
        %get3A_119 = tpu.vector_load %arg8[%get3A_118] {strides = array<i32>} : memref<10000xi32, #tpu.memory_space<vmem>>, vector<16xi32>,
        %shift_right_logical3A = arith.constant 4 : i32
        %shift_right_logical3A_120 = vector.broadcast %shift_right_logical3A : i32 to vector<16xi32>
        %shift_right_logical3A_121 = arith.shrui %get3A_119, %shift_right_logical3A_120 : vector<16xi32>
        %iota3A = tpu.iota {dimensions = array<i32: 0>} : vector<16xi32>
        %masked_sort3A = arith.constant dense<true> : vector<16xi1>
        %masked_sort3A_122 = arith.constant -2147483648 : i32
        %masked_sort3A_123 = vector.broadcast %masked_sort3A_122 : i32 to vector<16xi32>
        %masked_sort3A_124 = arith.xori %shift_right_logical3A_121, %masked_sort3A_123 : vector<16xi32>
        %masked_sort3A_125, %masked_sort3A_126, %masked_sort3A_127 = tpu.sort %masked_sort3A_124, %iota3A masked %masked_sort3A : (vector<16xi32>, vector<16xi32>, vector<16xi1>) -> (vector<16xi1>, vector<16xi32>, vector<16xi32>)
        %masked_sort3A_128 = arith.xori %masked_sort3A_126, %masked_sort3A_123 : vector<16xi32>
        %reshape3A = vector.shape_cast %masked_sort3A_127 : vector<16xi32> to vector<16x1xi32>
        %gather3A = vector.shape_cast %reshape3A : vector<16x1xi32> to vector<16xi32>
        %gather3A_129 = tpu.dynamic_gather %mul3A_114[%gather3A] in [0] : vector<16xf32>, vector<16xi32> -> vector<16xf32>
        %sub3A = arith.constant 1 : i32
        %sub3A_130 = vector.broadcast %sub3A : i32 to vector<16xi32>
        %sub3A_131 = arith.subi %iota3A, %sub3A_130 : vector<16xi32>
        %max3A = arith.constant 0 : i32
        %max3A_132 = vector.broadcast %max3A : i32 to vector<16xi32>
        %max3A_133 = arith.maxsi %sub3A_131, %max3A_132 : vector<16xi32>
        %reshape3A_134 = vector.shape_cast %max3A_133 : vector<16xi32> to vector<16x1xi32>
        %gather3A_135 = vector.shape_cast %reshape3A_134 : vector<16x1xi32> to vector<16xi32>
        %gather3A_136 = tpu.dynamic_gather %masked_sort3A_128[%gather3A_135] in [0] : vector<16xi32>, vector<16xi32> -> vector<16xi32>
        %eq3A = arith.cmpi eq, %gather3A_136, %masked_sort3A_128 : vector<16xi32>
        %ge3A = arith.constant 1 : i32
        %ge3A_137 = vector.broadcast %ge3A : i32 to vector<16xi32>
        %ge3A_138 = arith.cmpi sge, %iota3A, %ge3A_137 : vector<16xi32>
        %and3A = arith.andi %eq3A, %ge3A_138 : vector<16xi1>
        %reshape3A_139 = vector.shape_cast %max3A_133 : vector<16xi32> to vector<16x1xi32>
        %gather3A_140 = vector.shape_cast %reshape3A_139 : vector<16x1xi32> to vector<16xi32>
        %gather3A_141 = tpu.dynamic_gather %gather3A_129[%gather3A_140] in [0] : vector<16xf32>, vector<16xi32> -> vector<16xf32>
        %max3A_142 = arith.maximumf %gather3A_129, %gather3A_141 : vector<16xf32>
        %select_n3A = arith.select %and3A, %max3A_142, %gather3A_129 : vector<16xi1>, vector<16xf32>
        %sub3A_143 = arith.constant 2 : i32
        %sub3A_144 = vector.broadcast %sub3A_143 : i32 to vector<16xi32>
        %sub3A_145 = arith.subi %iota3A, %sub3A_144 : vector<16xi32>
        %max3A_146 = arith.constant 0 : i32
        %max3A_147 = vector.broadcast %max3A_146 : i32 to vector<16xi32>
        %max3A_148 = arith.maxsi %sub3A_145, %max3A_147 : vector<16xi32>
        %reshape3A_149 = vector.shape_cast %max3A_148 : vector<16xi32> to vector<16x1xi32>
        %gather3A_150 = vector.shape_cast %reshape3A_149 : vector<16x1xi32> to vector<16xi32>
        %gather3A_151 = tpu.dynamic_gather %masked_sort3A_128[%gather3A_150] in [0] : vector<16xi32>, vector<16xi32> -> vector<16xi32>
        %eq3A_152 = arith.cmpi eq, %gather3A_151, %masked_sort3A_128 : vector<16xi32>
        %ge3A_153 = arith.constant 2 : i32
        %ge3A_154 = vector.broadcast %ge3A_153 : i32 to vector<16xi32>
        %ge3A_155 = arith.cmpi sge, %iota3A, %ge3A_154 : vector<16xi32>
        %and3A_156 = arith.andi %eq3A_152, %ge3A_155 : vector<16xi1>
        %reshape3A_157 = vector.shape_cast %max3A_148 : vector<16xi32> to vector<16x1xi32>
        %gather3A_158 = vector.shape_cast %reshape3A_157 : vector<16x1xi32> to vector<16xi32>
        %gather3A_159 = tpu.dynamic_gather %select_n3A[%gather3A_158] in [0] : vector<16xf32>, vector<16xi32> -> vector<16xf32>
        %max3A_160 = arith.maximumf %select_n3A, %gather3A_159 : vector<16xf32>
        %select_n3A_161 = arith.select %and3A_156, %max3A_160, %select_n3A : vector<16xi1>, vector<16xf32>
        %sub3A_162 = arith.constant 4 : i32
        %sub3A_163 = vector.broadcast %sub3A_162 : i32 to vector<16xi32>
        %sub3A_164 = arith.subi %iota3A, %sub3A_163 : vector<16xi32>
        %max3A_165 = arith.constant 0 : i32
        %max3A_166 = vector.broadcast %max3A_165 : i32 to vector<16xi32>
        %max3A_167 = arith.maxsi %sub3A_164, %max3A_166 : vector<16xi32>
        %reshape3A_168 = vector.shape_cast %max3A_167 : vector<16xi32> to vector<16x1xi32>
        %gather3A_169 = vector.shape_cast %reshape3A_168 : vector<16x1xi32> to vector<16xi32>
        %gather3A_170 = tpu.dynamic_gather %masked_sort3A_128[%gather3A_169] in [0] : vector<16xi32>, vector<16xi32> -> vector<16xi32>
        %eq3A_171 = arith.cmpi eq, %gather3A_170, %masked_sort3A_128 : vector<16xi32>
        %ge3A_172 = arith.constant 4 : i32
        %ge3A_173 = vector.broadcast %ge3A_172 : i32 to vector<16xi32>
        %ge3A_174 = arith.cmpi sge, %iota3A, %ge3A_173 : vector<16xi32>
        %and3A_175 = arith.andi %eq3A_171, %ge3A_174 : vector<16xi1>
        %reshape3A_176 = vector.shape_cast %max3A_167 : vector<16xi32> to vector<16x1xi32>
        %gather3A_177 = vector.shape_cast %reshape3A_176 : vector<16x1xi32> to vector<16xi32>
        %gather3A_178 = tpu.dynamic_gather %select_n3A_161[%gather3A_177] in [0] : vector<16xf32>, vector<16xi32> -> vector<16xf32>
        %max3A_179 = arith.maximumf %select_n3A_161, %gather3A_178 : vector<16xf32>
        %select_n3A_180 = arith.select %and3A_175, %max3A_179, %select_n3A_161 : vector<16xi1>, vector<16xf32>
        %sub3A_181 = arith.constant 8 : i32
        %sub3A_182 = vector.broadcast %sub3A_181 : i32 to vector<16xi32>
        %sub3A_183 = arith.subi %iota3A, %sub3A_182 : vector<16xi32>
        %max3A_184 = arith.constant 0 : i32
        %max3A_185 = vector.broadcast %max3A_184 : i32 to vector<16xi32>
        %max3A_186 = arith.maxsi %sub3A_183, %max3A_185 : vector<16xi32>
        %reshape3A_187 = vector.shape_cast %max3A_186 : vector<16xi32> to vector<16x1xi32>
        %gather3A_188 = vector.shape_cast %reshape3A_187 : vector<16x1xi32> to vector<16xi32>
        %gather3A_189 = tpu.dynamic_gather %masked_sort3A_128[%gather3A_188] in [0] : vector<16xi32>, vector<16xi32> -> vector<16xi32>
        %eq3A_190 = arith.cmpi eq, %gather3A_189, %masked_sort3A_128 : vector<16xi32>
        %ge3A_191 = arith.constant 8 : i32
        %ge3A_192 = vector.broadcast %ge3A_191 : i32 to vector<16xi32>
        %ge3A_193 = arith.cmpi sge, %iota3A, %ge3A_192 : vector<16xi32>
        %and3A_194 = arith.andi %eq3A_190, %ge3A_193 : vector<16xi1>
        %reshape3A_195 = vector.shape_cast %max3A_186 : vector<16xi32> to vector<16x1xi32>
        %gather3A_196 = vector.shape_cast %reshape3A_195 : vector<16x1xi32> to vector<16xi32>
        %gather3A_197 = tpu.dynamic_gather %select_n3A_180[%gather3A_196] in [0] : vector<16xf32>, vector<16xi32> -> vector<16xf32>
        %max3A_198 = arith.maximumf %select_n3A_180, %gather3A_197 : vector<16xf32>
        %select_n3A_199 = arith.select %and3A_194, %max3A_198, %select_n3A_180 : vector<16xi1>, vector<16xf32>
        %eq3A_200 = arith.constant 15 : i32
        %eq3A_201 = vector.broadcast %eq3A_200 : i32 to vector<16xi32>
        %eq3A_202 = arith.cmpi eq, %iota3A, %eq3A_201 : vector<16xi32>
        %add3A_203 = arith.constant 1 : i32
        %add3A_204 = vector.broadcast %add3A_203 : i32 to vector<16xi32>
        %add3A_205 = arith.addi %iota3A, %add3A_204 : vector<16xi32>
        %min3A = arith.constant 15 : i32
        %min3A_206 = vector.broadcast %min3A : i32 to vector<16xi32>
        %min3A_207 = arith.minsi %add3A_205, %min3A_206 : vector<16xi32>
        %reshape3A_208 = vector.shape_cast %min3A_207 : vector<16xi32> to vector<16x1xi32>
        %gather3A_209 = vector.shape_cast %reshape3A_208 : vector<16x1xi32> to vector<16xi32>
        %gather3A_210 = tpu.dynamic_gather %masked_sort3A_128[%gather3A_209] in [0] : vector<16xi32>, vector<16xi32> -> vector<16xi32>
        %ne3A = arith.cmpi ne, %gather3A_210, %masked_sort3A_128 : vector<16xi32>
        %or3A = arith.ori %eq3A_202, %ne3A : vector<16xi1>
        %gather3A_211 = tpu.vector_load_idx %arg11[%masked_sort3A_128] masked %or3A : memref<10240xf32, #tpu.memory_space<vmem>>[vector<16xi32>], vector<16xf32>, vector<16xi1>
        %max3A_212 = arith.maximumf %gather3A_211, %select_n3A_199 : vector<16xf32>
        tpu.vector_store_idx %arg11[%masked_sort3A_128], %max3A_212 masked %or3A : memref<10240xf32, #tpu.memory_space<vmem>>[vector<16xi32>], vector<16xf32>, vector<16xi1>
        %scan3A_213 = arith.constant 0 : i32
        scf.yield %scan3A_213 : i32
      }
      %scan3A_105 = arith.constant 5 : i32
      %scan3A_106 = arith.constant 0 : i32
      scf.yield %scan3A_106 : i32
    }
    %scan3A_20 = arith.constant 62 : i32
    %dma_wait3A = arith.constant 0 : i32
    %dma_wait3A_21 = tpu.memref_slice %arg2[%dma_wait3A] : memref<163840xf32, #tpu.memory_space<hbm>> -> memref<80xf32, #tpu.memory_space<hbm>>
    %dma_wait3A_22 = arith.constant 0 : i32
    %dma_wait3A_23 = tpu.memref_slice %arg2[%dma_wait3A_22] : memref<163840xf32, #tpu.memory_space<hbm>> -> memref<80xf32, #tpu.memory_space<hbm>>
    tpu.wait_dma2 semaphore(%arg17 : memref<!tpu.dma_semaphore, #tpu.memory_space<semaphore_mem>>) src(%dma_wait3A_23 : memref<80xf32, #tpu.memory_space<hbm>>) dst(%arg13 : memref<80xf32, #tpu.memory_space<vmem>>)
    %dma_wait3A_24 = arith.constant 0 : i32
    %dma_wait3A_25 = tpu.memref_slice %arg2[%dma_wait3A_24] : memref<163840xf32, #tpu.memory_space<hbm>> -> memref<80xf32, #tpu.memory_space<hbm>>
    %dma_wait3A_26 = arith.constant 0 : i32
    %dma_wait3A_27 = tpu.memref_slice %arg2[%dma_wait3A_26] : memref<163840xf32, #tpu.memory_space<hbm>> -> memref<80xf32, #tpu.memory_space<hbm>>
    tpu.wait_dma2 semaphore(%arg17 : memref<!tpu.dma_semaphore, #tpu.memory_space<semaphore_mem>>) src(%dma_wait3A_27 : memref<80xf32, #tpu.memory_space<hbm>>) dst(%arg14 : memref<80xf32, #tpu.memory_space<vmem>>)
    %scan3A_28 = arith.constant 0 : i32
    %scan3A_29 = arith.constant 0 : i32
    %scan3A_30 = arith.constant 5 : i32
    %scan3A_31 = arith.addi %scan3A_29, %scan3A_30 : i32
    %scan3A_32 = arith.constant 1 : i32
    %scan3A_33 = scf.for %scan3A_42 = %scan3A_29 to %scan3A_31 step %scan3A_32 iter_args(%scan3A_43 = %scan3A_28) -> (i32)  : i32 {
      %mul3A_44 = arith.constant 16 : i32
      %mul3A_45 = arith.muli %scan3A_42, %mul3A_44 : i32
      %get3A = arith.index_cast %mul3A_45 : i32 to index
      %get3A_46 = tpu.vector_load %arg13[%get3A] {strides = array<i32>} : memref<80xf32, #tpu.memory_space<vmem>>, vector<16xf32>,
      %get3A_47 = arith.index_cast %mul3A_45 : i32 to index
      %get3A_48 = tpu.vector_load %arg14[%get3A_47] {strides = array<i32>} : memref<80xf32, #tpu.memory_space<vmem>>, vector<16xf32>,
      %mul3A_49 = arith.mulf %get3A_46, %get3A_48 : vector<16xf32>
      %add3A_50 = arith.constant 9920 : i32
      %add3A_51 = arith.addi %add3A_50, %mul3A_45 : i32
      %swap3A = arith.index_cast %add3A_51 : i32 to index
      %swap3A_52 = tpu.vector_load %arg10[%swap3A] {strides = array<i32>} : memref<10000xf32, #tpu.memory_space<vmem>>, vector<16xf32>,
      tpu.vector_store %arg10[%swap3A], %mul3A_49 {strides = array<i32>} : memref<10000xf32, #tpu.memory_space<vmem>>, vector<16xf32>,
      %add3A_53 = arith.constant 9920 : i32
      %add3A_54 = arith.addi %add3A_53, %mul3A_45 : i32
      %get3A_55 = arith.index_cast %add3A_54 : i32 to index
      %get3A_56 = tpu.vector_load %arg8[%get3A_55] {strides = array<i32>} : memref<10000xi32, #tpu.memory_space<vmem>>, vector<16xi32>,
      %shift_right_logical3A = arith.constant 4 : i32
      %shift_right_logical3A_57 = vector.broadcast %shift_right_logical3A : i32 to vector<16xi32>
      %shift_right_logical3A_58 = arith.shrui %get3A_56, %shift_right_logical3A_57 : vector<16xi32>
      %iota3A = tpu.iota {dimensions = array<i32: 0>} : vector<16xi32>
      %masked_sort3A = arith.constant dense<true> : vector<16xi1>
      %masked_sort3A_59 = arith.constant -2147483648 : i32
      %masked_sort3A_60 = vector.broadcast %masked_sort3A_59 : i32 to vector<16xi32>
      %masked_sort3A_61 = arith.xori %shift_right_logical3A_58, %masked_sort3A_60 : vector<16xi32>
      %masked_sort3A_62, %masked_sort3A_63, %masked_sort3A_64 = tpu.sort %masked_sort3A_61, %iota3A masked %masked_sort3A : (vector<16xi32>, vector<16xi32>, vector<16xi1>) -> (vector<16xi1>, vector<16xi32>, vector<16xi32>)
      %masked_sort3A_65 = arith.xori %masked_sort3A_63, %masked_sort3A_60 : vector<16xi32>
      %reshape3A = vector.shape_cast %masked_sort3A_64 : vector<16xi32> to vector<16x1xi32>
      %gather3A = vector.shape_cast %reshape3A : vector<16x1xi32> to vector<16xi32>
      %gather3A_66 = tpu.dynamic_gather %mul3A_49[%gather3A] in [0] : vector<16xf32>, vector<16xi32> -> vector<16xf32>
      %sub3A = arith.constant 1 : i32
      %sub3A_67 = vector.broadcast %sub3A : i32 to vector<16xi32>
      %sub3A_68 = arith.subi %iota3A, %sub3A_67 : vector<16xi32>
      %max3A = arith.constant 0 : i32
      %max3A_69 = vector.broadcast %max3A : i32 to vector<16xi32>
      %max3A_70 = arith.maxsi %sub3A_68, %max3A_69 : vector<16xi32>
      %reshape3A_71 = vector.shape_cast %max3A_70 : vector<16xi32> to vector<16x1xi32>
      %gather3A_72 = vector.shape_cast %reshape3A_71 : vector<16x1xi32> to vector<16xi32>
      %gather3A_73 = tpu.dynamic_gather %masked_sort3A_65[%gather3A_72] in [0] : vector<16xi32>, vector<16xi32> -> vector<16xi32>
      %eq3A = arith.cmpi eq, %gather3A_73, %masked_sort3A_65 : vector<16xi32>
      %ge3A = arith.constant 1 : i32
      %ge3A_74 = vector.broadcast %ge3A : i32 to vector<16xi32>
      %ge3A_75 = arith.cmpi sge, %iota3A, %ge3A_74 : vector<16xi32>
      %and3A = arith.andi %eq3A, %ge3A_75 : vector<16xi1>
      %reshape3A_76 = vector.shape_cast %max3A_70 : vector<16xi32> to vector<16x1xi32>
      %gather3A_77 = vector.shape_cast %reshape3A_76 : vector<16x1xi32> to vector<16xi32>
      %gather3A_78 = tpu.dynamic_gather %gather3A_66[%gather3A_77] in [0] : vector<16xf32>, vector<16xi32> -> vector<16xf32>
      %max3A_79 = arith.maximumf %gather3A_66, %gather3A_78 : vector<16xf32>
      %select_n3A = arith.select %and3A, %max3A_79, %gather3A_66 : vector<16xi1>, vector<16xf32>
      %sub3A_80 = arith.constant 2 : i32
      %sub3A_81 = vector.broadcast %sub3A_80 : i32 to vector<16xi32>
      %sub3A_82 = arith.subi %iota3A, %sub3A_81 : vector<16xi32>
      %max3A_83 = arith.constant 0 : i32
      %max3A_84 = vector.broadcast %max3A_83 : i32 to vector<16xi32>
      %max3A_85 = arith.maxsi %sub3A_82, %max3A_84 : vector<16xi32>
      %reshape3A_86 = vector.shape_cast %max3A_85 : vector<16xi32> to vector<16x1xi32>
      %gather3A_87 = vector.shape_cast %reshape3A_86 : vector<16x1xi32> to vector<16xi32>
      %gather3A_88 = tpu.dynamic_gather %masked_sort3A_65[%gather3A_87] in [0] : vector<16xi32>, vector<16xi32> -> vector<16xi32>
      %eq3A_89 = arith.cmpi eq, %gather3A_88, %masked_sort3A_65 : vector<16xi32>
      %ge3A_90 = arith.constant 2 : i32
      %ge3A_91 = vector.broadcast %ge3A_90 : i32 to vector<16xi32>
      %ge3A_92 = arith.cmpi sge, %iota3A, %ge3A_91 : vector<16xi32>
      %and3A_93 = arith.andi %eq3A_89, %ge3A_92 : vector<16xi1>
      %reshape3A_94 = vector.shape_cast %max3A_85 : vector<16xi32> to vector<16x1xi32>
      %gather3A_95 = vector.shape_cast %reshape3A_94 : vector<16x1xi32> to vector<16xi32>
      %gather3A_96 = tpu.dynamic_gather %select_n3A[%gather3A_95] in [0] : vector<16xf32>, vector<16xi32> -> vector<16xf32>
      %max3A_97 = arith.maximumf %select_n3A, %gather3A_96 : vector<16xf32>
      %select_n3A_98 = arith.select %and3A_93, %max3A_97, %select_n3A : vector<16xi1>, vector<16xf32>
      %sub3A_99 = arith.constant 4 : i32
      %sub3A_100 = vector.broadcast %sub3A_99 : i32 to vector<16xi32>
      %sub3A_101 = arith.subi %iota3A, %sub3A_100 : vector<16xi32>
      %max3A_102 = arith.constant 0 : i32
      %max3A_103 = vector.broadcast %max3A_102 : i32 to vector<16xi32>
      %max3A_104 = arith.maxsi %sub3A_101, %max3A_103 : vector<16xi32>
      %reshape3A_105 = vector.shape_cast %max3A_104 : vector<16xi32> to vector<16x1xi32>
      %gather3A_106 = vector.shape_cast %reshape3A_105 : vector<16x1xi32> to vector<16xi32>
      %gather3A_107 = tpu.dynamic_gather %masked_sort3A_65[%gather3A_106] in [0] : vector<16xi32>, vector<16xi32> -> vector<16xi32>
      %eq3A_108 = arith.cmpi eq, %gather3A_107, %masked_sort3A_65 : vector<16xi32>
      %ge3A_109 = arith.constant 4 : i32
      %ge3A_110 = vector.broadcast %ge3A_109 : i32 to vector<16xi32>
      %ge3A_111 = arith.cmpi sge, %iota3A, %ge3A_110 : vector<16xi32>
      %and3A_112 = arith.andi %eq3A_108, %ge3A_111 : vector<16xi1>
      %reshape3A_113 = vector.shape_cast %max3A_104 : vector<16xi32> to vector<16x1xi32>
      %gather3A_114 = vector.shape_cast %reshape3A_113 : vector<16x1xi32> to vector<16xi32>
      %gather3A_115 = tpu.dynamic_gather %select_n3A_98[%gather3A_114] in [0] : vector<16xf32>, vector<16xi32> -> vector<16xf32>
      %max3A_116 = arith.maximumf %select_n3A_98, %gather3A_115 : vector<16xf32>
      %select_n3A_117 = arith.select %and3A_112, %max3A_116, %select_n3A_98 : vector<16xi1>, vector<16xf32>
      %sub3A_118 = arith.constant 8 : i32
      %sub3A_119 = vector.broadcast %sub3A_118 : i32 to vector<16xi32>
      %sub3A_120 = arith.subi %iota3A, %sub3A_119 : vector<16xi32>
      %max3A_121 = arith.constant 0 : i32
      %max3A_122 = vector.broadcast %max3A_121 : i32 to vector<16xi32>
      %max3A_123 = arith.maxsi %sub3A_120, %max3A_122 : vector<16xi32>
      %reshape3A_124 = vector.shape_cast %max3A_123 : vector<16xi32> to vector<16x1xi32>
      %gather3A_125 = vector.shape_cast %reshape3A_124 : vector<16x1xi32> to vector<16xi32>
      %gather3A_126 = tpu.dynamic_gather %masked_sort3A_65[%gather3A_125] in [0] : vector<16xi32>, vector<16xi32> -> vector<16xi32>
      %eq3A_127 = arith.cmpi eq, %gather3A_126, %masked_sort3A_65 : vector<16xi32>
      %ge3A_128 = arith.constant 8 : i32
      %ge3A_129 = vector.broadcast %ge3A_128 : i32 to vector<16xi32>
      %ge3A_130 = arith.cmpi sge, %iota3A, %ge3A_129 : vector<16xi32>
      %and3A_131 = arith.andi %eq3A_127, %ge3A_130 : vector<16xi1>
      %reshape3A_132 = vector.shape_cast %max3A_123 : vector<16xi32> to vector<16x1xi32>
      %gather3A_133 = vector.shape_cast %reshape3A_132 : vector<16x1xi32> to vector<16xi32>
      %gather3A_134 = tpu.dynamic_gather %select_n3A_117[%gather3A_133] in [0] : vector<16xf32>, vector<16xi32> -> vector<16xf32>
      %max3A_135 = arith.maximumf %select_n3A_117, %gather3A_134 : vector<16xf32>
      %select_n3A_136 = arith.select %and3A_131, %max3A_135, %select_n3A_117 : vector<16xi1>, vector<16xf32>
      %eq3A_137 = arith.constant 15 : i32
      %eq3A_138 = vector.broadcast %eq3A_137 : i32 to vector<16xi32>
      %eq3A_139 = arith.cmpi eq, %iota3A, %eq3A_138 : vector<16xi32>
      %add3A_140 = arith.constant 1 : i32
      %add3A_141 = vector.broadcast %add3A_140 : i32 to vector<16xi32>
      %add3A_142 = arith.addi %iota3A, %add3A_141 : vector<16xi32>
      %min3A = arith.constant 15 : i32
      %min3A_143 = vector.broadcast %min3A : i32 to vector<16xi32>
      %min3A_144 = arith.minsi %add3A_142, %min3A_143 : vector<16xi32>
      %reshape3A_145 = vector.shape_cast %min3A_144 : vector<16xi32> to vector<16x1xi32>
      %gather3A_146 = vector.shape_cast %reshape3A_145 : vector<16x1xi32> to vector<16xi32>
      %gather3A_147 = tpu.dynamic_gather %masked_sort3A_65[%gather3A_146] in [0] : vector<16xi32>, vector<16xi32> -> vector<16xi32>
      %ne3A = arith.cmpi ne, %gather3A_147, %masked_sort3A_65 : vector<16xi32>
      %or3A = arith.ori %eq3A_139, %ne3A : vector<16xi1>
      %gather3A_148 = tpu.vector_load_idx %arg11[%masked_sort3A_65] masked %or3A : memref<10240xf32, #tpu.memory_space<vmem>>[vector<16xi32>], vector<16xf32>, vector<16xi1>
      %max3A_149 = arith.maximumf %gather3A_148, %select_n3A_136 : vector<16xf32>
      tpu.vector_store_idx %arg11[%masked_sort3A_65], %max3A_149 masked %or3A : memref<10240xf32, #tpu.memory_space<vmem>>[vector<16xi32>], vector<16xf32>, vector<16xi1>
      %scan3A_150 = arith.constant 0 : i32
      scf.yield %scan3A_150 : i32
    }
    %scan3A_34 = arith.constant 5 : i32
    %scan3A_35 = arith.constant 0 : i32
    %scan3A_36 = arith.constant 0 : i32
    %scan3A_37 = arith.constant 625 : i32
    %scan3A_38 = arith.addi %scan3A_36, %scan3A_37 : i32
    %scan3A_39 = arith.constant 1 : i32
    %scan3A_40 = scf.for %scan3A_42 = %scan3A_36 to %scan3A_38 step %scan3A_39 iter_args(%scan3A_43 = %scan3A_35) -> (i32)  : i32 {
      %mul3A_44 = arith.constant 16 : i32
      %mul3A_45 = arith.muli %scan3A_42, %mul3A_44 : i32
      %get3A = arith.index_cast %mul3A_45 : i32 to index
      %get3A_46 = tpu.vector_load %arg8[%get3A] {strides = array<i32>} : memref<10000xi32, #tpu.memory_space<vmem>>, vector<16xi32>,
      %shift_right_logical3A = arith.constant 4 : i32
      %shift_right_logical3A_47 = vector.broadcast %shift_right_logical3A : i32 to vector<16xi32>
      %shift_right_logical3A_48 = arith.shrui %get3A_46, %shift_right_logical3A_47 : vector<16xi32>
      %get3A_49 = arith.index_cast %mul3A_45 : i32 to index
      %get3A_50 = tpu.vector_load %arg10[%get3A_49] {strides = array<i32>} : memref<10000xf32, #tpu.memory_space<vmem>>, vector<16xf32>,
      %gather3A = tpu.vector_load_idx %arg11[%shift_right_logical3A_48] : memref<10240xf32, #tpu.memory_space<vmem>>[vector<16xi32>], vector<16xf32>,
      %sub3A = arith.subf %get3A_50, %gather3A : vector<16xf32>
      %exp3A = math.exp %sub3A : vector<16xf32>
      %iota3A = tpu.iota {dimensions = array<i32: 0>} : vector<16xi32>
      %masked_sort3A = arith.constant dense<true> : vector<16xi1>
      %masked_sort3A_51 = arith.constant -2147483648 : i32
      %masked_sort3A_52 = vector.broadcast %masked_sort3A_51 : i32 to vector<16xi32>
      %masked_sort3A_53 = arith.xori %shift_right_logical3A_48, %masked_sort3A_52 : vector<16xi32>
      %masked_sort3A_54, %masked_sort3A_55, %masked_sort3A_56 = tpu.sort %masked_sort3A_53, %iota3A masked %masked_sort3A : (vector<16xi32>, vector<16xi32>, vector<16xi1>) -> (vector<16xi1>, vector<16xi32>, vector<16xi32>)
      %masked_sort3A_57 = arith.xori %masked_sort3A_55, %masked_sort3A_52 : vector<16xi32>
      %reshape3A = vector.shape_cast %masked_sort3A_56 : vector<16xi32> to vector<16x1xi32>
      %gather3A_58 = vector.shape_cast %reshape3A : vector<16x1xi32> to vector<16xi32>
      %gather3A_59 = tpu.dynamic_gather %exp3A[%gather3A_58] in [0] : vector<16xf32>, vector<16xi32> -> vector<16xf32>
      %sub3A_60 = arith.constant 1 : i32
      %sub3A_61 = vector.broadcast %sub3A_60 : i32 to vector<16xi32>
      %sub3A_62 = arith.subi %iota3A, %sub3A_61 : vector<16xi32>
      %max3A = arith.constant 0 : i32
      %max3A_63 = vector.broadcast %max3A : i32 to vector<16xi32>
      %max3A_64 = arith.maxsi %sub3A_62, %max3A_63 : vector<16xi32>
      %reshape3A_65 = vector.shape_cast %max3A_64 : vector<16xi32> to vector<16x1xi32>
      %gather3A_66 = vector.shape_cast %reshape3A_65 : vector<16x1xi32> to vector<16xi32>
      %gather3A_67 = tpu.dynamic_gather %masked_sort3A_57[%gather3A_66] in [0] : vector<16xi32>, vector<16xi32> -> vector<16xi32>
      %eq3A = arith.cmpi eq, %gather3A_67, %masked_sort3A_57 : vector<16xi32>
      %ge3A = arith.constant 1 : i32
      %ge3A_68 = vector.broadcast %ge3A : i32 to vector<16xi32>
      %ge3A_69 = arith.cmpi sge, %iota3A, %ge3A_68 : vector<16xi32>
      %and3A = arith.andi %eq3A, %ge3A_69 : vector<16xi1>
      %reshape3A_70 = vector.shape_cast %max3A_64 : vector<16xi32> to vector<16x1xi32>
      %gather3A_71 = vector.shape_cast %reshape3A_70 : vector<16x1xi32> to vector<16xi32>
      %gather3A_72 = tpu.dynamic_gather %gather3A_59[%gather3A_71] in [0] : vector<16xf32>, vector<16xi32> -> vector<16xf32>
      %add3A_73 = arith.addf %gather3A_59, %gather3A_72 : vector<16xf32>
      %select_n3A = arith.select %and3A, %add3A_73, %gather3A_59 : vector<16xi1>, vector<16xf32>
      %sub3A_74 = arith.constant 2 : i32
      %sub3A_75 = vector.broadcast %sub3A_74 : i32 to vector<16xi32>
      %sub3A_76 = arith.subi %iota3A, %sub3A_75 : vector<16xi32>
      %max3A_77 = arith.constant 0 : i32
      %max3A_78 = vector.broadcast %max3A_77 : i32 to vector<16xi32>
      %max3A_79 = arith.maxsi %sub3A_76, %max3A_78 : vector<16xi32>
      %reshape3A_80 = vector.shape_cast %max3A_79 : vector<16xi32> to vector<16x1xi32>
      %gather3A_81 = vector.shape_cast %reshape3A_80 : vector<16x1xi32> to vector<16xi32>
      %gather3A_82 = tpu.dynamic_gather %masked_sort3A_57[%gather3A_81] in [0] : vector<16xi32>, vector<16xi32> -> vector<16xi32>
      %eq3A_83 = arith.cmpi eq, %gather3A_82, %masked_sort3A_57 : vector<16xi32>
      %ge3A_84 = arith.constant 2 : i32
      %ge3A_85 = vector.broadcast %ge3A_84 : i32 to vector<16xi32>
      %ge3A_86 = arith.cmpi sge, %iota3A, %ge3A_85 : vector<16xi32>
      %and3A_87 = arith.andi %eq3A_83, %ge3A_86 : vector<16xi1>
      %reshape3A_88 = vector.shape_cast %max3A_79 : vector<16xi32> to vector<16x1xi32>
      %gather3A_89 = vector.shape_cast %reshape3A_88 : vector<16x1xi32> to vector<16xi32>
      %gather3A_90 = tpu.dynamic_gather %select_n3A[%gather3A_89] in [0] : vector<16xf32>, vector<16xi32> -> vector<16xf32>
      %add3A_91 = arith.addf %select_n3A, %gather3A_90 : vector<16xf32>
      %select_n3A_92 = arith.select %and3A_87, %add3A_91, %select_n3A : vector<16xi1>, vector<16xf32>
      %sub3A_93 = arith.constant 4 : i32
      %sub3A_94 = vector.broadcast %sub3A_93 : i32 to vector<16xi32>
      %sub3A_95 = arith.subi %iota3A, %sub3A_94 : vector<16xi32>
      %max3A_96 = arith.constant 0 : i32
      %max3A_97 = vector.broadcast %max3A_96 : i32 to vector<16xi32>
      %max3A_98 = arith.maxsi %sub3A_95, %max3A_97 : vector<16xi32>
      %reshape3A_99 = vector.shape_cast %max3A_98 : vector<16xi32> to vector<16x1xi32>
      %gather3A_100 = vector.shape_cast %reshape3A_99 : vector<16x1xi32> to vector<16xi32>
      %gather3A_101 = tpu.dynamic_gather %masked_sort3A_57[%gather3A_100] in [0] : vector<16xi32>, vector<16xi32> -> vector<16xi32>
      %eq3A_102 = arith.cmpi eq, %gather3A_101, %masked_sort3A_57 : vector<16xi32>
      %ge3A_103 = arith.constant 4 : i32
      %ge3A_104 = vector.broadcast %ge3A_103 : i32 to vector<16xi32>
      %ge3A_105 = arith.cmpi sge, %iota3A, %ge3A_104 : vector<16xi32>
      %and3A_106 = arith.andi %eq3A_102, %ge3A_105 : vector<16xi1>
      %reshape3A_107 = vector.shape_cast %max3A_98 : vector<16xi32> to vector<16x1xi32>
      %gather3A_108 = vector.shape_cast %reshape3A_107 : vector<16x1xi32> to vector<16xi32>
      %gather3A_109 = tpu.dynamic_gather %select_n3A_92[%gather3A_108] in [0] : vector<16xf32>, vector<16xi32> -> vector<16xf32>
      %add3A_110 = arith.addf %select_n3A_92, %gather3A_109 : vector<16xf32>
      %select_n3A_111 = arith.select %and3A_106, %add3A_110, %select_n3A_92 : vector<16xi1>, vector<16xf32>
      %sub3A_112 = arith.constant 8 : i32
      %sub3A_113 = vector.broadcast %sub3A_112 : i32 to vector<16xi32>
      %sub3A_114 = arith.subi %iota3A, %sub3A_113 : vector<16xi32>
      %max3A_115 = arith.constant 0 : i32
      %max3A_116 = vector.broadcast %max3A_115 : i32 to vector<16xi32>
      %max3A_117 = arith.maxsi %sub3A_114, %max3A_116 : vector<16xi32>
      %reshape3A_118 = vector.shape_cast %max3A_117 : vector<16xi32> to vector<16x1xi32>
      %gather3A_119 = vector.shape_cast %reshape3A_118 : vector<16x1xi32> to vector<16xi32>
      %gather3A_120 = tpu.dynamic_gather %masked_sort3A_57[%gather3A_119] in [0] : vector<16xi32>, vector<16xi32> -> vector<16xi32>
      %eq3A_121 = arith.cmpi eq, %gather3A_120, %masked_sort3A_57 : vector<16xi32>
      %ge3A_122 = arith.constant 8 : i32
      %ge3A_123 = vector.broadcast %ge3A_122 : i32 to vector<16xi32>
      %ge3A_124 = arith.cmpi sge, %iota3A, %ge3A_123 : vector<16xi32>
      %and3A_125 = arith.andi %eq3A_121, %ge3A_124 : vector<16xi1>
      %reshape3A_126 = vector.shape_cast %max3A_117 : vector<16xi32> to vector<16x1xi32>
      %gather3A_127 = vector.shape_cast %reshape3A_126 : vector<16x1xi32> to vector<16xi32>
      %gather3A_128 = tpu.dynamic_gather %select_n3A_111[%gather3A_127] in [0] : vector<16xf32>, vector<16xi32> -> vector<16xf32>
      %add3A_129 = arith.addf %select_n3A_111, %gather3A_128 : vector<16xf32>
      %select_n3A_130 = arith.select %and3A_125, %add3A_129, %select_n3A_111 : vector<16xi1>, vector<16xf32>
      %eq3A_131 = arith.constant 15 : i32
      %eq3A_132 = vector.broadcast %eq3A_131 : i32 to vector<16xi32>
      %eq3A_133 = arith.cmpi eq, %iota3A, %eq3A_132 : vector<16xi32>
      %add3A_134 = arith.constant 1 : i32
      %add3A_135 = vector.broadcast %add3A_134 : i32 to vector<16xi32>
      %add3A_136 = arith.addi %iota3A, %add3A_135 : vector<16xi32>
      %min3A = arith.constant 15 : i32
      %min3A_137 = vector.broadcast %min3A : i32 to vector<16xi32>
      %min3A_138 = arith.minsi %add3A_136, %min3A_137 : vector<16xi32>
      %reshape3A_139 = vector.shape_cast %min3A_138 : vector<16xi32> to vector<16x1xi32>
      %gather3A_140 = vector.shape_cast %reshape3A_139 : vector<16x1xi32> to vector<16xi32>
      %gather3A_141 = tpu.dynamic_gather %masked_sort3A_57[%gather3A_140] in [0] : vector<16xi32>, vector<16xi32> -> vector<16xi32>
      %ne3A = arith.cmpi ne, %gather3A_141, %masked_sort3A_57 : vector<16xi32>
      %or3A = arith.ori %eq3A_133, %ne3A : vector<16xi1>
      %gather3A_142 = tpu.vector_load_idx %arg12[%masked_sort3A_57] masked %or3A : memref<10240xf32, #tpu.memory_space<vmem>>[vector<16xi32>], vector<16xf32>, vector<16xi1>
      %add3A_143 = arith.addf %gather3A_142, %select_n3A_130 : vector<16xf32>
      tpu.vector_store_idx %arg12[%masked_sort3A_57], %add3A_143 masked %or3A : memref<10240xf32, #tpu.memory_space<vmem>>[vector<16xi32>], vector<16xf32>, vector<16xi1>
      %scan3A_144 = arith.constant 0 : i32
      scf.yield %scan3A_144 : i32
    }
    %scan3A_41 = arith.constant 625 : i32
    "tpu.region"() ({
      %run_scoped3A = tpu.sem_alloc : memref<!tpu.dma_semaphore, #tpu.memory_space<semaphore_mem>>
      %dma_start3A_42 = arith.constant 0 : i32
      %dma_start3A_43 = tpu.memref_slice %arg5[%add3A, %dma_start3A_42] : memref<32x10240xf32, #tpu.memory_space<hbm>> -> memref<1x10240xf32, #tpu.memory_space<hbm>>
      %dma_start3A_44 = tpu.memref_squeeze %dma_start3A_43 : memref<1x10240xf32, #tpu.memory_space<hbm>> -> memref<10240xf32, #tpu.memory_space<hbm>>
      %dma_start3A_45 = arith.constant 0 : i32
      %dma_start3A_46 = tpu.memref_slice %arg5[%add3A, %dma_start3A_45] : memref<32x10240xf32, #tpu.memory_space<hbm>> -> memref<1x10240xf32, #tpu.memory_space<hbm>>
      %dma_start3A_47 = tpu.memref_squeeze %dma_start3A_46 : memref<1x10240xf32, #tpu.memory_space<hbm>> -> memref<10240xf32, #tpu.memory_space<hbm>>
      tpu.enqueue_dma source(%arg11 : memref<10240xf32, #tpu.memory_space<vmem>>) target(%dma_start3A_47 : memref<10240xf32, #tpu.memory_space<hbm>>) target_semaphore(%run_scoped3A : memref<!tpu.dma_semaphore, #tpu.memory_space<semaphore_mem>>)
      %dma_wait3A_48 = arith.constant 0 : i32
      %dma_wait3A_49 = tpu.memref_slice %arg5[%add3A, %dma_wait3A_48] : memref<32x10240xf32, #tpu.memory_space<hbm>> -> memref<1x10240xf32, #tpu.memory_space<hbm>>
      %dma_wait3A_50 = tpu.memref_squeeze %dma_wait3A_49 : memref<1x10240xf32, #tpu.memory_space<hbm>> -> memref<10240xf32, #tpu.memory_space<hbm>>
      %dma_wait3A_51 = arith.constant 0 : i32
      %dma_wait3A_52 = tpu.memref_slice %arg5[%add3A, %dma_wait3A_51] : memref<32x10240xf32, #tpu.memory_space<hbm>> -> memref<1x10240xf32, #tpu.memory_space<hbm>>
      %dma_wait3A_53 = tpu.memref_squeeze %dma_wait3A_52 : memref<1x10240xf32, #tpu.memory_space<hbm>> -> memref<10240xf32, #tpu.memory_space<hbm>>
      tpu.wait_dma2 semaphore(%run_scoped3A : memref<!tpu.dma_semaphore, #tpu.memory_space<semaphore_mem>>) src(%arg11 : memref<10240xf32, #tpu.memory_space<vmem>>) dst(%dma_wait3A_53 : memref<10240xf32, #tpu.memory_space<hbm>>)
      tpu.yield
    }) : () -> ()
    "tpu.region"() ({
      %run_scoped3A = tpu.sem_alloc : memref<!tpu.dma_semaphore, #tpu.memory_space<semaphore_mem>>
      %dma_start3A_42 = arith.constant 0 : i32
      %dma_start3A_43 = tpu.memref_slice %arg6[%add3A, %dma_start3A_42] : memref<32x10240xf32, #tpu.memory_space<hbm>> -> memref<1x10240xf32, #tpu.memory_space<hbm>>
      %dma_start3A_44 = tpu.memref_squeeze %dma_start3A_43 : memref<1x10240xf32, #tpu.memory_space<hbm>> -> memref<10240xf32, #tpu.memory_space<hbm>>
      %dma_start3A_45 = arith.constant 0 : i32
      %dma_start3A_46 = tpu.memref_slice %arg6[%add3A, %dma_start3A_45] : memref<32x10240xf32, #tpu.memory_space<hbm>> -> memref<1x10240xf32, #tpu.memory_space<hbm>>
      %dma_start3A_47 = tpu.memref_squeeze %dma_start3A_46 : memref<1x10240xf32, #tpu.memory_space<hbm>> -> memref<10240xf32, #tpu.memory_space<hbm>>
      tpu.enqueue_dma source(%arg12 : memref<10240xf32, #tpu.memory_space<vmem>>) target(%dma_start3A_47 : memref<10240xf32, #tpu.memory_space<hbm>>) target_semaphore(%run_scoped3A : memref<!tpu.dma_semaphore, #tpu.memory_space<semaphore_mem>>)
      %dma_wait3A_48 = arith.constant 0 : i32
      %dma_wait3A_49 = tpu.memref_slice %arg6[%add3A, %dma_wait3A_48] : memref<32x10240xf32, #tpu.memory_space<hbm>> -> memref<1x10240xf32, #tpu.memory_space<hbm>>
      %dma_wait3A_50 = tpu.memref_squeeze %dma_wait3A_49 : memref<1x10240xf32, #tpu.memory_space<hbm>> -> memref<10240xf32, #tpu.memory_space<hbm>>
      %dma_wait3A_51 = arith.constant 0 : i32
      %dma_wait3A_52 = tpu.memref_slice %arg6[%add3A, %dma_wait3A_51] : memref<32x10240xf32, #tpu.memory_space<hbm>> -> memref<1x10240xf32, #tpu.memory_space<hbm>>
      %dma_wait3A_53 = tpu.memref_squeeze %dma_wait3A_52 : memref<1x10240xf32, #tpu.memory_space<hbm>> -> memref<10240xf32, #tpu.memory_space<hbm>>
      tpu.wait_dma2 semaphore(%run_scoped3A : memref<!tpu.dma_semaphore, #tpu.memory_space<semaphore_mem>>) src(%arg12 : memref<10240xf32, #tpu.memory_space<vmem>>) dst(%dma_wait3A_53 : memref<10240xf32, #tpu.memory_space<hbm>>)
      tpu.yield
    }) : () -> ()
    "tpu.region"() ({
      %run_scoped3A = tpu.sem_alloc : memref<!tpu.dma_semaphore, #tpu.memory_space<semaphore_mem>>
      %dma_start3A_42 = arith.constant 0 : i32
      %dma_start3A_43 = tpu.memref_slice %arg7[%add3A, %dma_start3A_42] : memref<32x10000xf32, #tpu.memory_space<hbm>> -> memref<1x10000xf32, #tpu.memory_space<hbm>>
      %dma_start3A_44 = tpu.memref_squeeze %dma_start3A_43 : memref<1x10000xf32, #tpu.memory_space<hbm>> -> memref<10000xf32, #tpu.memory_space<hbm>>
      %dma_start3A_45 = arith.constant 0 : i32
      %dma_start3A_46 = tpu.memref_slice %arg7[%add3A, %dma_start3A_45] : memref<32x10000xf32, #tpu.memory_space<hbm>> -> memref<1x10000xf32, #tpu.memory_space<hbm>>
      %dma_start3A_47 = tpu.memref_squeeze %dma_start3A_46 : memref<1x10000xf32, #tpu.memory_space<hbm>> -> memref<10000xf32, #tpu.memory_space<hbm>>
      tpu.enqueue_dma source(%arg10 : memref<10000xf32, #tpu.memory_space<vmem>>) target(%dma_start3A_47 : memref<10000xf32, #tpu.memory_space<hbm>>) target_semaphore(%run_scoped3A : memref<!tpu.dma_semaphore, #tpu.memory_space<semaphore_mem>>)
      %dma_wait3A_48 = arith.constant 0 : i32
      %dma_wait3A_49 = tpu.memref_slice %arg7[%add3A, %dma_wait3A_48] : memref<32x10000xf32, #tpu.memory_space<hbm>> -> memref<1x10000xf32, #tpu.memory_space<hbm>>
      %dma_wait3A_50 = tpu.memref_squeeze %dma_wait3A_49 : memref<1x10000xf32, #tpu.memory_space<hbm>> -> memref<10000xf32, #tpu.memory_space<hbm>>
      %dma_wait3A_51 = arith.constant 0 : i32
      %dma_wait3A_52 = tpu.memref_slice %arg7[%add3A, %dma_wait3A_51] : memref<32x10000xf32, #tpu.memory_space<hbm>> -> memref<1x10000xf32, #tpu.memory_space<hbm>>
      %dma_wait3A_53 = tpu.memref_squeeze %dma_wait3A_52 : memref<1x10000xf32, #tpu.memory_space<hbm>> -> memref<10000xf32, #tpu.memory_space<hbm>>
      tpu.wait_dma2 semaphore(%run_scoped3A : memref<!tpu.dma_semaphore, #tpu.memory_space<semaphore_mem>>) src(%arg10 : memref<10000xf32, #tpu.memory_space<vmem>>) dst(%dma_wait3A_53 : memref<10000xf32, #tpu.memory_space<hbm>>)
      tpu.yield
    }) : () -> ()
    return
  }
}

module attributes {stable_mosaic.version = 14 : i64} {
  func.func @_a16_body(%arg0: i32, %arg1: memref<1280x128xf32, #tpu.memory_space<vmem>>, %arg2: memref<16x128xf32, #tpu.memory_space<vmem>>, %arg3: memref<1280x16xf32, #tpu.memory_space<vmem>>) attributes {dimension_semantics = [#tpu.dimension_semantics<arbitrary>], iteration_bounds = array<i64: 8>, scalar_prefetch = 0 : i64, scratch_operands = 0 : i64, tpu.core_type = #tpu.core_type<tc>, window_params = [{transform_indices = @transform_0, window_bounds = array<i64: 1280, 128>}, {pipeline_mode = #tpu.pipeline_mode<synchronous>, transform_indices = @transform_1, window_bounds = array<i64: 16, 128>}, {transform_indices = @transform_2, window_bounds = array<i64: 1280, 16>}]} {
    %get3A = arith.constant 0 : index
    %get3A_0 = arith.constant 0 : index
    %get3A_1 = vector.load %arg1[%get3A, %get3A_0] : memref<1280x128xf32, #tpu.memory_space<vmem>>, vector<1280x128xf32>
    %get3A_2 = arith.constant 0 : index
    %get3A_3 = arith.constant 0 : index
    %get3A_4 = vector.load %arg2[%get3A_2, %get3A_3] : memref<16x128xf32, #tpu.memory_space<vmem>>, vector<16x128xf32>
    %dot_general3A = arith.constant dense<0.000000e+00> : vector<1280x16xf32>
    %dot_general3A_5 = tpu.matmul %get3A_1, %get3A_4, %dot_general3A {dimension_numbers = #tpu.dot_dimension_numbers<[1], [1], [0], [0], [0, 0, 1, 0], [], []>, precision = #tpu.contract_precision<fp32>, transpose_lhs_hint = false} : vector<1280x128xf32>, vector<16x128xf32>, vector<1280x16xf32> -> vector<1280x16xf32>
    %swap3A = arith.constant 0 : index
    %swap3A_6 = arith.constant 0 : index
    %swap3A_7 = vector.load %arg3[%swap3A, %swap3A_6] : memref<1280x16xf32, #tpu.memory_space<vmem>>, vector<1280x16xf32>
    tpu.vector_store %arg3[%swap3A, %swap3A_6], %dot_general3A_5 {strides = array<i32>} : memref<1280x16xf32, #tpu.memory_space<vmem>>, vector<1280x16xf32>,
    return
  }
  func.func @transform_0(%arg0: i32) -> (i32, i32) {
    %c0_i32 = arith.constant 0 : i32
    %c0_i32_0 = arith.constant 0 : i32
    return %arg0, %c0_i32 : i32, i32
  }
  func.func @transform_1(%arg0: i32) -> (i32, i32) {
    %c0_i32 = arith.constant 0 : i32
    %c0_i32_0 = arith.constant 0 : i32
    %c0_i32_1 = arith.constant 0 : i32
    return %c0_i32, %c0_i32_0 : i32, i32
  }
  func.func @transform_2(%arg0: i32) -> (i32, i32) {
    %c0_i32 = arith.constant 0 : i32
    %c0_i32_0 = arith.constant 0 : i32
    return %arg0, %c0_i32 : i32, i32
  }
}

module attributes {stable_mosaic.version = 14 : i64} {
  func.func @_scale_table_body(%arg0: i32, %arg1: i32, %arg2: memref<2000x128xf32, #tpu.memory_space<vmem>>, %arg3: memref<11x128xf32, #tpu.memory_space<vmem>>, %arg4: memref<2000x128xf32, #tpu.memory_space<vmem>>) attributes {dimension_semantics = [#tpu.dimension_semantics<arbitrary>, #tpu.dimension_semantics<arbitrary>], iteration_bounds = array<i64: 11, 5>, scalar_prefetch = 0 : i64, scratch_operands = 0 : i64, tpu.core_type = #tpu.core_type<tc>, window_params = [{transform_indices = @transform_0, window_bounds = array<i64: 2000, 128>}, {pipeline_mode = #tpu.pipeline_mode<synchronous>, transform_indices = @transform_1, window_bounds = array<i64: 11, 128>}, {transform_indices = @transform_2, window_bounds = array<i64: 2000, 128>}]} {
    %get3A = arith.constant 0 : index
    %get3A_0 = arith.constant 0 : index
    %get3A_1 = vector.load %arg2[%get3A, %get3A_0] : memref<2000x128xf32, #tpu.memory_space<vmem>>, vector<2000x128xf32>
    %get3A_2 = arith.index_cast %arg0 : i32 to index
    %get3A_3 = arith.constant 0 : index
    %get3A_4 = vector.load %arg3[%get3A_2, %get3A_3] : memref<11x128xf32, #tpu.memory_space<vmem>>, vector<1x128xf32>
    %mul3A = vector.broadcast %get3A_4 : vector<1x128xf32> to vector<2000x128xf32>
    %mul3A_5 = arith.mulf %get3A_1, %mul3A : vector<2000x128xf32>
    %swap3A = arith.constant 0 : index
    %swap3A_6 = arith.constant 0 : index
    %swap3A_7 = vector.load %arg4[%swap3A, %swap3A_6] : memref<2000x128xf32, #tpu.memory_space<vmem>>, vector<2000x128xf32>
    tpu.vector_store %arg4[%swap3A, %swap3A_6], %mul3A_5 {strides = array<i32>} : memref<2000x128xf32, #tpu.memory_space<vmem>>, vector<2000x128xf32>,
    return
  }
  func.func @transform_0(%arg0: i32, %arg1: i32) -> (i32, i32) {
    %c0_i32 = arith.constant 0 : i32
    %c0_i32_0 = arith.constant 0 : i32
    return %arg1, %c0_i32 : i32, i32
  }
  func.func @transform_1(%arg0: i32, %arg1: i32) -> (i32, i32) {
    %c0_i32 = arith.constant 0 : i32
    %c0_i32_0 = arith.constant 0 : i32
    %c0_i32_1 = arith.constant 0 : i32
    return %c0_i32, %c0_i32_0 : i32, i32
  }
  func.func @transform_2(%arg0: i32, %arg1: i32) -> (i32, i32) {
    %mul3A = arith.constant 5 : i32
    %mul3A_0 = arith.muli %arg0, %mul3A : i32
    %add3A = arith.addi %mul3A_0, %arg1 : i32
    %c0_i32 = arith.constant 0 : i32
    %c0_i32_1 = arith.constant 0 : i32
    return %add3A, %c0_i32 : i32, i32
  }
}

module attributes {stable_mosaic.version = 14 : i64} {
  func.func @_combine_body(%arg0: i32, %arg1: memref<32x1280xf32, #tpu.memory_space<vmem>>, %arg2: memref<32x1280xf32, #tpu.memory_space<vmem>>, %arg3: memref<1x1280xf32, #tpu.memory_space<vmem>>, %arg4: memref<1x1280xf32, #tpu.memory_space<vmem>>) attributes {dimension_semantics = [#tpu.dimension_semantics<arbitrary>], iteration_bounds = array<i64: 8>, scalar_prefetch = 0 : i64, scratch_operands = 0 : i64, tpu.core_type = #tpu.core_type<tc>, window_params = [{transform_indices = @transform_0, window_bounds = array<i64: 32, 1280>}, {transform_indices = @transform_1, window_bounds = array<i64: 32, 1280>}, {transform_indices = @transform_2, window_bounds = array<i64: 1, 1280>}, {transform_indices = @transform_3, window_bounds = array<i64: 1, 1280>}]} {
    %get3A = arith.constant 0 : index
    %get3A_0 = arith.constant 0 : index
    %get3A_1 = vector.load %arg1[%get3A, %get3A_0] : memref<32x1280xf32, #tpu.memory_space<vmem>>, vector<32x1280xf32>
    %get3A_2 = arith.constant 0 : index
    %get3A_3 = arith.constant 0 : index
    %get3A_4 = vector.load %arg2[%get3A_2, %get3A_3] : memref<32x1280xf32, #tpu.memory_space<vmem>>, vector<32x1280xf32>
    %reduce_max3A = arith.constant dense<0xFF800000> : vector<1280xf32>
    %reduce_max3A_5 = vector.multi_reduction <maximumf>, %get3A_1, %reduce_max3A [0] : vector<32x1280xf32> to vector<1280xf32>
    %broadcast_in_dim3A = vector.shape_cast %reduce_max3A_5 : vector<1280xf32> to vector<1x1280xf32>
    %sub3A = vector.broadcast %broadcast_in_dim3A : vector<1x1280xf32> to vector<32x1280xf32>
    %sub3A_6 = arith.subf %get3A_1, %sub3A : vector<32x1280xf32>
    %exp3A = math.exp %sub3A_6 : vector<32x1280xf32>
    %mul3A = arith.mulf %get3A_4, %exp3A : vector<32x1280xf32>
    %reduce_sum3A = arith.constant dense<0.000000e+00> : vector<1280xf32>
    %reduce_sum3A_7 = vector.multi_reduction <add>, %mul3A, %reduce_sum3A [0] : vector<32x1280xf32> to vector<1280xf32>
    %broadcast_in_dim3A_8 = vector.shape_cast %reduce_sum3A_7 : vector<1280xf32> to vector<1x1280xf32>
    %swap3A = arith.constant 0 : index
    %swap3A_9 = arith.constant 0 : index
    %swap3A_10 = vector.load %arg3[%swap3A, %swap3A_9] : memref<1x1280xf32, #tpu.memory_space<vmem>>, vector<1x1280xf32>
    tpu.vector_store %arg3[%swap3A, %swap3A_9], %broadcast_in_dim3A {strides = array<i32>} : memref<1x1280xf32, #tpu.memory_space<vmem>>, vector<1x1280xf32>,
    %div3A = arith.constant 1.000000e+00 : f32
    %div3A_11 = vector.broadcast %div3A : f32 to vector<1x1280xf32>
    %div3A_12 = arith.divf %div3A_11, %broadcast_in_dim3A_8 : vector<1x1280xf32>
    %swap3A_13 = arith.constant 0 : index
    %swap3A_14 = arith.constant 0 : index
    %swap3A_15 = vector.load %arg4[%swap3A_13, %swap3A_14] : memref<1x1280xf32, #tpu.memory_space<vmem>>, vector<1x1280xf32>
    tpu.vector_store %arg4[%swap3A_13, %swap3A_14], %div3A_12 {strides = array<i32>} : memref<1x1280xf32, #tpu.memory_space<vmem>>, vector<1x1280xf32>,
    return
  }
  func.func @transform_0(%arg0: i32) -> (i32, i32) {
    %c0_i32 = arith.constant 0 : i32
    %c0_i32_0 = arith.constant 0 : i32
    return %c0_i32, %arg0 : i32, i32
  }
  func.func @transform_1(%arg0: i32) -> (i32, i32) {
    %c0_i32 = arith.constant 0 : i32
    %c0_i32_0 = arith.constant 0 : i32
    return %c0_i32, %arg0 : i32, i32
  }
  func.func @transform_2(%arg0: i32) -> (i32, i32) {
    %c0_i32 = arith.constant 0 : i32
    %c0_i32_0 = arith.constant 0 : i32
    return %c0_i32, %arg0 : i32, i32
  }
  func.func @transform_3(%arg0: i32) -> (i32, i32) {
    %c0_i32 = arith.constant 0 : i32
    %c0_i32_0 = arith.constant 0 : i32
    return %c0_i32, %arg0 : i32, i32
  }
}

module attributes {stable_mosaic.version = 14 : i64} {
  func.func @_user_body(%arg0: i32, %arg1: memref<256x10000xf32, #tpu.memory_space<vmem>>, %arg2: memref<10000x128xf32, #tpu.memory_space<vmem>>, %arg3: memref<256x128xf32, #tpu.memory_space<vmem>>, %arg4: memref<16x128xf32, #tpu.memory_space<vmem>>, %arg5: memref<256x128xf32, #tpu.memory_space<vmem>>) attributes {dimension_semantics = [#tpu.dimension_semantics<arbitrary>], iteration_bounds = array<i64: 16>, scalar_prefetch = 0 : i64, scratch_operands = 0 : i64, tpu.core_type = #tpu.core_type<tc>, window_params = [{transform_indices = @transform_0, window_bounds = array<i64: 256, 10000>}, {pipeline_mode = #tpu.pipeline_mode<synchronous>, transform_indices = @transform_1, window_bounds = array<i64: 10000, 128>}, {transform_indices = @transform_2, window_bounds = array<i64: 256, 128>}, {pipeline_mode = #tpu.pipeline_mode<synchronous>, transform_indices = @transform_3, window_bounds = array<i64: 16, 128>}, {transform_indices = @transform_4, window_bounds = array<i64: 256, 128>}]} {
    %get3A = arith.constant 0 : index
    %get3A_0 = arith.constant 0 : index
    %get3A_1 = vector.load %arg1[%get3A, %get3A_0] : memref<256x10000xf32, #tpu.memory_space<vmem>>, vector<256x10000xf32>
    %get3A_2 = arith.constant 0 : index
    %get3A_3 = arith.constant 0 : index
    %get3A_4 = vector.load %arg2[%get3A_2, %get3A_3] : memref<10000x128xf32, #tpu.memory_space<vmem>>, vector<10000x128xf32>
    %dot_general3A = arith.constant dense<0.000000e+00> : vector<256x128xf32>
    %dot_general3A_5 = tpu.matmul %get3A_1, %get3A_4, %dot_general3A {dimension_numbers = #tpu.dot_dimension_numbers<[1], [0], [0], [1], [0, 0, 1, 1], [], []>, precision = #tpu.contract_precision<fp32>, transpose_lhs_hint = false} : vector<256x10000xf32>, vector<10000x128xf32>, vector<256x128xf32> -> vector<256x128xf32>
    %get3A_6 = arith.constant 0 : index
    %get3A_7 = arith.constant 0 : index
    %get3A_8 = vector.load %arg3[%get3A_6, %get3A_7] : memref<256x128xf32, #tpu.memory_space<vmem>>, vector<256x128xf32>
    %get3A_9 = arith.constant 0 : index
    %get3A_10 = arith.constant 0 : index
    %get3A_11 = vector.load %arg4[%get3A_9, %get3A_10] : memref<16x128xf32, #tpu.memory_space<vmem>>, vector<16x128xf32>
    %dot_general3A_12 = arith.constant dense<0.000000e+00> : vector<256x16xf32>
    %dot_general3A_13 = tpu.matmul %get3A_8, %get3A_11, %dot_general3A_12 {dimension_numbers = #tpu.dot_dimension_numbers<[1], [1], [0], [0], [0, 0, 1, 0], [], []>, precision = #tpu.contract_precision<fp32>, transpose_lhs_hint = false} : vector<256x128xf32>, vector<16x128xf32>, vector<256x16xf32> -> vector<256x16xf32>
    %iota3A = tpu.iota {dimensions = array<i32: 1>} : vector<256x16xi32>
    %lt3A = arith.constant 11 : i32
    %lt3A_14 = vector.broadcast %lt3A : i32 to vector<256x16xi32>
    %lt3A_15 = arith.cmpi slt, %iota3A, %lt3A_14 : vector<256x16xi32>
    %jit3A = arith.constant -1.000000e+30 : f32
    %broadcast_in_dim3A = vector.broadcast %jit3A : f32 to vector<256x16xf32>
    %select_n3A = arith.select %lt3A_15, %dot_general3A_13, %broadcast_in_dim3A : vector<256x16xi1>, vector<256x16xf32>
    %reduce_max3A = arith.constant dense<0xFF800000> : vector<256xf32>
    %reduce_max3A_16 = vector.multi_reduction <maximumf>, %select_n3A, %reduce_max3A [1] : vector<256x16xf32> to vector<256xf32>
    %broadcast_in_dim3A_17 = vector.shape_cast %reduce_max3A_16 : vector<256xf32> to vector<256x1xf32>
    %sub3A = vector.broadcast %broadcast_in_dim3A_17 : vector<256x1xf32> to vector<256x16xf32>
    %sub3A_18 = arith.subf %select_n3A, %sub3A : vector<256x16xf32>
    %exp3A = math.exp %sub3A_18 : vector<256x16xf32>
    %reduce_sum3A = arith.constant dense<0.000000e+00> : vector<256xf32>
    %reduce_sum3A_19 = vector.multi_reduction <add>, %exp3A, %reduce_sum3A [1] : vector<256x16xf32> to vector<256xf32>
    %broadcast_in_dim3A_20 = vector.shape_cast %reduce_sum3A_19 : vector<256xf32> to vector<256x1xf32>
    %div3A = vector.broadcast %broadcast_in_dim3A_20 : vector<256x1xf32> to vector<256x16xf32>
    %div3A_21 = arith.divf %exp3A, %div3A : vector<256x16xf32>
    %get3A_22 = arith.constant 0 : index
    %get3A_23 = arith.constant 0 : index
    %get3A_24 = vector.load %arg4[%get3A_22, %get3A_23] : memref<16x128xf32, #tpu.memory_space<vmem>>, vector<16x128xf32>
    %dot_general3A_25 = arith.constant dense<0.000000e+00> : vector<256x128xf32>
    %dot_general3A_26 = tpu.matmul %div3A_21, %get3A_24, %dot_general3A_25 {dimension_numbers = #tpu.dot_dimension_numbers<[1], [0], [0], [1], [0, 0, 1, 1], [], []>, precision = #tpu.contract_precision<fp32>, transpose_lhs_hint = false} : vector<256x16xf32>, vector<16x128xf32>, vector<256x128xf32> -> vector<256x128xf32>
    %mul3A = arith.mulf %dot_general3A_26, %dot_general3A_5 : vector<256x128xf32>
    %add3A = arith.addf %dot_general3A_5, %mul3A : vector<256x128xf32>
    %swap3A = arith.constant 0 : index
    %swap3A_27 = arith.constant 0 : index
    %swap3A_28 = vector.load %arg5[%swap3A, %swap3A_27] : memref<256x128xf32, #tpu.memory_space<vmem>>, vector<256x128xf32>
    tpu.vector_store %arg5[%swap3A, %swap3A_27], %add3A {strides = array<i32>} : memref<256x128xf32, #tpu.memory_space<vmem>>, vector<256x128xf32>,
    return
  }
  func.func @transform_0(%arg0: i32) -> (i32, i32) {
    %c0_i32 = arith.constant 0 : i32
    %c0_i32_0 = arith.constant 0 : i32
    return %arg0, %c0_i32 : i32, i32
  }
  func.func @transform_1(%arg0: i32) -> (i32, i32) {
    %c0_i32 = arith.constant 0 : i32
    %c0_i32_0 = arith.constant 0 : i32
    %c0_i32_1 = arith.constant 0 : i32
    return %c0_i32, %c0_i32_0 : i32, i32
  }
  func.func @transform_2(%arg0: i32) -> (i32, i32) {
    %c0_i32 = arith.constant 0 : i32
    %c0_i32_0 = arith.constant 0 : i32
    return %arg0, %c0_i32 : i32, i32
  }
  func.func @transform_3(%arg0: i32) -> (i32, i32) {
    %c0_i32 = arith.constant 0 : i32
    %c0_i32_0 = arith.constant 0 : i32
    %c0_i32_1 = arith.constant 0 : i32
    return %c0_i32, %c0_i32_0 : i32, i32
  }
  func.func @transform_4(%arg0: i32) -> (i32, i32) {
    %c0_i32 = arith.constant 0 : i32
    %c0_i32_0 = arith.constant 0 : i32
    return %arg0, %c0_i32 : i32, i32
  }
}

module attributes {stable_mosaic.version = 14 : i64} {
  func.func @_final_body(%arg0: i32, %arg1: memref<1280x128xf32, #tpu.memory_space<vmem>>, %arg2: memref<1280x128xf32, #tpu.memory_space<vmem>>, %arg3: memref<1280x128xf32, #tpu.memory_space<vmem>>) attributes {dimension_semantics = [#tpu.dimension_semantics<arbitrary>], iteration_bounds = array<i64: 8>, scalar_prefetch = 0 : i64, scratch_operands = 0 : i64, tpu.core_type = #tpu.core_type<tc>, window_params = [{transform_indices = @transform_0, window_bounds = array<i64: 1280, 128>}, {transform_indices = @transform_1, window_bounds = array<i64: 1280, 128>}, {transform_indices = @transform_2, window_bounds = array<i64: 1280, 128>}]} {
    %get3A = arith.constant 0 : index
    %get3A_0 = arith.constant 0 : index
    %get3A_1 = vector.load %arg1[%get3A, %get3A_0] : memref<1280x128xf32, #tpu.memory_space<vmem>>, vector<1280x128xf32>
    %get3A_2 = arith.constant 0 : index
    %get3A_3 = arith.constant 0 : index
    %get3A_4 = vector.load %arg2[%get3A_2, %get3A_3] : memref<1280x128xf32, #tpu.memory_space<vmem>>, vector<1280x128xf32>
    %add3A = arith.addf %get3A_1, %get3A_4 : vector<1280x128xf32>
    %swap3A = arith.constant 0 : index
    %swap3A_5 = arith.constant 0 : index
    %swap3A_6 = vector.load %arg3[%swap3A, %swap3A_5] : memref<1280x128xf32, #tpu.memory_space<vmem>>, vector<1280x128xf32>
    tpu.vector_store %arg3[%swap3A, %swap3A_5], %add3A {strides = array<i32>} : memref<1280x128xf32, #tpu.memory_space<vmem>>, vector<1280x128xf32>,
    return
  }
  func.func @transform_0(%arg0: i32) -> (i32, i32) {
    %c0_i32 = arith.constant 0 : i32
    %c0_i32_0 = arith.constant 0 : i32
    return %arg0, %c0_i32 : i32, i32
  }
  func.func @transform_1(%arg0: i32) -> (i32, i32) {
    %c0_i32 = arith.constant 0 : i32
    %c0_i32_0 = arith.constant 0 : i32
    return %arg0, %c0_i32 : i32, i32
  }
  func.func @transform_2(%arg0: i32) -> (i32, i32) {
    %c0_i32 = arith.constant 0 : i32
    %c0_i32_0 = arith.constant 0 : i32
    return %arg0, %c0_i32 : i32, i32
  }
}

</mosaic_0001>

<sc_bundles>
// kernel: kernel.12.cloned.1.call-start
scs
__scs_entry_jumppad:
0x0: {  	(pc) =	sbr.rel $0x88, $3  }
0x1: {  	(tag) =	ssettag $0x0;
	lr =	simm.s32 $0x1  }
0x2: {  	[smem:$0x3F9B] =	sst lr;
	_ =	strace $0xD0000000  }
0x3: {  	_ = 	snop  }
0x4: {  	_ = 	snop  }
0x5: {  	_ = 	snop  }
0x6: {  	_ = 	snop  }
0x7: {  	_ = 	snop  }
__scs_overlays_trampoline_lowered:
0x8: {  	[smem:$0x3FAA] =	sst s0  }
0x9: {  	[smem:$0x3FAB] =	sst s1  }
0xa: {  	[smem:$0x3FAC] =	sst s2  }
0xb: {  	[smem:$0x3FAD] =	sst s3  }
0xc: {  	[smem:$0x3FAE] =	sst s4  }
0xd: {  	[smem:$0x3FAF] =	sst s5  }
0xe: {  	[smem:$0x3FB0] =	sst s6  }
0xf: {  	[smem:$0x3FB1] =	sst s7  }
0x10: {  	[smem:$0x3FB2] =	sst s8  }
0x11: {  	[smem:$0x3FB3] =	sst s9;
	s0 =	simm.s32 @!p0 $0x0  }
0x12: {  	s1 =	sld [smem:$0x3F99];
	s0 =	simm.s32 @p0 $0x1  }
0x13: {  	[smem:$0x3FB4] =	sst s0;
	s0 =	simm.s32 @!p1 $0x0  }
0x14: {  	s2 =	sld [smem:$0x3F98];
	s0 =	simm.s32 @p1 $0x1  }
0x15: {  	[smem:$0x3FB5] =	sst s0;
	s0 =	simm.s32 @!p2 $0x0  }
0x16: {  	s3 =	sld [smem:$0x3FDB];
	s0 =	simm.s32 @p2 $0x1  }
0x17: {  	s4 =	simm.s32 $0x1BF5;
	[smem:$0x3FB7] =	sst s0  }
0x18: {  	s0 =	sld [smem:$0x3F9A];
	_ =	swait.ge [sflag:s4], $0x0  }
0x19: {  	s7 =	sld [smem:$0x3F9B]  }
0x1a: {  	s8 =	sadd.s32 $0xFFFFE003, lr  }
0x1b: {  	s9 =	sadd.s32 $0xFFFFFEF7, lr;
	s5 =	simm.s32 $0xFFFFFFFF;
	p2 =	slt.u32 s8, $0xFFFFF086  }
0x1c: {  	p1 =	slt.u32 s9, $0xF7A;
	s5 =	simm.s32 @!p2 $0x0  }
0x1d: {  	s5 =	simm.s32 @p1 $0x1;
	p0 =	seq.s32 s7, s2  }
0x1e: {  	s7 =	smul.u32 @!p0 $0xF7A, s2;
	p2 =	seq.s32 @!p0 s5, $0x0  }
0x1f: {  	s9 =	smul.u32 $0xF7A, s1;
	s8 =	simm.s32 @!p0 $0x1BF5;
	p2 =	por !p2, p0  }
0x20: {  	[sflag:s8] =	ssyncset.s32 @!p0 $0xFFFFF086;
	s6 =	sadd.s32 @!p0 s3, s7;
	s7 =	simm.s32 @!p0 $0x108  }
0x21: {  	s3 =	sadd.s32 s3, s9;
	s6 =	sadd.s32 @!p0 $0x88, s6;
	s7 =	simm.s32 @p2 $0x1082  }
0x22: {  	[simem:s7], [sflag:s8] =	dma.local @!p0 [hbm:s6], $0xF7A  }
0x23: {  	s9 =	sor.u32 $0xD0000000, s2;
	s6 =	simm.s32 $0x108;
	_ =	swait.ge @!p0 [sflag:s8], $0x0  }
0x24: {  	s3 =	sadd.s32 $0x88, s3;
	s6 =	simm.s32 @!p1 $0x1082;
	[sflag:s4] =	ssyncset.s32 $0xFFFFF086  }
0x25: {  	[simem:s6], [sflag:s4] =	dma.local [hbm:s3], $0xF7A  }
0x26: {  	[smem:$0x3F9B] =	sst s1;
	(tag) =	ssettag s2;
	_ =	strace s9  }
0x27: {  	s1 =	sld [smem:$0x3FAB]  }
0x28: {  	s2 =	sld [smem:$0x3FAC]  }
0x29: {  	s4 =	sld [smem:$0x3FAE]  }
0x2a: {  	p0 =	seq.s32 s5, $0x0;
	s5 =	sld [smem:$0x3FAF]  }
0x2b: {  	s6 =	sld [smem:$0x3FB0]  }
0x2c: {  	s7 =	sld [smem:$0x3FB1]  }
0x2d: {  	s3 =	simm.s32 $0x108;
	s8 =	sld [smem:$0x3FB2]  }
0x2e: {  	s3 =	simm.s32 @!p0 $0x1082;
	s9 =	sld [smem:$0x3FB3]  }
0x2f: {  	lr =	sadd.s32 s0, s3;
	s0 =	sld [smem:$0x3FAA]  }
0x30: {  	s3 =	sld [smem:$0x3FAD]  }
0x31: {  	[smem:$0x3FB6] =	sst s10  }
0x32: {  	s10 =	sld [smem:$0x3FB4];
	_ =	sdelay $0x3  }
0x33: {  	p0 =	seq.s32 s10, $0x1;
	s10 =	sld [smem:$0x3FB6];
	_ =	sdelay $0x3  }
0x34: {  	[smem:$0x3FB6] =	sst s10  }
0x35: {  	s10 =	sld [smem:$0x3FB5];
	_ =	sdelay $0x3  }
0x36: {  	p1 =	seq.s32 s10, $0x1;
	s10 =	sld [smem:$0x3FB6];
	_ =	sdelay $0x3  }
0x37: {  	[smem:$0x3FB6] =	sst s10  }
0x38: {  	s10 =	sld [smem:$0x3FB7]  }
0x39: {  	_ = 	snop;
	(pc) =	sbr.ind lr, $3  }
0x3a: {  	_ = 	snop  }
0x3b: {  	_ = 	snop  }
0x3c: {  	p2 =	seq.s32 s10, $0x1;
	s10 =	sld [smem:$0x3FB6]  }
0x3d: {  	_ =	shalt  }
0x3e: {  	_ =	shalt  }
0x3f: {  	_ =	shalt  }
0x40: {  	_ =	shalt  }
0x41: {  	_ =	shalt  }
0x42: {  	_ =	shalt  }
0x43: {  	_ =	shalt  }
0x44: {  	_ =	shalt  }
0x45: {  	_ =	shalt  }
0x46: {  	_ =	shalt  }
0x47: {  	_ =	shalt  }
0x48: {  	_ =	shalt  }
0x49: {  	_ =	shalt  }
0x4a: {  	_ =	shalt  }
0x4b: {  	_ =	shalt  }
0x4c: {  	_ =	shalt  }
0x4d: {  	_ =	shalt  }
0x4e: {  	_ =	shalt  }
0x4f: {  	_ =	shalt  }
0x50: {  	_ =	shalt  }
0x51: {  	_ =	shalt  }
0x52: {  	_ =	shalt  }
0x53: {  	_ =	shalt  }
0x54: {  	_ =	shalt  }
0x55: {  	_ =	shalt  }
0x56: {  	_ =	shalt  }
0x57: {  	_ =	shalt  }
0x58: {  	_ =	shalt  }
0x59: {  	_ =	shalt  }
0x5a: {  	_ =	shalt  }
0x5b: {  	_ =	shalt  }
0x5c: {  	_ =	shalt  }
0x5d: {  	_ =	shalt  }
0x5e: {  	_ =	shalt  }
0x5f: {  	_ =	shalt  }
0x60: {  	_ =	shalt  }
0x61: {  	_ =	shalt  }
0x62: {  	_ =	shalt  }
0x63: {  	_ =	shalt  }
0x64: {  	_ =	shalt  }
0x65: {  	_ =	shalt  }
0x66: {  	_ =	shalt  }
0x67: {  	_ =	shalt  }
0x68: {  	_ =	shalt  }
0x69: {  	_ =	shalt  }
0x6a: {  	_ =	shalt  }
0x6b: {  	_ =	shalt  }
0x6c: {  	_ =	shalt  }
0x6d: {  	_ =	shalt  }
0x6e: {  	_ =	shalt  }
0x6f: {  	_ =	shalt  }
0x70: {  	_ =	shalt  }
0x71: {  	_ =	shalt  }
0x72: {  	_ =	shalt  }
0x73: {  	_ =	shalt  }
0x74: {  	_ =	shalt  }
0x75: {  	_ =	shalt  }
0x76: {  	_ =	shalt  }
0x77: {  	_ =	shalt  }
0x78: {  	_ =	shalt  }
0x79: {  	_ =	shalt  }
0x7a: {  	_ =	shalt  }
0x7b: {  	_ =	shalt  }
0x7c: {  	_ =	shalt  }
0x7d: {  	_ =	shalt  }
0x7e: {  	_ =	shalt  }
0x7f: {  	_ =	shalt  }
0x80: {  	_ =	shalt  }
0x81: {  	_ =	shalt  }
0x82: {  	_ =	shalt  }
0x83: {  	_ =	shalt  }
0x84: {  	_ =	shalt  }
0x85: {  	_ =	shalt  }
0x86: {  	_ =	shalt  }
0x87: {  	_ =	shalt  }
.Lfunc_end0:
.L_simem_size_0:
called_computation.1_lowered:
.L_overlay_start_0:
0x88: {  	s2 =	sld [smem:$0x3FD9]  }
0x89: {  	s3 =	sld [smem:$0x3FFE];
	_ =	sdelay $0x1  }
0x8a: {  	s1 =	srdreg.scid  }
0x8b: {  	s0 =	sand.u32 $0x1, s1  }
0x8c: {  	s14 =	sshll.u32 s0, $0xA;
	s2 =	sadd.s32 s3, s2  }
0x8d: {  	s2 =	sadd.s32 s2, s14  }
0x8e: {  	[smem:$0x3FC2] =	sst s2  }
0x8f: {  	_ = 	snop  }
0x90: {  	s2 =	sld [smem:$0x3FD0];
	_ =	sdelay $0x2  }
0x91: {  	s15 =	simm.s32 $0xA;
	s4 =	simm.s32 $0x10  }
0x92: {  	[smem:s4], [sflag:s15] =	dma.local [hbm:s2], $0x1  }
0x93: {  	_ =	swait.eq [sflag:s15], $0x1  }
0x94: {  	[sflag:s15] =	ssyncset.done $0x0  }
0x95: {  	[sflag:s15] =	ssyncadd.s32 $0xFFFFFFFF  }
0x96: {  	s16 =	sld [smem:$0x10];
	(tm) =	ssettm $0x1  }
0x97: {  	s17 =	sld [smem:$0x3FFB];
	_ =	sdelay $0x3  }
0x98: {  	_ =	strace s17  }
0x99: {  	s3 =	sld [smem:$0x3FFC];
	_ =	sdelay $0x3  }
0x9a: {  	_ =	strace s3  }
0x9b: {  	s3 =	sld [smem:$0x3FFD];
	_ =	sdelay $0x3  }
0x9c: {  	_ =	strace s3  }
0x9d: {  	_ =	strace $0x8FFFFFFF  }
0x9e: {  	s18 =	sld [smem:$0x3FDB];
	_ =	sdelay $0x1  }
0x9f: {  	s19 =	simm.s32 $_scs_section_size  }
0xa0: {  	s5 =	simm.s32 $_size__tile_overlayer_lowered;
	s6 =	simm.s32 $_tile_overlayer_lowered  }
0xa1: {  	s22 =	simm.s32 $0x1BFF;
	s21 =	sshll.u32 s6, $0x1;
	s3 =	sadd.s32 s19, s18  }
0xa2: {  	s7 =	simm.s32 $0x0;
	s20 =	sshll.u32 s5, $0x1;
	s5 =	sadd.s32 s21, s3  }
0xa3: {  	[timem:s7], [sflag:s22] =	dma.local [hbm:s5], s20  }
0xa4: {  	_ =	swait.ge [sflag:s22], s20  }
0xa5: {  	s4 =	ssub.s32 $0x0, s20;
	[sflag:s22] =	ssyncset.done $0x0  }
0xa6: {  	[sflag:s22] =	ssyncadd.s32 s4;
	_ =	sdelay $0x1  }
0xa7: {  	s23 =	simm.s32 $0x1B8B  }
0xa8: {  	_ =	swait.ge [sflag:s23], $0x1  }
0xa9: {  	[sflag:s23] =	ssyncset.done $0x0  }
0xaa: {  	s25 =	simm.s32 $0x1B8E;
	s24 =	sld [smem:$0x3FFE];
	[sflag:s23] =	ssyncadd.s32 $0xFFFFFFFF  }
0xab: {  	s26 =	simm.s32 $execute0_lowered;
	[smem:$0x3FD2] =	sst s25  }
0xac: {  	s5 =	sshll.u32 s26, $0x1;
	_ =	strace $0x80000049;
	[dreg:$0x1] =	wrdreg $0xFFFFFFFF  }
0xad: {  	s28 =	simm.s32 $_size_execute0_lowered;
	s3 =	sadd.s32 s3, s5;
	[dreg:$0x0] =	wrdreg $0x0  }
0xae: {  	s5 =	sshll.u32 s28, $0x1;
	[dreg:$0x2] =	wrdreg s3  }
0xaf: {  	[dreg:$0x3] =	wrdreg s5  }
0xb0: {  	[dreg:$0x4] =	wrdreg $0xC0  }
0xb1: {  	_ =	task [dreg:s7], $0x5FFFF  }
0xb2: {  	[dreg:$0x1] =	wrdreg $0xFFFFFFFF  }
0xb3: {  	[dreg:$0x0] =	wrdreg $0x60  }
0xb4: {  	[dreg:$0x2] =	wrdreg s24  }
0xb5: {  	[dreg:$0x3] =	wrdreg s16  }
0xb6: {  	[dreg:$0x4] =	wrdreg $0x12F000  }
0xb7: {  	[dreg:$0x5] =	wrdreg $0x9  }
0xb8: {  	_ =	task.clear_ibuf [dreg:s7], $0x6FFFF;
	_ =	strace $0x90000049  }
0xb9: {  	s29 =	simm.s32 $0x9;
	_ =	strace $0x8000004B  }
0xba: {  	_ =	swait.ge [sflag:s29], $0x1  }
0xbb: {  	[sflag:s29] =	ssyncadd.s32 $0xFFFFFFFF  }
0xbc: {  	_ =	strace $0x9000004B  }
0xbd: {  	_ =	sfence  }
0xbe: {  	s30 =	sld [smem:$0x0];
	_ =	sdelay $0x2  }
0xbf: {  	s31 =	sshll.u32 s1, $0xD;
	s1 =	sshrl.u32 s1, $0x2  }
0xc0: {  	s3 =	sand.u32 $0x4000, s31;
	s1 =	sadd.s32 s1, s30  }
0xc1: {  	s0 =	sor.u32 s3, s0;
	s1 =	sshll.u32 s1, $0x11  }
0xc2: {  	s0 =	sor.u32 s1, s0  }
0xc3: {  	s0 =	sadd.s32 $0x8F2B, s0  }
0xc4: {  	[sflag:s0] =	ssyncadd.remote.s32 $0x1  }
0xc5: {  	_ =	sfence.sel $0xFFFF  }
0xc6: {  	[dreg:$0x0] =	wrdreg $0xFFFFFFFF;
	(pc) =	sbr.abs _section_cstart, $3  }
0xc7: {  	[dreg:$0x1] =	wrdreg $0xFFFFFFFF  }
0xc8: {  	_ =	task.clear_ibuf [dreg:s7], $0x2FFFF;
	_ =	strace $0x9FFFFFFF  }
0xc9: {  	(tm) =	ssettm $0x7FFFFFFF  }
tec
execute0_lowered:
.L_overlay_start_1:
0x0: {  	(tag) =	ssettag $0x1  }
0x1: {  	s0 =	srdreg.scid  }
0x2: {  	s10 =	stileid.u32;
	s1 =	rddreg [dreg:$0x0]  }
0x3: {  	s5 =	rddreg [dreg:$0x1];
	s28 =	simm.s32 $0x1;
	s31 =	simm.s32 $0xB680  }
0x4: {  	s30 =	simm.s32 $0x10680;
	s0 =	sand.u32 $0x1, s0;
	s2 =	sshll.u32 s10, $0x1  }
0x5: {  	s3 =	sshrl.u32 s10, $0x2;
	s8 =	sadd.s32 $0x1200, s1;
	s14 =	smul.u32 $0x28000, s10  }
0x6: {  	s12 =	sadd.s32 $0x1800, s1;
	s16 =	smul.u32 $0xA000, s10;
	s6 =	sor.u32 s0, s2  }
0x7: {  	s2 =	rddreg [dreg:$0x2];
	s4 =	smul.u32 $0x13C00, s3;
	s3 =	simm.s32 $0x0  }
0x8: {  	s13 =	ssub.s32 $0x2, s0;
	s0 =	smul.u32 $0x140000, s0;
	s7 =	sshll.u32 s6, $0x7  }
0x9: {  	[smem:$0x7FF] =	sst s3;
	s9 =	sshrl.u32 s13, $0x1;
	s6 =	sshll.u32 s6, $0xB  }
0xa: {  	s17 =	sshrl.u32 s14, $0x2;
	s18 =	sadd.s32 $0x2800, s16;
	s20 =	sadd.s32 $0x5000, s16  }
0xb: {  	s7 =	sand.u32 $0x380, s7;
	_ =	strace $0x8000004A;
	[dreg:$0x4] =	wrdreg s8  }
0xc: {  	[dreg:$0x5] =	wrdreg s12;
	s8 =	ssub.s32 s13, s9;
	s10 =	sadd.s32 s5, s6  }
0xd: {  	s12 =	sadd.s32 s18, s2;
	s19 =	sadd.s32 s16, s0;
	s9 =	sadd.s32 $0x7800, s16  }
0xe: {  	s13 =	sadd.s32 s20, s2;
	s21 =	sadd.s32 s0, s18;
	s22 =	sadd.s32 s0, s20  }
0xf: {  	s4 =	sor.u32 s4, s7;
	s5 =	sshrl.u32 s19, $0x3;
	s14 =	sadd.s32 s9, s2  }
0x10: {  	s0 =	sadd.s32 s0, s9;
	s6 =	sshrl.u32 s22, $0x3;
	s7 =	sshrl.u32 s4, $0x3  }
0x11: {  	s24 =	sadd.s32 $0x10000, s10;
	s19 =	simm.s32 $0x2780;
	s7 =	sadd.s32 s7, s1  }
0x12: {  	s4 =	sadd.s32 $0x2DC00, s1;
	[dreg:$0xc] =	wrdreg s24;
	s11 =	sadd.s32 $0x1E5600, s7  }
0x13: {  	s0 =	sshrl.u32 s0, $0x3;
	s15 =	sadd.s32 $0x1DB800, s7;
	[dreg:$0x6] =	wrdreg s11  }
0x14: {  	s1 =	sadd.s32 $0x1EF400, s1;
	s7 =	sadd.s32 $0x23E00, s7;
	[dreg:$0x7] =	wrdreg s15  }
0x15: {  	s23 =	sadd.s32 s1, s6;
	s0 =	sadd.s32 s1, s0;
	[dreg:$0x8] =	wrdreg s7  }
0x16: {  	s15 =	sadd.s32 s1, s5;
	s5 =	sshrl.u32 s21, $0x3;
	[dreg:$0xa] =	wrdreg s23  }
0x17: {  	s24 =	smax.u32 s8, $0x1;
	[dreg:$0xb] =	wrdreg s0;
	s5 =	sadd.s32 s1, s5  }
0x18: {  	s6 =	simm.s32 $0x0;
	s25 =	sadd.s32 $0x14000, s15;
	[dreg:$0x9] =	wrdreg s5  }
0x19: {  	s11 =	sadd.s32 s17, s2;
	s26 =	sadd.s32 $0x14500, s15;
	[dreg:$0xd] =	wrdreg s25  }
0x1a: {  	s0 =	simm.s32 $0x50;
	s29 =	sadd.s32 $0x14A00, s15;
	[dreg:$0xe] =	wrdreg s26  }
0x1b: {  	s23 =	sadd.s32 $0x14F00, s15;
	s1 =	simm.s32 $0xDE80;
	[dreg:$0xf] =	wrdreg s29  }
0x1c: {  	v0 =	vimm.f32 $0.0e+00;
	s25 =	simm.s32 $0x80;
	s26 =	simm.s32 $0x400;
	s5 =	simm.s32 $0x12E80  }
.LBB2_1:
0x1d: {  	s7 =	rddreg [dreg:$0x6]  }
0x1e: {  	[tilespmem:s3], [sflag:$0x1] =	stream.strided.gather [hbm4b:s7+s25], $0x2780, s26, s25, $0x38;
	[tilespmem:$0x1CF00] =	vst v63  }
0x1f: {  	_ =	swait.ge [sflag:s28], $0x2780  }
0x20: {  	[sflag:s28] =	ssyncset.done $0x0  }
0x21: {  	s8 =	simm.s32 $0x6780;
	s18 =	rddreg [dreg:$0x7];
	[sflag:s28] =	ssyncadd.s32 $0xFFFFD880  }
0x22: {  	[tilespmem:s8], [sflag:$0x1] =	stream.strided.gather [hbm4b:s18+s25], $0x2780, s26, s25, $0x38;
	[tilespmem:$0x1CF00] =	vst v63  }
0x23: {  	_ =	swait.ge [sflag:s28], $0x2780  }
0x24: {  	[sflag:s28] =	ssyncset.done $0x0  }
0x25: {  	s21 =	simm.s32 $0x8F00;
	s20 =	rddreg [dreg:$0x8];
	[sflag:s28] =	ssyncadd.s32 $0xFFFFD880  }
0x26: {  	[tilespmem:s21], [sflag:$0x1] =	stream.strided.gather [hbm4b:s20+s25], $0x2780, s26, s25, $0x38;
	[tilespmem:$0x1CF00] =	vst v63  }
0x27: {  	_ =	swait.ge [sflag:s28], $0x2780  }
0x28: {  	[sflag:s28] =	ssyncset.done $0x0  }
0x29: {  	s22 =	rddreg [dreg:$0x4];
	[sflag:s28] =	ssyncadd.s32 $0xFFFFD880  }
0x2a: {  	[tilespmem:s31], [sflag:$0x1] =	stream.linear.gather [hbm4b:s22+s3], $0x2800, $0x38;
	[tilespmem:$0x1CF00] =	vst v63  }
0x2b: {  	_ =	swait.ge [sflag:s28], $0x2800  }
0x2c: {  	[sflag:s28] =	ssyncset.done $0x0  }
0x2d: {  	s29 =	rddreg [dreg:$0x5];
	[sflag:s28] =	ssyncadd.s32 $0xFFFFD800  }
0x2e: {  	[tilespmem:s1], [sflag:$0x1] =	stream.linear.gather [hbm4b:s29+s3], $0x2800, $0x38;
	[tilespmem:$0x1CF00] =	vst v63  }
0x2f: {  	_ =	swait.ge [sflag:s28], $0x2800  }
0x30: {  	[sflag:s28] =	ssyncset.done $0x0  }
0x31: {  	[sflag:s28] =	ssyncadd.s32 $0xFFFFD800  }
0x32: {  	[tilespmem:s19], [sflag:$0x1] =	stream.linear.gather [hbm4b:s10+s3], $0x3E80, $0x38;
	[tilespmem:$0x1CF00] =	vst v63  }
0x33: {  	_ =	swait.ge [sflag:s28], $0x3E80  }
0x34: {  	[sflag:s28] =	ssyncset.done $0x0  }
0x35: {  	s7 =	simm.s32 $0x0;
	s8 =	simm.s32 $0x200;
	[sflag:s28] =	ssyncadd.s32 $0xFFFFC180  }
.LBB2_2:
0x36: {  	p0 =	sne.s32 s8, $0x9E00;
	[tilespmem:s7+$0x106F0] =	vst v0  }
0x37: {  	[tilespmem:s7+$0x10680] =	vst v0  }
0x38: {  	[tilespmem:s7+$0x10690] =	vst v0  }
.Ltmp0:
0x39: {  	[tilespmem:s7+$0x106A0] =	vst v0;
	(pc) =	sbr.rel @p0 .LBB2_2-.Ltmp0, $4  }
0x3a: {  	[tilespmem:s7+$0x106B0] =	vst v0  }
0x3b: {  	[tilespmem:s7+$0x106C0] =	vst v0  }
0x3c: {  	[tilespmem:s7+$0x106D0] =	vst v0  }
0x3d: {  	[tilespmem:s7+$0x106E0] =	vst v0;
	s7 =	sshra.s32 s8, $0x2;
	s8 =	sadd.s32 $0x200, s8  }
0x3e: {  	[tilespmem:s7+$0x106F0] =	vst v0  }
0x3f: {  	[tilespmem:s7+$0x10680] =	vst v0  }
0x40: {  	[tilespmem:s7+$0x10690] =	vst v0  }
0x41: {  	[tilespmem:s7+$0x106A0] =	vst v0  }
0x42: {  	[tilespmem:s7+$0x106B0] =	vst v0  }
0x43: {  	[tilespmem:s7+$0x106C0] =	vst v0  }
0x44: {  	[tilespmem:s7+$0x106D0] =	vst v0  }
0x45: {  	[tilespmem:s7+$0x106E0] =	vst v0  }
0x46: {  	[spmem:s11] =	stream.linear.scatter [tilespmem:s30], [sflag:$0x1], $0x2800, $0x38;
	[tilespmem:$0x1CF00] =	vst v63  }
0x47: {  	_ =	swait.ge [sflag:s28], $0x2800  }
0x48: {  	[sflag:s28] =	ssyncset.done $0x0  }
0x49: {  	[sflag:s28] =	ssyncadd.s32 $0xFFFFD800  }
0x4a: {  	[spmem:s12] =	stream.linear.scatter [tilespmem:s30], [sflag:$0x1], $0x2800, $0x38;
	[tilespmem:$0x1CF00] =	vst v63  }
0x4b: {  	_ =	swait.ge [sflag:s28], $0x2800  }
0x4c: {  	[sflag:s28] =	ssyncset.done $0x0  }
0x4d: {  	[sflag:s28] =	ssyncadd.s32 $0xFFFFD800  }
0x4e: {  	[spmem:s13] =	stream.linear.scatter [tilespmem:s30], [sflag:$0x1], $0x2800, $0x38;
	[tilespmem:$0x1CF00] =	vst v63  }
0x4f: {  	_ =	swait.ge [sflag:s28], $0x2800  }
0x50: {  	[sflag:s28] =	ssyncset.done $0x0  }
0x51: {  	[sflag:s28] =	ssyncadd.s32 $0xFFFFD800  }
0x52: {  	[spmem:s14] =	stream.linear.scatter [tilespmem:s30], [sflag:$0x1], $0x2800, $0x38;
	[tilespmem:$0x1CF00] =	vst v63  }
0x53: {  	_ =	swait.ge [sflag:s28], $0x2800  }
0x54: {  	[sflag:s28] =	ssyncset.done $0x0  }
0x55: {  	[sflag:s28] =	ssyncadd.s32 $0xFFFFD800  }
0x56: {  	s7 =	simm.s32 $0x0;
	[bflag:$0x0] =	sbarrier.arrive $0xFFFF  }
.LBB2_4:
0x57: {  	s8 =	smul.u32 $0x50, s7;
	_ =	sdelay $0x1  }
0x58: {  	s9 =	sadd.s32 $0x6780, s8;
	v1 =	vmov s8  }
0x59: {  	[tilespmem:s30], [sflag:$0x1] =	stream.indirect.gather [hbm4b:s4+s0], $0x80, s9, s0, $0xb8;
	[tilespmem:$0x1CF00] =	vst v63  }
0x5a: {  	_ =	swait.ge [sflag:s28], $0x2800  }
0x5b: {  	[sflag:s28] =	ssyncset.done $0x0  }
0x5c: {  	p0 =	por $0x1, $0x1;
	s9 =	simm.s32 $0x0;
	[sflag:s28] =	ssyncadd.s32 $0xFFFFD800  }
.LBB2_5:
0x5d: {  	v2 =	vld.idx.msk [tilespmem:v1+s9+$0x0 ss:$0x1], $0xffff  }
0x5e: {  	v3 =	vld.idx.msk [tilespmem:v1+s9+$0x10 ss:$0x1], $0xffff;
	_ =	sdelay $0x4  }
0x5f: {  	v4 =	vld.idx.msk [tilespmem:v1+s9+$0x8F00 ss:$0x1], $0xffff  }
0x60: {  	v6 =	vld.idx.msk [tilespmem:v1+s9+$0x8F10 ss:$0x1], $0xffff  }
0x61: {  	v5 =	vld.idx.msk [tilespmem:v2+s31+$0x0], $0xffff  }
0x62: {  	v7 =	vld.idx.msk [tilespmem:v3+s31+$0x0], $0xffff;
	_ =	sdelay $0x3  }
0x63: {  	v4 =	vsub.f32 v4, v5  }
0x64: {  	v59 =	vsub.f32 v6, v7  }
0x65: {  	v4 =	vmul.f32 $1.442695020e+00, v4  }
0x66: {  	v5 =	vmul.f32 $1.442695020e+00, v59  }
0x67: {  	(erf) = vpow2.f32 v4  }
0x68: {  	(erf) = vpow2.f32 v5;
	_ =	sdelay $0x3  }
0x69: {  	v60 =	vld.idx.msk [tilespmem:v2+s1+$0x0], $0xffff  }
0x6a: {  	v61 =	vld.idx.msk [tilespmem:v3+s1+$0x0], $0xffff;
	_ =	sdelay $0x2  }
0x6b: {  	p1 =	por p0, p0;
	v62 =	vpop (erf)  }
.Ltmp1:
0x6c: {  	v4 =	vmul.f32 v62, v60;
	v63 =	vpop (erf);
	(pc) =	sbr.rel @p1 .LBB2_5-.Ltmp1, $4  }
0x6d: {  	vm0 =	vlt.u32 v2, $0x1400;
	v5 =	vmul.f32 v63, v61  }
0x6e: {  	vm15 =	vlt.u32 v3, $0x1400;
	v2 =	vnsel vm0, $0x0, v4  }
0x6f: {  	[tilespmem:s9+$0x12E80] =	vst v2;
	v2 =	vnsel vm15, $0x0, v5  }
0x70: {  	p0 =	por $0x0, $0x0;
	[tilespmem:s9+$0x12E90] =	vst v2;
	s9 =	simm.s32 $0x20  }
0x71: {  	v1 =	vld [tilespmem:s8+$0x40];
	_ =	sdelay $0x6  }
0x72: {  	v2 =	vld [tilespmem:s8+$0x8F40]  }
0x73: {  	v3 =	vld.idx.msk [tilespmem:v1+s31+$0x0], $0xffff;
	_ =	sdelay $0x4  }
0x74: {  	v2 =	vsub.f32 v2, v3;
	_ =	sdelay $0x1  }
0x75: {  	v2 =	vmul.f32 $1.442695020e+00, v2;
	_ =	sdelay $0x1  }
0x76: {  	(erf) = vpow2.f32 v2;
	_ =	sdelay $0x4  }
0x77: {  	s18 =	simm.s32 $0x0;
	v2 =	vld.idx.msk [tilespmem:v1+s1+$0x0], $0xffff  }
0x78: {  	s20 =	simm.s32 $0x2;
	v3 =	vmov s18  }
0x79: {  	v4 =	vmov s20;
	v3 =	vand.u32 $0xFFFFFFFC, v3  }
0x7a: {  	v4 =	vand.u32 $0xFFFFFFFE, v4;
	v3 =	vbroadcast v3, $0x0  }
0x7b: {  	v4 =	vbroadcast v4, $0x0;
	v5 =	vpop (erf)  }
0x7c: {  	v2 =	vmul.f32 v5, v2  }
0x7d: {  	vm0 =	vlt.u32 v1, $0x1400  }
0x7e: {  	v1 =	vnsel vm0, $0x0, v2  }
0x7f: {  	[tilespmem:$0x12EC0] =	vst v1  }
0x80: {  	v1 =	vld.idx.msk [tilespmem:v3+s5+$0x0], $0xffff  }
0x81: {  	s8 =	simm.s32 $0x10780;
	v2 =	vld.idx.msk [tilespmem:v4+s5+$0x0], $0xffff  }
0x82: {  	v4 =	vld [tilespmem:s8+$0x70]  }
0x83: {  	v5 =	vld [tilespmem:s8+$0xFFFFFF00]  }
0x84: {  	s9 =	simm.s32 $0x1;
	v6 =	vld [tilespmem:s8+$0xFFFFFF10]  }
0x85: {  	v3 =	vmov s9;
	v7 =	vld [tilespmem:s8+$0xFFFFFF20]  }
0x86: {  	v8 =	vld [tilespmem:s8+$0xFFFFFF30];
	v3 =	vand.u32 $0xFFFFFFFD, v3  }
0x87: {  	v9 =	vld [tilespmem:s8+$0xFFFFFF40];
	v3 =	vbroadcast v3, $0x0  }
0x88: {  	v10 =	vld [tilespmem:s8+$0xFFFFFF50]  }
0x89: {  	v11 =	vld [tilespmem:s8+$0xFFFFFF60];
	v5 =	vmul.f32 v5, v1  }
0x8a: {  	v13 =	vld [tilespmem:s8+$0x40];
	v4 =	vmul.f32 v4, v2  }
0x8b: {  	[tilespmem:s8+$0xFFFFFF00] =	vst v5;
	v5 =	vmul.f32 v6, v1;
	v6 =	vld [tilespmem:s8+$0xFFFFFF70]  }
0x8c: {  	[tilespmem:s8+$0x70] =	vst v4;
	v4 =	vmul.f32 v7, v1;
	v7 =	vld [tilespmem:s8+$0xFFFFFF80]  }
0x8d: {  	v3 =	vld.idx.msk [tilespmem:v3+s5+$0x0], $0xffff;
	[tilespmem:s8+$0xFFFFFF10] =	vst v5;
	v5 =	vmul.f32 v8, v1  }
0x8e: {  	v8 =	vld [tilespmem:s8+$0xFFFFFF90];
	[tilespmem:s8+$0xFFFFFF20] =	vst v4;
	v4 =	vmul.f32 v9, v1  }
0x8f: {  	v9 =	vld [tilespmem:s8+$0xFFFFFFA0];
	[tilespmem:s8+$0xFFFFFF30] =	vst v5;
	v5 =	vmul.f32 v10, v1  }
0x90: {  	v10 =	vld [tilespmem:s8+$0xFFFFFFB0];
	[tilespmem:s8+$0xFFFFFF40] =	vst v4;
	v4 =	vmul.f32 v11, v1  }
0x91: {  	v11 =	vld [tilespmem:s8+$0xFFFFFFC0];
	v6 =	vmul.f32 v6, v1;
	[tilespmem:s8+$0xFFFFFF50] =	vst v5  }
0x92: {  	v5 =	vmul.f32 v7, v3;
	v7 =	vld [tilespmem:s8+$0xFFFFFFD0];
	[tilespmem:s8+$0xFFFFFF60] =	vst v4  }
0x93: {  	s21 =	simm.s32 $0x3;
	v4 =	vld [tilespmem:s8+$0xFFFFFFE0];
	v8 =	vmul.f32 v8, v3;
	[tilespmem:s8+$0xFFFFFF70] =	vst v6  }
0x94: {  	v12 =	vmov s21;
	v6 =	vld [tilespmem:s8+$0xFFFFFFF0];
	[tilespmem:s8+$0xFFFFFF80] =	vst v5;
	v5 =	vmul.f32 v9, v3  }
0x95: {  	v9 =	vld [tilespmem:s8+$0x0];
	[tilespmem:s8+$0xFFFFFF90] =	vst v8;
	v8 =	vmul.f32 v10, v3  }
0x96: {  	v10 =	vld [tilespmem:s8+$0x10];
	[tilespmem:s8+$0xFFFFFFA0] =	vst v5;
	v5 =	vmul.f32 v11, v3  }
0x97: {  	[tilespmem:s8+$0xFFFFFFB0] =	vst v8;
	v7 =	vmul.f32 v7, v3;
	v8 =	vld [tilespmem:s8+$0x20]  }
0x98: {  	v11 =	vld [tilespmem:s8+$0x30];
	v4 =	vmul.f32 v4, v3;
	[tilespmem:s8+$0xFFFFFFC0] =	vst v5  }
0x99: {  	v1 =	vld.idx.msk [tilespmem:v12+s5+$0x0], $0xffff;
	v3 =	vmul.f32 v6, v3;
	[tilespmem:s8+$0xFFFFFFD0] =	vst v7  }
0x9a: {  	[tilespmem:s8+$0xFFFFFFE0] =	vst v4;
	v5 =	vmul.f32 v9, v2;
	v4 =	vld [tilespmem:s8+$0x50]  }
0x9b: {  	s22 =	simm.s32 $0x4;
	[tilespmem:s8+$0xFFFFFFF0] =	vst v3;
	v6 =	vmul.f32 v10, v2;
	v3 =	vld [tilespmem:s8+$0x60]  }
0x9c: {  	s29 =	simm.s32 $0x7;
	v7 =	vmov s22;
	[tilespmem:s8+$0x0] =	vst v5;
	v9 =	vmul.f32 v8, v2;
	v8 =	vld [tilespmem:s8+$0x80]  }
0x9d: {  	s16 =	simm.s32 $0x5;
	v12 =	vand.u32 $0xFFFFFFFC, v7;
	v7 =	vld [tilespmem:s8+$0x90];
	v5 =	vmov s29;
	v10 =	vmul.f32 v11, v2;
	[tilespmem:s8+$0x10] =	vst v6  }
0x9e: {  	s17 =	simm.s32 $0x6;
	s9 =	simm.s32 $0x10780;
	v11 =	vmul.f32 v13, v2;
	v6 =	vbroadcast v12, $0x0;
	v12 =	vmov s16;
	s16 =	simm.s32 $0x8;
	[tilespmem:s8+$0x20] =	vst v9;
	v9 =	vld [tilespmem:s8+$0xA0]  }
.LBB2_7:
0x9f: {  	p0 =	slt.u32 s16, $0x4C;
	v12 =	vand.u32 $0xFFFFFFFD, v12;
	v13 =	vmov s17;
	[tilespmem:s8+$0x30] =	vst v10;
	v4 =	vmul.f32 v4, v2;
	v10 =	vld [tilespmem:s8+$0xB0]  }
0xa0: {  	v12 =	vbroadcast v12, $0x0;
	v13 =	vand.u32 $0xFFFFFFFE, v13;
	[tilespmem:s8+$0x40] =	vst v11;
	v2 =	vmul.f32 v3, v2;
	v3 =	vld [tilespmem:s8+$0xC0]  }
0xa1: {  	v11 =	vbroadcast v13, $0x0;
	[tilespmem:s8+$0x50] =	vst v4;
	v4 =	vmul.f32 v8, v1;
	v8 =	vld [tilespmem:s8+$0xD0]  }
0xa2: {  	[tilespmem:s8+$0x60] =	vst v2;
	v2 =	vmul.f32 v7, v1;
	v7 =	vld [tilespmem:s8+$0xE0]  }
0xa3: {  	[tilespmem:s8+$0x80] =	vst v4;
	v4 =	vmul.f32 v9, v1;
	v9 =	vld [tilespmem:s8+$0xF0]  }
0xa4: {  	v5 =	vld.idx.msk [tilespmem:v5+s5+$0x0], $0xffff;
	[tilespmem:s8+$0x90] =	vst v2;
	v2 =	vmul.f32 v10, v1  }
0xa5: {  	v6 =	vld.idx.msk [tilespmem:v6+s5+$0x0], $0xffff;
	[tilespmem:s8+$0xA0] =	vst v4;
	v3 =	vmul.f32 v3, v1  }
0xa6: {  	v4 =	vld.idx.msk [tilespmem:v12+s5+$0x0], $0xffff;
	[tilespmem:s8+$0xB0] =	vst v2;
	v8 =	vmul.f32 v8, v1  }
0xa7: {  	s8 =	sadd.s32 $0x200, s8;
	v2 =	vld.idx.msk [tilespmem:v11+s5+$0x0], $0xffff;
	[tilespmem:s9+$0xC0] =	vst v3;
	v3 =	vmul.f32 v7, v1  }
0xa8: {  	v7 =	vld [tilespmem:s8+$0x70];
	[tilespmem:s9+$0xD0] =	vst v8;
	v9 =	vmul.f32 v9, v1  }
0xa9: {  	v8 =	vld [tilespmem:s8+$0xFFFFFF00];
	[tilespmem:s9+$0xE0] =	vst v3  }
0xaa: {  	v1 =	vmov v5;
	v3 =	vld [tilespmem:s8+$0xFFFFFF10];
	[tilespmem:s9+$0xF0] =	vst v9;
	s9 =	smov.u32 s8  }
0xab: {  	v5 =	vld [tilespmem:s8+$0xFFFFFF20]  }
0xac: {  	v9 =	vld [tilespmem:s8+$0xFFFFFF30]  }
0xad: {  	v10 =	vld [tilespmem:s8+$0xFFFFFF40];
	v7 =	vmul.f32 v7, v2  }
0xae: {  	v8 =	vmul.f32 v8, v6;
	v11 =	vld [tilespmem:s8+$0xFFFFFF50]  }
0xaf: {  	v3 =	vmul.f32 v3, v6;
	v12 =	vld [tilespmem:s8+$0xFFFFFF60];
	[tilespmem:s8+$0x70] =	vst v7  }
0xb0: {  	[tilespmem:s8+$0xFFFFFF00] =	vst v8;
	v5 =	vmul.f32 v5, v6;
	v7 =	vld [tilespmem:s8+$0xFFFFFF70]  }
0xb1: {  	[tilespmem:s8+$0xFFFFFF10] =	vst v3;
	v3 =	vmul.f32 v9, v6;
	v8 =	vld [tilespmem:s8+$0xFFFFFF80]  }
0xb2: {  	[tilespmem:s8+$0xFFFFFF20] =	vst v5;
	v5 =	vmul.f32 v10, v6;
	v9 =	vld [tilespmem:s8+$0xFFFFFF90]  }
0xb3: {  	[tilespmem:s8+$0xFFFFFF30] =	vst v3;
	v3 =	vmul.f32 v11, v6;
	v10 =	vld [tilespmem:s8+$0xFFFFFFA0]  }
0xb4: {  	[tilespmem:s8+$0xFFFFFF40] =	vst v5;
	v5 =	vmul.f32 v12, v6;
	v11 =	vld [tilespmem:s8+$0xFFFFFFB0]  }
0xb5: {  	[tilespmem:s8+$0xFFFFFF50] =	vst v3;
	v3 =	vmul.f32 v7, v6;
	v6 =	vld [tilespmem:s8+$0xFFFFFFC0]  }
0xb6: {  	[tilespmem:s8+$0xFFFFFF60] =	vst v5;
	v5 =	vmul.f32 v8, v4;
	v7 =	vld [tilespmem:s8+$0xFFFFFFD0]  }
0xb7: {  	[tilespmem:s8+$0xFFFFFF70] =	vst v3;
	v3 =	vmul.f32 v9, v4;
	v8 =	vld [tilespmem:s8+$0xFFFFFFE0]  }
0xb8: {  	[tilespmem:s8+$0xFFFFFF80] =	vst v5;
	v5 =	vmul.f32 v10, v4;
	v9 =	vld [tilespmem:s8+$0xFFFFFFF0]  }
0xb9: {  	[tilespmem:s8+$0xFFFFFF90] =	vst v3;
	v3 =	vmul.f32 v11, v4;
	v10 =	vld [tilespmem:s8+$0x0]  }
0xba: {  	[tilespmem:s8+$0xFFFFFFA0] =	vst v5;
	v5 =	vmul.f32 v6, v4;
	v6 =	vld [tilespmem:s8+$0x10]  }
0xbb: {  	[tilespmem:s8+$0xFFFFFFB0] =	vst v3;
	v3 =	vmul.f32 v7, v4;
	v7 =	vld [tilespmem:s8+$0x20]  }
0xbc: {  	[tilespmem:s8+$0xFFFFFFC0] =	vst v5;
	v5 =	vmul.f32 v8, v4;
	v11 =	vld [tilespmem:s8+$0x30]  }
0xbd: {  	[tilespmem:s8+$0xFFFFFFD0] =	vst v3;
	v3 =	vmul.f32 v9, v4;
	v9 =	vld [tilespmem:s8+$0x40]  }
.Ltmp2:
0xbe: {  	[tilespmem:s8+$0xFFFFFFE0] =	vst v5;
	v5 =	vmul.f32 v10, v2;
	v4 =	vld [tilespmem:s8+$0x50];
	(pc) =	sbr.rel @p0 .LBB2_7-.Ltmp2, $4  }
0xbf: {  	[tilespmem:s8+$0xFFFFFFF0] =	vst v3;
	v6 =	vmul.f32 v6, v2;
	v3 =	vld [tilespmem:s8+$0x60]  }
0xc0: {  	s17 =	sadd.s32 $0x3, s16;
	v10 =	vmov s16;
	[tilespmem:s8+$0x0] =	vst v5;
	v13 =	vmul.f32 v7, v2;
	v8 =	vld [tilespmem:s8+$0x80]  }
0xc1: {  	s18 =	sadd.s32 $0x1, s16;
	v12 =	vand.u32 $0xFFFFFFFC, v10;
	v5 =	vmov s17;
	[tilespmem:s8+$0x10] =	vst v6;
	v10 =	vmul.f32 v11, v2;
	v7 =	vld [tilespmem:s8+$0x90]  }
0xc2: {  	s17 =	sadd.s32 $0x2, s16;
	s16 =	sadd.s32 $0x4, s16;
	v6 =	vbroadcast v12, $0x0;
	v12 =	vmov s18;
	[tilespmem:s8+$0x20] =	vst v13;
	v11 =	vmul.f32 v9, v2;
	v9 =	vld [tilespmem:s8+$0xA0]  }
0xc3: {  	v13 =	vld [tilespmem:s8+$0xB0]  }
0xc4: {  	v15 =	vld [tilespmem:s8+$0xC0]  }
0xc5: {  	v16 =	vld [tilespmem:s8+$0xD0]  }
0xc6: {  	v17 =	vld [tilespmem:s8+$0xE0]  }
0xc7: {  	v29 =	vld [tilespmem:s8+$0xF0];
	[tilespmem:s8+$0x30] =	vst v10;
	v4 =	vmul.f32 v4, v2  }
0xc8: {  	v5 =	vld.idx.msk [tilespmem:v5+s5+$0x0], $0xffff;
	[tilespmem:s8+$0x40] =	vst v11;
	v2 =	vmul.f32 v3, v2  }
0xc9: {  	s16 =	sadd.s32 $0x200, s8;
	v3 =	vld.idx.msk [tilespmem:v6+s5+$0x0], $0xffff;
	v8 =	vmul.f32 v8, v1;
	[tilespmem:s8+$0x50] =	vst v4  }
0xca: {  	v14 =	vmov s17;
	v34 =	vld [tilespmem:s16+$0x70];
	v30 =	vmul.f32 v7, v1;
	[tilespmem:s8+$0x60] =	vst v2  }
0xcb: {  	v14 =	vand.u32 $0xFFFFFFFE, v14;
	v35 =	vld [tilespmem:s16+$0xFFFFFF00];
	[tilespmem:s8+$0x80] =	vst v8;
	v2 =	vmul.f32 v9, v1  }
0xcc: {  	v37 =	vld [tilespmem:s16+$0xFFFFFF10];
	v14 =	vbroadcast v14, $0x0;
	[tilespmem:s8+$0x90] =	vst v30;
	v33 =	vmul.f32 v13, v1  }
0xcd: {  	v38 =	vld [tilespmem:s16+$0xFFFFFF20];
	[tilespmem:s8+$0xA0] =	vst v2;
	v2 =	vmul.f32 v15, v1  }
0xce: {  	v12 =	vand.u32 $0xFFFFFFFD, v12;
	v39 =	vld [tilespmem:s16+$0xFFFFFF30];
	v36 =	vmul.f32 v16, v1;
	[tilespmem:s8+$0xB0] =	vst v33  }
0xcf: {  	v12 =	vbroadcast v12, $0x0;
	v41 =	vld [tilespmem:s16+$0xFFFFFF50];
	[tilespmem:s9+$0xC0] =	vst v2;
	v2 =	vmul.f32 v17, v1  }
0xd0: {  	v43 =	vld [tilespmem:s16+$0xFFFFFF60];
	[tilespmem:s9+$0xD0] =	vst v36;
	v1 =	vmul.f32 v29, v1  }
0xd1: {  	v42 =	vmul.f32 v37, v3;
	[tilespmem:s9+$0xE0] =	vst v2;
	v2 =	vld [tilespmem:s16+$0xFFFFFF40]  }
0xd2: {  	v32 =	vld.idx.msk [tilespmem:v14+s5+$0x0], $0xffff;
	[tilespmem:s9+$0xF0] =	vst v1;
	v1 =	vmul.f32 v35, v3  }
0xd3: {  	v44 =	vld [tilespmem:s16+$0xFFFFFF70];
	v4 =	vmul.f32 v39, v3;
	[tilespmem:s16+$0xFFFFFF10] =	vst v42  }
0xd4: {  	v45 =	vld [tilespmem:s16+$0xFFFFFF80];
	[tilespmem:s16+$0xFFFFFF00] =	vst v1;
	v1 =	vmul.f32 v38, v3  }
0xd5: {  	v46 =	vmul.f32 v41, v3;
	v31 =	vld.idx.msk [tilespmem:v12+s5+$0x0], $0xffff;
	[tilespmem:s16+$0xFFFFFF30] =	vst v4  }
0xd6: {  	[tilespmem:s16+$0xFFFFFF20] =	vst v1;
	v1 =	vmul.f32 v2, v3;
	v2 =	vld [tilespmem:s16+$0xFFFFFF90]  }
0xd7: {  	v47 =	vld [tilespmem:s16+$0xFFFFFFA0];
	[tilespmem:s16+$0xFFFFFF50] =	vst v46;
	v40 =	vmul.f32 v34, v32  }
0xd8: {  	v48 =	vld [tilespmem:s16+$0xFFFFFFB0];
	[tilespmem:s16+$0xFFFFFF40] =	vst v1;
	v1 =	vmul.f32 v43, v3  }
0xd9: {  	v49 =	vld [tilespmem:s16+$0xFFFFFFC0];
	[tilespmem:s16+$0x70] =	vst v40;
	v3 =	vmul.f32 v44, v3  }
0xda: {  	v50 =	vld [tilespmem:s16+$0xFFFFFFD0];
	[tilespmem:s16+$0xFFFFFF60] =	vst v1;
	v1 =	vmul.f32 v45, v31  }
0xdb: {  	[tilespmem:s16+$0xFFFFFF70] =	vst v3;
	v3 =	vld [tilespmem:s16+$0xFFFFFFE0];
	v2 =	vmul.f32 v2, v31  }
0xdc: {  	v51 =	vld [tilespmem:s16+$0xFFFFFFF0];
	[tilespmem:s16+$0xFFFFFF80] =	vst v1;
	v1 =	vmul.f32 v47, v31  }
0xdd: {  	v52 =	vld [tilespmem:s16+$0x0];
	[tilespmem:s16+$0xFFFFFF90] =	vst v2;
	v2 =	vmul.f32 v48, v31  }
0xde: {  	v53 =	vld [tilespmem:s16+$0x10];
	[tilespmem:s16+$0xFFFFFFA0] =	vst v1;
	v1 =	vmul.f32 v49, v31  }
0xdf: {  	v54 =	vld [tilespmem:s16+$0x20];
	[tilespmem:s16+$0xFFFFFFB0] =	vst v2;
	v2 =	vmul.f32 v50, v31  }
0xe0: {  	[tilespmem:s16+$0xFFFFFFC0] =	vst v1;
	v1 =	vmul.f32 v3, v31;
	v3 =	vld [tilespmem:s16+$0x30]  }
0xe1: {  	v55 =	vld [tilespmem:s16+$0x40];
	[tilespmem:s16+$0xFFFFFFD0] =	vst v2;
	v2 =	vmul.f32 v51, v31  }
0xe2: {  	v56 =	vld [tilespmem:s16+$0x50];
	[tilespmem:s16+$0xFFFFFFE0] =	vst v1;
	v1 =	vmul.f32 v52, v32  }
0xe3: {  	v57 =	vld [tilespmem:s16+$0x60];
	[tilespmem:s16+$0xFFFFFFF0] =	vst v2;
	v2 =	vmul.f32 v53, v32  }
0xe4: {  	v58 =	vld [tilespmem:s16+$0x80];
	[tilespmem:s16+$0x0] =	vst v1;
	v1 =	vmul.f32 v54, v32  }
0xe5: {  	[tilespmem:s16+$0x10] =	vst v2;
	v2 =	vmul.f32 v3, v32;
	v3 =	vld [tilespmem:s16+$0x90]  }
0xe6: {  	v59 =	vld [tilespmem:s16+$0xA0];
	[tilespmem:s16+$0x20] =	vst v1;
	v1 =	vmul.f32 v55, v32  }
0xe7: {  	v60 =	vld [tilespmem:s16+$0xB0];
	[tilespmem:s16+$0x30] =	vst v2;
	v2 =	vmul.f32 v56, v32  }
0xe8: {  	v61 =	vld [tilespmem:s16+$0xC0];
	[tilespmem:s16+$0x40] =	vst v1;
	v1 =	vmul.f32 v57, v32  }
0xe9: {  	v62 =	vld [tilespmem:s16+$0xD0];
	[tilespmem:s16+$0x50] =	vst v2;
	v2 =	vmul.f32 v58, v5  }
0xea: {  	[tilespmem:s16+$0x60] =	vst v1;
	v1 =	vmul.f32 v3, v5;
	v3 =	vld [tilespmem:s16+$0xE0]  }
0xeb: {  	v63 =	vld [tilespmem:s16+$0xF0];
	[tilespmem:s16+$0x80] =	vst v2;
	v2 =	vmul.f32 v59, v5  }
0xec: {  	[tilespmem:s16+$0x90] =	vst v1;
	v1 =	vmul.f32 v60, v5  }
0xed: {  	[tilespmem:s16+$0xA0] =	vst v2;
	v2 =	vmul.f32 v61, v5  }
0xee: {  	[tilespmem:s16+$0xB0] =	vst v1;
	v1 =	vmul.f32 v62, v5  }
0xef: {  	[tilespmem:s16+$0xC0] =	vst v2;
	v2 =	vmul.f32 v3, v5  }
0xf0: {  	s29 =	sshll.u32 s7, $0x7;
	s7 =	sadd.s32 $0x1, s7;
	[tilespmem:s16+$0xD0] =	vst v1;
	v1 =	vmul.f32 v63, v5  }
0xf1: {  	p0 =	sne.s32 s7, $0x7D;
	s8 =	sand.u32 $0x3FFFFF80, s29;
	[tilespmem:s16+$0xE0] =	vst v2  }
.Ltmp3:
0xf2: {  	s8 =	sadd.s32 $0x2780, s8;
	[tilespmem:s16+$0xF0] =	vst v1;
	(pc) =	sbr.rel @p0 .LBB2_4-.Ltmp3, $4  }
0xf3: {  	[spmem:s2] =	stream.indirect.scatter.add.f32 [tilespmem:s30], [sflag:$0x1], $0x80, s8, s0, $0xb8;
	[tilespmem:$0x1CF00] =	vst v63  }
0xf4: {  	_ =	swait.ge [sflag:s28], $0x2800  }
0xf5: {  	[sflag:s28] =	ssyncset.done $0x0  }
0xf6: {  	[sflag:s28] =	ssyncadd.s32 $0xFFFFD800  }
0xf7: {  	s7 =	stileid.u32  }
0xf8: {  	s7 =	sshll.u32 s7, $0x6  }
0xf9: {  	[bflag:$0x0] =	sbarrier.arrive $0xFFFF;
	s8 =	sshrl.u32 s11, $0x3;
	s7 =	sor.u32 $0x1C01, s7  }
0xfa: {  	[hbm:s15], [sflag:s7] =	dma.local [spmem:s8], $0x500  }
0xfb: {  	_ =	swait.ge [sflag:s28], $0x500  }
0xfc: {  	[sflag:s28] =	ssyncset.done $0x0  }
0xfd: {  	s9 =	sshrl.u32 s12, $0x3;
	s16 =	rddreg [dreg:$0x9];
	[sflag:s28] =	ssyncadd.s32 $0xFFFFFB00  }
0xfe: {  	[hbm:s16], [sflag:s7] =	dma.local [spmem:s9], $0x500  }
0xff: {  	_ =	swait.ge [sflag:s28], $0x500  }
0x100: {  	[sflag:s28] =	ssyncset.done $0x0  }
0x101: {  	s29 =	sshrl.u32 s13, $0x3;
	s21 =	rddreg [dreg:$0xa];
	[sflag:s28] =	ssyncadd.s32 $0xFFFFFB00  }
0x102: {  	[hbm:s21], [sflag:s7] =	dma.local [spmem:s29], $0x500  }
0x103: {  	_ =	swait.ge [sflag:s28], $0x500  }
0x104: {  	[sflag:s28] =	ssyncset.done $0x0  }
0x105: {  	s16 =	sshrl.u32 s14, $0x3;
	s17 =	rddreg [dreg:$0xb];
	[sflag:s28] =	ssyncadd.s32 $0xFFFFFB00  }
0x106: {  	[hbm:s17], [sflag:s7] =	dma.local [spmem:s16], $0x500  }
0x107: {  	_ =	swait.ge [sflag:s28], $0x500  }
0x108: {  	[sflag:s28] =	ssyncset.done $0x0  }
0x109: {  	[sflag:s28] =	ssyncadd.s32 $0xFFFFFB00  }
0x10a: {  	[bflag:$0x0] =	sbarrier.arrive $0xFFFF  }
0x10b: {  	s22 =	simm.s32 $0x0;
	s18 =	rddreg [dreg:$0xc]  }
0x10c: {  	[tilespmem:s19], [sflag:$0x1] =	stream.linear.gather [hbm4b:s18+s22], $0x3E80, $0x38;
	[tilespmem:$0x1CF00] =	vst v63  }
0x10d: {  	_ =	swait.ge [sflag:s28], $0x3E80  }
0x10e: {  	[sflag:s28] =	ssyncset.done $0x0  }
0x10f: {  	s17 =	simm.s32 $0x0;
	s18 =	simm.s32 $0x200;
	[sflag:s28] =	ssyncadd.s32 $0xFFFFC180  }
.LBB2_10:
0x110: {  	p0 =	sne.s32 s18, $0x9E00;
	[tilespmem:s17+$0x106F0] =	vst v0  }
0x111: {  	[tilespmem:s17+$0x10680] =	vst v0  }
0x112: {  	[tilespmem:s17+$0x10690] =	vst v0  }
.Ltmp4:
0x113: {  	[tilespmem:s17+$0x106A0] =	vst v0;
	(pc) =	sbr.rel @p0 .LBB2_10-.Ltmp4, $4  }
0x114: {  	[tilespmem:s17+$0x106B0] =	vst v0  }
0x115: {  	[tilespmem:s17+$0x106C0] =	vst v0  }
0x116: {  	[tilespmem:s17+$0x106D0] =	vst v0  }
0x117: {  	[tilespmem:s17+$0x106E0] =	vst v0;
	s17 =	sshra.s32 s18, $0x2;
	s18 =	sadd.s32 $0x200, s18  }
0x118: {  	[tilespmem:s17+$0x106F0] =	vst v0  }
0x119: {  	[tilespmem:s17+$0x10680] =	vst v0  }
0x11a: {  	[tilespmem:s17+$0x10690] =	vst v0  }
0x11b: {  	[tilespmem:s17+$0x106A0] =	vst v0  }
0x11c: {  	[tilespmem:s17+$0x106B0] =	vst v0  }
0x11d: {  	[tilespmem:s17+$0x106C0] =	vst v0  }
0x11e: {  	[tilespmem:s17+$0x106D0] =	vst v0  }
0x11f: {  	[tilespmem:s17+$0x106E0] =	vst v0  }
0x120: {  	[spmem:s11] =	stream.linear.scatter [tilespmem:s30], [sflag:$0x1], $0x2800, $0x38;
	[tilespmem:$0x1CF00] =	vst v63  }
0x121: {  	_ =	swait.ge [sflag:s28], $0x2800  }
0x122: {  	[sflag:s28] =	ssyncset.done $0x0  }
0x123: {  	[sflag:s28] =	ssyncadd.s32 $0xFFFFD800  }
0x124: {  	[spmem:s12] =	stream.linear.scatter [tilespmem:s30], [sflag:$0x1], $0x2800, $0x38;
	[tilespmem:$0x1CF00] =	vst v63  }
0x125: {  	_ =	swait.ge [sflag:s28], $0x2800  }
0x126: {  	[sflag:s28] =	ssyncset.done $0x0  }
0x127: {  	[sflag:s28] =	ssyncadd.s32 $0xFFFFD800  }
0x128: {  	[spmem:s13] =	stream.linear.scatter [tilespmem:s30], [sflag:$0x1], $0x2800, $0x38;
	[tilespmem:$0x1CF00] =	vst v63  }
0x129: {  	_ =	swait.ge [sflag:s28], $0x2800  }
0x12a: {  	[sflag:s28] =	ssyncset.done $0x0  }
0x12b: {  	[sflag:s28] =	ssyncadd.s32 $0xFFFFD800  }
0x12c: {  	[spmem:s14] =	stream.linear.scatter [tilespmem:s30], [sflag:$0x1], $0x2800, $0x38;
	[tilespmem:$0x1CF00] =	vst v63  }
0x12d: {  	_ =	swait.ge [sflag:s28], $0x2800  }
0x12e: {  	[sflag:s28] =	ssyncset.done $0x0  }
0x12f: {  	[sflag:s28] =	ssyncadd.s32 $0xFFFFD800  }
0x130: {  	s17 =	simm.s32 $0x0;
	[bflag:$0x0] =	sbarrier.arrive $0xFFFF  }
.LBB2_12:
0x131: {  	s18 =	smul.u32 $0x50, s17;
	_ =	sdelay $0x1  }
0x132: {  	s19 =	sadd.s32 $0x6780, s18;
	v1 =	vmov s18  }
0x133: {  	[tilespmem:s30], [sflag:$0x1] =	stream.indirect.gather [hbm4b:s4+s0], $0x80, s19, s0, $0xb8;
	[tilespmem:$0x1CF00] =	vst v63  }
0x134: {  	_ =	swait.ge [sflag:s28], $0x2800  }
0x135: {  	[sflag:s28] =	ssyncset.done $0x0  }
0x136: {  	p0 =	por $0x1, $0x1;
	s19 =	simm.s32 $0x0;
	[sflag:s28] =	ssyncadd.s32 $0xFFFFD800  }
.LBB2_13:
0x137: {  	v2 =	vld.idx.msk [tilespmem:v1+s19+$0x0 ss:$0x1], $0xffff  }
0x138: {  	v3 =	vld.idx.msk [tilespmem:v1+s19+$0x10 ss:$0x1], $0xffff;
	_ =	sdelay $0x4  }
0x139: {  	v4 =	vld.idx.msk [tilespmem:v1+s19+$0x8F00 ss:$0x1], $0xffff  }
0x13a: {  	v6 =	vld.idx.msk [tilespmem:v1+s19+$0x8F10 ss:$0x1], $0xffff  }
0x13b: {  	v5 =	vld.idx.msk [tilespmem:v2+s31+$0x0], $0xffff  }
0x13c: {  	v7 =	vld.idx.msk [tilespmem:v3+s31+$0x0], $0xffff;
	_ =	sdelay $0x3  }
0x13d: {  	v4 =	vsub.f32 v4, v5  }
0x13e: {  	v59 =	vsub.f32 v6, v7  }
0x13f: {  	v4 =	vmul.f32 $1.442695020e+00, v4  }
0x140: {  	v5 =	vmul.f32 $1.442695020e+00, v59  }
0x141: {  	(erf) = vpow2.f32 v4  }
0x142: {  	(erf) = vpow2.f32 v5;
	_ =	sdelay $0x3  }
0x143: {  	v60 =	vld.idx.msk [tilespmem:v2+s1+$0x0], $0xffff  }
0x144: {  	v61 =	vld.idx.msk [tilespmem:v3+s1+$0x0], $0xffff;
	_ =	sdelay $0x2  }
0x145: {  	p1 =	por p0, p0;
	v62 =	vpop (erf)  }
.Ltmp5:
0x146: {  	v2 =	vadd.s32 $0xFFFFEC00, v2;
	v4 =	vmul.f32 v62, v60;
	v63 =	vpop (erf);
	(pc) =	sbr.rel @p1 .LBB2_13-.Ltmp5, $4  }
0x147: {  	vm0 =	vlt.u32 v2, $0x1400;
	v2 =	vadd.s32 $0xFFFFEC00, v3;
	v5 =	vmul.f32 v63, v61  }
0x148: {  	vm15 =	vlt.u32 v2, $0x1400;
	v3 =	vnsel vm0, $0x0, v4  }
0x149: {  	[tilespmem:s19+$0x12E80] =	vst v3;
	v2 =	vnsel vm15, $0x0, v5  }
0x14a: {  	p0 =	por $0x0, $0x0;
	[tilespmem:s19+$0x12E90] =	vst v2;
	s19 =	simm.s32 $0x20  }
0x14b: {  	v1 =	vld [tilespmem:s18+$0x40];
	_ =	sdelay $0x6  }
0x14c: {  	v2 =	vld [tilespmem:s18+$0x8F40]  }
0x14d: {  	v3 =	vld.idx.msk [tilespmem:v1+s31+$0x0], $0xffff;
	_ =	sdelay $0x4  }
0x14e: {  	v2 =	vsub.f32 v2, v3;
	_ =	sdelay $0x1  }
0x14f: {  	v2 =	vmul.f32 $1.442695020e+00, v2;
	_ =	sdelay $0x1  }
0x150: {  	(erf) = vpow2.f32 v2;
	_ =	sdelay $0x4  }
0x151: {  	s22 =	simm.s32 $0x0;
	v2 =	vld.idx.msk [tilespmem:v1+s1+$0x0], $0xffff  }
0x152: {  	s19 =	simm.s32 $0x2;
	v3 =	vmov s22  }
0x153: {  	v4 =	vmov s19;
	v3 =	vand.u32 $0xFFFFFFFC, v3  }
0x154: {  	v4 =	vand.u32 $0xFFFFFFFE, v4;
	v3 =	vbroadcast v3, $0x0  }
0x155: {  	v4 =	vbroadcast v4, $0x0;
	v5 =	vpop (erf)  }
0x156: {  	v1 =	vadd.s32 $0xFFFFEC00, v1;
	v2 =	vmul.f32 v5, v2  }
0x157: {  	vm0 =	vlt.u32 v1, $0x1400  }
0x158: {  	v1 =	vnsel vm0, $0x0, v2  }
0x159: {  	[tilespmem:$0x12EC0] =	vst v1  }
0x15a: {  	v1 =	vld.idx.msk [tilespmem:v3+s5+$0x0], $0xffff  }
0x15b: {  	s18 =	simm.s32 $0x10780;
	v2 =	vld.idx.msk [tilespmem:v4+s5+$0x0], $0xffff  }
0x15c: {  	v4 =	vld [tilespmem:s18+$0x70]  }
0x15d: {  	v5 =	vld [tilespmem:s18+$0xFFFFFF00]  }
0x15e: {  	s19 =	simm.s32 $0x1;
	v6 =	vld [tilespmem:s18+$0xFFFFFF10]  }
0x15f: {  	v3 =	vmov s19;
	v7 =	vld [tilespmem:s18+$0xFFFFFF20]  }
0x160: {  	v8 =	vld [tilespmem:s18+$0xFFFFFF30];
	v3 =	vand.u32 $0xFFFFFFFD, v3  }
0x161: {  	v9 =	vld [tilespmem:s18+$0xFFFFFF40];
	v3 =	vbroadcast v3, $0x0  }
0x162: {  	v10 =	vld [tilespmem:s18+$0xFFFFFF50]  }
0x163: {  	v11 =	vld [tilespmem:s18+$0xFFFFFF60];
	v5 =	vmul.f32 v5, v1  }
0x164: {  	v13 =	vld [tilespmem:s18+$0x40];
	v4 =	vmul.f32 v4, v2  }
0x165: {  	[tilespmem:s18+$0xFFFFFF00] =	vst v5;
	v5 =	vmul.f32 v6, v1;
	v6 =	vld [tilespmem:s18+$0xFFFFFF70]  }
0x166: {  	[tilespmem:s18+$0x70] =	vst v4;
	v4 =	vmul.f32 v7, v1;
	v7 =	vld [tilespmem:s18+$0xFFFFFF80]  }
0x167: {  	v3 =	vld.idx.msk [tilespmem:v3+s5+$0x0], $0xffff;
	[tilespmem:s18+$0xFFFFFF10] =	vst v5;
	v5 =	vmul.f32 v8, v1  }
0x168: {  	v8 =	vld [tilespmem:s18+$0xFFFFFF90];
	[tilespmem:s18+$0xFFFFFF20] =	vst v4;
	v4 =	vmul.f32 v9, v1  }
0x169: {  	v9 =	vld [tilespmem:s18+$0xFFFFFFA0];
	[tilespmem:s18+$0xFFFFFF30] =	vst v5;
	v5 =	vmul.f32 v10, v1  }
0x16a: {  	v10 =	vld [tilespmem:s18+$0xFFFFFFB0];
	[tilespmem:s18+$0xFFFFFF40] =	vst v4;
	v4 =	vmul.f32 v11, v1  }
0x16b: {  	v11 =	vld [tilespmem:s18+$0xFFFFFFC0];
	v6 =	vmul.f32 v6, v1;
	[tilespmem:s18+$0xFFFFFF50] =	vst v5  }
0x16c: {  	v5 =	vmul.f32 v7, v3;
	v7 =	vld [tilespmem:s18+$0xFFFFFFD0];
	[tilespmem:s18+$0xFFFFFF60] =	vst v4  }
0x16d: {  	s20 =	simm.s32 $0x3;
	v4 =	vld [tilespmem:s18+$0xFFFFFFE0];
	v8 =	vmul.f32 v8, v3;
	[tilespmem:s18+$0xFFFFFF70] =	vst v6  }
0x16e: {  	v12 =	vmov s20;
	v6 =	vld [tilespmem:s18+$0xFFFFFFF0];
	[tilespmem:s18+$0xFFFFFF80] =	vst v5;
	v5 =	vmul.f32 v9, v3  }
0x16f: {  	v9 =	vld [tilespmem:s18+$0x0];
	[tilespmem:s18+$0xFFFFFF90] =	vst v8;
	v8 =	vmul.f32 v10, v3  }
0x170: {  	v10 =	vld [tilespmem:s18+$0x10];
	[tilespmem:s18+$0xFFFFFFA0] =	vst v5;
	v5 =	vmul.f32 v11, v3  }
0x171: {  	[tilespmem:s18+$0xFFFFFFB0] =	vst v8;
	v7 =	vmul.f32 v7, v3;
	v8 =	vld [tilespmem:s18+$0x20]  }
0x172: {  	v11 =	vld [tilespmem:s18+$0x30];
	v4 =	vmul.f32 v4, v3;
	[tilespmem:s18+$0xFFFFFFC0] =	vst v5  }
0x173: {  	v1 =	vld.idx.msk [tilespmem:v12+s5+$0x0], $0xffff;
	v3 =	vmul.f32 v6, v3;
	[tilespmem:s18+$0xFFFFFFD0] =	vst v7  }
0x174: {  	[tilespmem:s18+$0xFFFFFFE0] =	vst v4;
	v5 =	vmul.f32 v9, v2;
	v4 =	vld [tilespmem:s18+$0x50]  }
0x175: {  	s21 =	simm.s32 $0x4;
	[tilespmem:s18+$0xFFFFFFF0] =	vst v3;
	v6 =	vmul.f32 v10, v2;
	v3 =	vld [tilespmem:s18+$0x60]  }
0x176: {  	s22 =	simm.s32 $0x7;
	v7 =	vmov s21;
	[tilespmem:s18+$0x0] =	vst v5;
	v9 =	vmul.f32 v8, v2;
	v8 =	vld [tilespmem:s18+$0x80]  }
0x177: {  	s20 =	simm.s32 $0x5;
	v12 =	vand.u32 $0xFFFFFFFC, v7;
	v7 =	vld [tilespmem:s18+$0x90];
	v5 =	vmov s22;
	v10 =	vmul.f32 v11, v2;
	[tilespmem:s18+$0x10] =	vst v6  }
0x178: {  	s19 =	simm.s32 $0x10780;
	s21 =	simm.s32 $0x6;
	v11 =	vmul.f32 v13, v2;
	v6 =	vbroadcast v12, $0x0;
	v12 =	vmov s20;
	s20 =	simm.s32 $0x8;
	[tilespmem:s18+$0x20] =	vst v9;
	v9 =	vld [tilespmem:s18+$0xA0]  }
.LBB2_15:
0x179: {  	p0 =	slt.u32 s20, $0x4C;
	v12 =	vand.u32 $0xFFFFFFFD, v12;
	v13 =	vmov s21;
	[tilespmem:s18+$0x30] =	vst v10;
	v4 =	vmul.f32 v4, v2;
	v10 =	vld [tilespmem:s18+$0xB0]  }
0x17a: {  	v12 =	vbroadcast v12, $0x0;
	v13 =	vand.u32 $0xFFFFFFFE, v13;
	[tilespmem:s18+$0x40] =	vst v11;
	v2 =	vmul.f32 v3, v2;
	v3 =	vld [tilespmem:s18+$0xC0]  }
0x17b: {  	v11 =	vbroadcast v13, $0x0;
	[tilespmem:s18+$0x50] =	vst v4;
	v4 =	vmul.f32 v8, v1;
	v8 =	vld [tilespmem:s18+$0xD0]  }
0x17c: {  	[tilespmem:s18+$0x60] =	vst v2;
	v2 =	vmul.f32 v7, v1;
	v7 =	vld [tilespmem:s18+$0xE0]  }
0x17d: {  	[tilespmem:s18+$0x80] =	vst v4;
	v4 =	vmul.f32 v9, v1;
	v9 =	vld [tilespmem:s18+$0xF0]  }
0x17e: {  	v5 =	vld.idx.msk [tilespmem:v5+s5+$0x0], $0xffff;
	[tilespmem:s18+$0x90] =	vst v2;
	v2 =	vmul.f32 v10, v1  }
0x17f: {  	v6 =	vld.idx.msk [tilespmem:v6+s5+$0x0], $0xffff;
	[tilespmem:s18+$0xA0] =	vst v4;
	v3 =	vmul.f32 v3, v1  }
0x180: {  	v4 =	vld.idx.msk [tilespmem:v12+s5+$0x0], $0xffff;
	[tilespmem:s18+$0xB0] =	vst v2;
	v8 =	vmul.f32 v8, v1  }
0x181: {  	s18 =	sadd.s32 $0x200, s18;
	v2 =	vld.idx.msk [tilespmem:v11+s5+$0x0], $0xffff;
	[tilespmem:s19+$0xC0] =	vst v3;
	v3 =	vmul.f32 v7, v1  }
0x182: {  	v7 =	vld [tilespmem:s18+$0x70];
	[tilespmem:s19+$0xD0] =	vst v8;
	v9 =	vmul.f32 v9, v1  }
0x183: {  	v8 =	vld [tilespmem:s18+$0xFFFFFF00];
	[tilespmem:s19+$0xE0] =	vst v3  }
0x184: {  	v1 =	vmov v5;
	v3 =	vld [tilespmem:s18+$0xFFFFFF10];
	[tilespmem:s19+$0xF0] =	vst v9;
	s19 =	smov.u32 s18  }
0x185: {  	v5 =	vld [tilespmem:s18+$0xFFFFFF20]  }
0x186: {  	v9 =	vld [tilespmem:s18+$0xFFFFFF30]  }
0x187: {  	v10 =	vld [tilespmem:s18+$0xFFFFFF40];
	v7 =	vmul.f32 v7, v2  }
0x188: {  	v8 =	vmul.f32 v8, v6;
	v11 =	vld [tilespmem:s18+$0xFFFFFF50]  }
0x189: {  	v3 =	vmul.f32 v3, v6;
	v12 =	vld [tilespmem:s18+$0xFFFFFF60];
	[tilespmem:s18+$0x70] =	vst v7  }
0x18a: {  	[tilespmem:s18+$0xFFFFFF00] =	vst v8;
	v5 =	vmul.f32 v5, v6;
	v7 =	vld [tilespmem:s18+$0xFFFFFF70]  }
0x18b: {  	[tilespmem:s18+$0xFFFFFF10] =	vst v3;
	v3 =	vmul.f32 v9, v6;
	v8 =	vld [tilespmem:s18+$0xFFFFFF80]  }
0x18c: {  	[tilespmem:s18+$0xFFFFFF20] =	vst v5;
	v5 =	vmul.f32 v10, v6;
	v9 =	vld [tilespmem:s18+$0xFFFFFF90]  }
0x18d: {  	[tilespmem:s18+$0xFFFFFF30] =	vst v3;
	v3 =	vmul.f32 v11, v6;
	v10 =	vld [tilespmem:s18+$0xFFFFFFA0]  }
0x18e: {  	[tilespmem:s18+$0xFFFFFF40] =	vst v5;
	v5 =	vmul.f32 v12, v6;
	v11 =	vld [tilespmem:s18+$0xFFFFFFB0]  }
0x18f: {  	[tilespmem:s18+$0xFFFFFF50] =	vst v3;
	v3 =	vmul.f32 v7, v6;
	v6 =	vld [tilespmem:s18+$0xFFFFFFC0]  }
0x190: {  	[tilespmem:s18+$0xFFFFFF60] =	vst v5;
	v5 =	vmul.f32 v8, v4;
	v7 =	vld [tilespmem:s18+$0xFFFFFFD0]  }
0x191: {  	[tilespmem:s18+$0xFFFFFF70] =	vst v3;
	v3 =	vmul.f32 v9, v4;
	v8 =	vld [tilespmem:s18+$0xFFFFFFE0]  }
0x192: {  	[tilespmem:s18+$0xFFFFFF80] =	vst v5;
	v5 =	vmul.f32 v10, v4;
	v9 =	vld [tilespmem:s18+$0xFFFFFFF0]  }
0x193: {  	[tilespmem:s18+$0xFFFFFF90] =	vst v3;
	v3 =	vmul.f32 v11, v4;
	v10 =	vld [tilespmem:s18+$0x0]  }
0x194: {  	[tilespmem:s18+$0xFFFFFFA0] =	vst v5;
	v5 =	vmul.f32 v6, v4;
	v6 =	vld [tilespmem:s18+$0x10]  }
0x195: {  	[tilespmem:s18+$0xFFFFFFB0] =	vst v3;
	v3 =	vmul.f32 v7, v4;
	v7 =	vld [tilespmem:s18+$0x20]  }
0x196: {  	[tilespmem:s18+$0xFFFFFFC0] =	vst v5;
	v5 =	vmul.f32 v8, v4;
	v11 =	vld [tilespmem:s18+$0x30]  }
0x197: {  	[tilespmem:s18+$0xFFFFFFD0] =	vst v3;
	v3 =	vmul.f32 v9, v4;
	v9 =	vld [tilespmem:s18+$0x40]  }
.Ltmp6:
0x198: {  	[tilespmem:s18+$0xFFFFFFE0] =	vst v5;
	v5 =	vmul.f32 v10, v2;
	v4 =	vld [tilespmem:s18+$0x50];
	(pc) =	sbr.rel @p0 .LBB2_15-.Ltmp6, $4  }
0x199: {  	[tilespmem:s18+$0xFFFFFFF0] =	vst v3;
	v6 =	vmul.f32 v6, v2;
	v3 =	vld [tilespmem:s18+$0x60]  }
0x19a: {  	s21 =	sadd.s32 $0x3, s20;
	v10 =	vmov s20;
	[tilespmem:s18+$0x0] =	vst v5;
	v13 =	vmul.f32 v7, v2;
	v8 =	vld [tilespmem:s18+$0x80]  }
0x19b: {  	s22 =	sadd.s32 $0x1, s20;
	v12 =	vand.u32 $0xFFFFFFFC, v10;
	v5 =	vmov s21;
	[tilespmem:s18+$0x10] =	vst v6;
	v10 =	vmul.f32 v11, v2;
	v7 =	vld [tilespmem:s18+$0x90]  }
0x19c: {  	s21 =	sadd.s32 $0x2, s20;
	s20 =	sadd.s32 $0x4, s20;
	v6 =	vbroadcast v12, $0x0;
	v12 =	vmov s22;
	[tilespmem:s18+$0x20] =	vst v13;
	v11 =	vmul.f32 v9, v2;
	v9 =	vld [tilespmem:s18+$0xA0]  }
0x19d: {  	v13 =	vld [tilespmem:s18+$0xB0]  }
0x19e: {  	v15 =	vld [tilespmem:s18+$0xC0]  }
0x19f: {  	v16 =	vld [tilespmem:s18+$0xD0]  }
0x1a0: {  	v17 =	vld [tilespmem:s18+$0xE0]  }
0x1a1: {  	v29 =	vld [tilespmem:s18+$0xF0];
	[tilespmem:s18+$0x30] =	vst v10;
	v4 =	vmul.f32 v4, v2  }
0x1a2: {  	v5 =	vld.idx.msk [tilespmem:v5+s5+$0x0], $0xffff;
	[tilespmem:s18+$0x40] =	vst v11;
	v2 =	vmul.f32 v3, v2  }
0x1a3: {  	s20 =	sadd.s32 $0x200, s18;
	v3 =	vld.idx.msk [tilespmem:v6+s5+$0x0], $0xffff;
	v8 =	vmul.f32 v8, v1;
	[tilespmem:s18+$0x50] =	vst v4  }
0x1a4: {  	v14 =	vmov s21;
	v34 =	vld [tilespmem:s20+$0x70];
	v30 =	vmul.f32 v7, v1;
	[tilespmem:s18+$0x60] =	vst v2  }
0x1a5: {  	v14 =	vand.u32 $0xFFFFFFFE, v14;
	v35 =	vld [tilespmem:s20+$0xFFFFFF00];
	[tilespmem:s18+$0x80] =	vst v8;
	v2 =	vmul.f32 v9, v1  }
0x1a6: {  	v37 =	vld [tilespmem:s20+$0xFFFFFF10];
	v14 =	vbroadcast v14, $0x0;
	[tilespmem:s18+$0x90] =	vst v30;
	v33 =	vmul.f32 v13, v1  }
0x1a7: {  	v38 =	vld [tilespmem:s20+$0xFFFFFF20];
	[tilespmem:s18+$0xA0] =	vst v2;
	v2 =	vmul.f32 v15, v1  }
0x1a8: {  	v12 =	vand.u32 $0xFFFFFFFD, v12;
	v39 =	vld [tilespmem:s20+$0xFFFFFF30];
	v36 =	vmul.f32 v16, v1;
	[tilespmem:s18+$0xB0] =	vst v33  }
0x1a9: {  	v12 =	vbroadcast v12, $0x0;
	v41 =	vld [tilespmem:s20+$0xFFFFFF50];
	[tilespmem:s19+$0xC0] =	vst v2;
	v2 =	vmul.f32 v17, v1  }
0x1aa: {  	v43 =	vld [tilespmem:s20+$0xFFFFFF60];
	[tilespmem:s19+$0xD0] =	vst v36;
	v1 =	vmul.f32 v29, v1  }
0x1ab: {  	v42 =	vmul.f32 v37, v3;
	[tilespmem:s19+$0xE0] =	vst v2;
	v2 =	vld [tilespmem:s20+$0xFFFFFF40]  }
0x1ac: {  	v32 =	vld.idx.msk [tilespmem:v14+s5+$0x0], $0xffff;
	[tilespmem:s19+$0xF0] =	vst v1;
	v1 =	vmul.f32 v35, v3  }
0x1ad: {  	v44 =	vld [tilespmem:s20+$0xFFFFFF70];
	v4 =	vmul.f32 v39, v3;
	[tilespmem:s20+$0xFFFFFF10] =	vst v42  }
0x1ae: {  	v45 =	vld [tilespmem:s20+$0xFFFFFF80];
	[tilespmem:s20+$0xFFFFFF00] =	vst v1;
	v1 =	vmul.f32 v38, v3  }
0x1af: {  	v46 =	vmul.f32 v41, v3;
	v31 =	vld.idx.msk [tilespmem:v12+s5+$0x0], $0xffff;
	[tilespmem:s20+$0xFFFFFF30] =	vst v4  }
0x1b0: {  	[tilespmem:s20+$0xFFFFFF20] =	vst v1;
	v1 =	vmul.f32 v2, v3;
	v2 =	vld [tilespmem:s20+$0xFFFFFF90]  }
0x1b1: {  	v47 =	vld [tilespmem:s20+$0xFFFFFFA0];
	[tilespmem:s20+$0xFFFFFF50] =	vst v46;
	v40 =	vmul.f32 v34, v32  }
0x1b2: {  	v48 =	vld [tilespmem:s20+$0xFFFFFFB0];
	[tilespmem:s20+$0xFFFFFF40] =	vst v1;
	v1 =	vmul.f32 v43, v3  }
0x1b3: {  	v49 =	vld [tilespmem:s20+$0xFFFFFFC0];
	[tilespmem:s20+$0x70] =	vst v40;
	v3 =	vmul.f32 v44, v3  }
0x1b4: {  	v50 =	vld [tilespmem:s20+$0xFFFFFFD0];
	[tilespmem:s20+$0xFFFFFF60] =	vst v1;
	v1 =	vmul.f32 v45, v31  }
0x1b5: {  	[tilespmem:s20+$0xFFFFFF70] =	vst v3;
	v3 =	vld [tilespmem:s20+$0xFFFFFFE0];
	v2 =	vmul.f32 v2, v31  }
0x1b6: {  	v51 =	vld [tilespmem:s20+$0xFFFFFFF0];
	[tilespmem:s20+$0xFFFFFF80] =	vst v1;
	v1 =	vmul.f32 v47, v31  }
0x1b7: {  	v52 =	vld [tilespmem:s20+$0x0];
	[tilespmem:s20+$0xFFFFFF90] =	vst v2;
	v2 =	vmul.f32 v48, v31  }
0x1b8: {  	v53 =	vld [tilespmem:s20+$0x10];
	[tilespmem:s20+$0xFFFFFFA0] =	vst v1;
	v1 =	vmul.f32 v49, v31  }
0x1b9: {  	v54 =	vld [tilespmem:s20+$0x20];
	[tilespmem:s20+$0xFFFFFFB0] =	vst v2;
	v2 =	vmul.f32 v50, v31  }
0x1ba: {  	[tilespmem:s20+$0xFFFFFFC0] =	vst v1;
	v1 =	vmul.f32 v3, v31;
	v3 =	vld [tilespmem:s20+$0x30]  }
0x1bb: {  	v55 =	vld [tilespmem:s20+$0x40];
	[tilespmem:s20+$0xFFFFFFD0] =	vst v2;
	v2 =	vmul.f32 v51, v31  }
0x1bc: {  	v56 =	vld [tilespmem:s20+$0x50];
	[tilespmem:s20+$0xFFFFFFE0] =	vst v1;
	v1 =	vmul.f32 v52, v32  }
0x1bd: {  	v57 =	vld [tilespmem:s20+$0x60];
	[tilespmem:s20+$0xFFFFFFF0] =	vst v2;
	v2 =	vmul.f32 v53, v32  }
0x1be: {  	v58 =	vld [tilespmem:s20+$0x80];
	[tilespmem:s20+$0x0] =	vst v1;
	v1 =	vmul.f32 v54, v32  }
0x1bf: {  	[tilespmem:s20+$0x10] =	vst v2;
	v2 =	vmul.f32 v3, v32;
	v3 =	vld [tilespmem:s20+$0x90]  }
0x1c0: {  	v59 =	vld [tilespmem:s20+$0xA0];
	[tilespmem:s20+$0x20] =	vst v1;
	v1 =	vmul.f32 v55, v32  }
0x1c1: {  	v60 =	vld [tilespmem:s20+$0xB0];
	[tilespmem:s20+$0x30] =	vst v2;
	v2 =	vmul.f32 v56, v32  }
0x1c2: {  	v61 =	vld [tilespmem:s20+$0xC0];
	[tilespmem:s20+$0x40] =	vst v1;
	v1 =	vmul.f32 v57, v32  }
0x1c3: {  	v62 =	vld [tilespmem:s20+$0xD0];
	[tilespmem:s20+$0x50] =	vst v2;
	v2 =	vmul.f32 v58, v5  }
0x1c4: {  	[tilespmem:s20+$0x60] =	vst v1;
	v1 =	vmul.f32 v3, v5;
	v3 =	vld [tilespmem:s20+$0xE0]  }
0x1c5: {  	v63 =	vld [tilespmem:s20+$0xF0];
	[tilespmem:s20+$0x80] =	vst v2;
	v2 =	vmul.f32 v59, v5  }
0x1c6: {  	[tilespmem:s20+$0x90] =	vst v1;
	v1 =	vmul.f32 v60, v5  }
0x1c7: {  	[tilespmem:s20+$0xA0] =	vst v2;
	v2 =	vmul.f32 v61, v5  }
0x1c8: {  	[tilespmem:s20+$0xB0] =	vst v1;
	v1 =	vmul.f32 v62, v5  }
0x1c9: {  	[tilespmem:s20+$0xC0] =	vst v2;
	v2 =	vmul.f32 v3, v5  }
0x1ca: {  	s22 =	sshll.u32 s17, $0x7;
	s17 =	sadd.s32 $0x1, s17;
	[tilespmem:s20+$0xD0] =	vst v1;
	v1 =	vmul.f32 v63, v5  }
0x1cb: {  	p0 =	sne.s32 s17, $0x7D;
	s18 =	sand.u32 $0x3FFFFF80, s22;
	[tilespmem:s20+$0xE0] =	vst v2  }
.Ltmp7:
0x1cc: {  	s18 =	sadd.s32 $0x2780, s18;
	[tilespmem:s20+$0xF0] =	vst v1;
	(pc) =	sbr.rel @p0 .LBB2_12-.Ltmp7, $4  }
0x1cd: {  	[spmem:s2] =	stream.indirect.scatter.add.f32 [tilespmem:s30], [sflag:$0x1], $0x80, s18, s0, $0xb8;
	[tilespmem:$0x1CF00] =	vst v63  }
0x1ce: {  	_ =	swait.ge [sflag:s28], $0x2800  }
0x1cf: {  	[sflag:s28] =	ssyncset.done $0x0  }
0x1d0: {  	[sflag:s28] =	ssyncadd.s32 $0xFFFFD800  }
0x1d1: {  	[bflag:$0x0] =	sbarrier.arrive $0xFFFF  }
0x1d2: {  	s17 =	rddreg [dreg:$0xd]  }
0x1d3: {  	[hbm:s17], [sflag:s7] =	dma.local [spmem:s8], $0x500  }
0x1d4: {  	_ =	swait.ge [sflag:s28], $0x500  }
0x1d5: {  	[sflag:s28] =	ssyncset.done $0x0  }
0x1d6: {  	s21 =	rddreg [dreg:$0xe];
	[sflag:s28] =	ssyncadd.s32 $0xFFFFFB00  }
0x1d7: {  	[hbm:s21], [sflag:s7] =	dma.local [spmem:s9], $0x500  }
0x1d8: {  	_ =	swait.ge [sflag:s28], $0x500  }
0x1d9: {  	[sflag:s28] =	ssyncset.done $0x0  }
0x1da: {  	s22 =	rddreg [dreg:$0xf];
	[sflag:s28] =	ssyncadd.s32 $0xFFFFFB00  }
0x1db: {  	[hbm:s22], [sflag:s7] =	dma.local [spmem:s29], $0x500  }
0x1dc: {  	_ =	swait.ge [sflag:s28], $0x500  }
0x1dd: {  	s6 =	sadd.s32 $0x1, s6;
	[sflag:s28] =	ssyncset.done $0x0  }
0x1de: {  	p0 =	sne.s32 s6, s24;
	[sflag:s28] =	ssyncadd.s32 $0xFFFFFB00  }
0x1df: {  	[hbm:s23], [sflag:s7] =	dma.local [spmem:s16], $0x500  }
.Ltmp8:
0x1e0: {  	_ =	swait.ge [sflag:s28], $0x500;
	(pc) =	sbr.rel @p0 .LBB2_1-.Ltmp8, $4  }
0x1e1: {  	[sflag:s28] =	ssyncset.done $0x0  }
0x1e2: {  	[sflag:s28] =	ssyncadd.s32 $0xFFFFFB00  }
0x1e3: {  	[bflag:$0x0] =	sbarrier.arrive $0xFFFF  }
0x1e4: {  	s19 =	simm.s32 $0x2780  }
0x1e5: {  	_ =	sfence.sel $0x180000  }
0x1e6: {  	[bflag:$0x0] =	sbarrier.arrive $0xFFFF  }
0x1e7: {  	_ =	strace $0x9000004A  }
0x1e8: {  	s0 =	stileid.u32;
	[bflag:$0x2] =	sbarrier.arrive $0xFFFF  }
0x1e9: {  	p0 =	sne.s32 s0, $0x0;
	s0 =	rddreg [dreg:$0x3]  }
0x1ea: {  	s0 =	sadd.s32 @!p0 $0x100000, s0  }
0x1eb: {  	[sflag:s0] =	ssyncadd.tile.s32 @!p0 $0x1;
	_ =	shalt  }
.Lfunc_end2:
_tile_overlayer_lowered:
.L_overlay_start_2:
0x1ec: {  	(tag) =	ssettag $0x2  }
0x1ed: {  	s0 =	rddreg [dreg:$0x0];
	s2 =	stileid.u32  }
0x1ee: {  	s1 =	rddreg [dreg:$0x1];
	p0 =	sne.s32 s2, $0x0  }
0x1ef: {  	s3 =	rddreg [dreg:$0x2];
	[bflag:$0x3] =	sbarrier.arrive $0xFFFF;
	s2 =	simm.s32 @!p0 $0x1C01  }
0x1f0: {  	[timem:s3], [sflag:s2] =	dma.local @!p0 [hbm:s0], s1  }
0x1f1: {  	s0 =	simm.s32 @!p0 $0x1  }
0x1f2: {  	_ =	swait.ge @!p0 [sflag:s0], s1  }
0x1f3: {  	s1 =	ssub.s32 @!p0 $0x0, s1;
	[sflag:s0] =	ssyncset.done @!p0 $0x0  }
0x1f4: {  	[sflag:s0] =	ssyncadd.s32 @!p0 s1  }
0x1f5: {  	[bflag:$0x3] =	sbarrier.arrive $0xFFFF  }
0x1f6: {  	_ =	shalt  }

// kernel: kernel.9.cloned.1.call-start
scs
__scs_entry_jumppad:
0x0: {  	(pc) =	sbr.rel $0x88, $3  }
0x1: {  	(tag) =	ssettag $0x0;
	lr =	simm.s32 $0x1  }
0x2: {  	[smem:$0x3F9B] =	sst lr;
	_ =	strace $0xD0000000  }
0x3: {  	_ = 	snop  }
0x4: {  	_ = 	snop  }
0x5: {  	_ = 	snop  }
0x6: {  	_ = 	snop  }
0x7: {  	_ = 	snop  }
__scs_overlays_trampoline_lowered:
0x8: {  	[smem:$0x3FAA] =	sst s0  }
0x9: {  	[smem:$0x3FAB] =	sst s1  }
0xa: {  	[smem:$0x3FAC] =	sst s2  }
0xb: {  	[smem:$0x3FAD] =	sst s3  }
0xc: {  	[smem:$0x3FAE] =	sst s4  }
0xd: {  	[smem:$0x3FAF] =	sst s5  }
0xe: {  	[smem:$0x3FB0] =	sst s6  }
0xf: {  	[smem:$0x3FB1] =	sst s7  }
0x10: {  	[smem:$0x3FB2] =	sst s8  }
0x11: {  	[smem:$0x3FB3] =	sst s9;
	s0 =	simm.s32 @!p0 $0x0  }
0x12: {  	s1 =	sld [smem:$0x3F99];
	s0 =	simm.s32 @p0 $0x1  }
0x13: {  	[smem:$0x3FB4] =	sst s0;
	s0 =	simm.s32 @!p1 $0x0  }
0x14: {  	s2 =	sld [smem:$0x3F98];
	s0 =	simm.s32 @p1 $0x1  }
0x15: {  	[smem:$0x3FB5] =	sst s0;
	s0 =	simm.s32 @!p2 $0x0  }
0x16: {  	s3 =	sld [smem:$0x3FDB];
	s0 =	simm.s32 @p2 $0x1  }
0x17: {  	s4 =	simm.s32 $0x1BF5;
	[smem:$0x3FB7] =	sst s0  }
0x18: {  	s0 =	sld [smem:$0x3F9A];
	_ =	swait.ge [sflag:s4], $0x0  }
0x19: {  	s7 =	sld [smem:$0x3F9B]  }
0x1a: {  	s8 =	sadd.s32 $0xFFFFE003, lr  }
0x1b: {  	s9 =	sadd.s32 $0xFFFFFEF7, lr;
	s5 =	simm.s32 $0xFFFFFFFF;
	p2 =	slt.u32 s8, $0xFFFFF086  }
0x1c: {  	p1 =	slt.u32 s9, $0xF7A;
	s5 =	simm.s32 @!p2 $0x0  }
0x1d: {  	s5 =	simm.s32 @p1 $0x1;
	p0 =	seq.s32 s7, s2  }
0x1e: {  	s7 =	smul.u32 @!p0 $0xF7A, s2;
	p2 =	seq.s32 @!p0 s5, $0x0  }
0x1f: {  	s9 =	smul.u32 $0xF7A, s1;
	s8 =	simm.s32 @!p0 $0x1BF5;
	p2 =	por !p2, p0  }
0x20: {  	[sflag:s8] =	ssyncset.s32 @!p0 $0xFFFFF086;
	s6 =	sadd.s32 @!p0 s3, s7;
	s7 =	simm.s32 @!p0 $0x108  }
0x21: {  	s3 =	sadd.s32 s3, s9;
	s6 =	sadd.s32 @!p0 $0x88, s6;
	s7 =	simm.s32 @p2 $0x1082  }
0x22: {  	[simem:s7], [sflag:s8] =	dma.local @!p0 [hbm:s6], $0xF7A  }
0x23: {  	s9 =	sor.u32 $0xD0000000, s2;
	s6 =	simm.s32 $0x108;
	_ =	swait.ge @!p0 [sflag:s8], $0x0  }
0x24: {  	s3 =	sadd.s32 $0x88, s3;
	s6 =	simm.s32 @!p1 $0x1082;
	[sflag:s4] =	ssyncset.s32 $0xFFFFF086  }
0x25: {  	[simem:s6], [sflag:s4] =	dma.local [hbm:s3], $0xF7A  }
0x26: {  	[smem:$0x3F9B] =	sst s1;
	(tag) =	ssettag s2;
	_ =	strace s9  }
0x27: {  	s1 =	sld [smem:$0x3FAB]  }
0x28: {  	s2 =	sld [smem:$0x3FAC]  }
0x29: {  	s4 =	sld [smem:$0x3FAE]  }
0x2a: {  	p0 =	seq.s32 s5, $0x0;
	s5 =	sld [smem:$0x3FAF]  }
0x2b: {  	s6 =	sld [smem:$0x3FB0]  }
0x2c: {  	s7 =	sld [smem:$0x3FB1]  }
0x2d: {  	s3 =	simm.s32 $0x108;
	s8 =	sld [smem:$0x3FB2]  }
0x2e: {  	s3 =	simm.s32 @!p0 $0x1082;
	s9 =	sld [smem:$0x3FB3]  }
0x2f: {  	lr =	sadd.s32 s0, s3;
	s0 =	sld [smem:$0x3FAA]  }
0x30: {  	s3 =	sld [smem:$0x3FAD]  }
0x31: {  	[smem:$0x3FB6] =	sst s10  }
0x32: {  	s10 =	sld [smem:$0x3FB4];
	_ =	sdelay $0x3  }
0x33: {  	p0 =	seq.s32 s10, $0x1;
	s10 =	sld [smem:$0x3FB6];
	_ =	sdelay $0x3  }
0x34: {  	[smem:$0x3FB6] =	sst s10  }
0x35: {  	s10 =	sld [smem:$0x3FB5];
	_ =	sdelay $0x3  }
0x36: {  	p1 =	seq.s32 s10, $0x1;
	s10 =	sld [smem:$0x3FB6];
	_ =	sdelay $0x3  }
0x37: {  	[smem:$0x3FB6] =	sst s10  }
0x38: {  	s10 =	sld [smem:$0x3FB7]  }
0x39: {  	_ = 	snop;
	(pc) =	sbr.ind lr, $3  }
0x3a: {  	_ = 	snop  }
0x3b: {  	_ = 	snop  }
0x3c: {  	p2 =	seq.s32 s10, $0x1;
	s10 =	sld [smem:$0x3FB6]  }
0x3d: {  	_ =	shalt  }
0x3e: {  	_ =	shalt  }
0x3f: {  	_ =	shalt  }
0x40: {  	_ =	shalt  }
0x41: {  	_ =	shalt  }
0x42: {  	_ =	shalt  }
0x43: {  	_ =	shalt  }
0x44: {  	_ =	shalt  }
0x45: {  	_ =	shalt  }
0x46: {  	_ =	shalt  }
0x47: {  	_ =	shalt  }
0x48: {  	_ =	shalt  }
0x49: {  	_ =	shalt  }
0x4a: {  	_ =	shalt  }
0x4b: {  	_ =	shalt  }
0x4c: {  	_ =	shalt  }
0x4d: {  	_ =	shalt  }
0x4e: {  	_ =	shalt  }
0x4f: {  	_ =	shalt  }
0x50: {  	_ =	shalt  }
0x51: {  	_ =	shalt  }
0x52: {  	_ =	shalt  }
0x53: {  	_ =	shalt  }
0x54: {  	_ =	shalt  }
0x55: {  	_ =	shalt  }
0x56: {  	_ =	shalt  }
0x57: {  	_ =	shalt  }
0x58: {  	_ =	shalt  }
0x59: {  	_ =	shalt  }
0x5a: {  	_ =	shalt  }
0x5b: {  	_ =	shalt  }
0x5c: {  	_ =	shalt  }
0x5d: {  	_ =	shalt  }
0x5e: {  	_ =	shalt  }
0x5f: {  	_ =	shalt  }
0x60: {  	_ =	shalt  }
0x61: {  	_ =	shalt  }
0x62: {  	_ =	shalt  }
0x63: {  	_ =	shalt  }
0x64: {  	_ =	shalt  }
0x65: {  	_ =	shalt  }
0x66: {  	_ =	shalt  }
0x67: {  	_ =	shalt  }
0x68: {  	_ =	shalt  }
0x69: {  	_ =	shalt  }
0x6a: {  	_ =	shalt  }
0x6b: {  	_ =	shalt  }
0x6c: {  	_ =	shalt  }
0x6d: {  	_ =	shalt  }
0x6e: {  	_ =	shalt  }
0x6f: {  	_ =	shalt  }
0x70: {  	_ =	shalt  }
0x71: {  	_ =	shalt  }
0x72: {  	_ =	shalt  }
0x73: {  	_ =	shalt  }
0x74: {  	_ =	shalt  }
0x75: {  	_ =	shalt  }
0x76: {  	_ =	shalt  }
0x77: {  	_ =	shalt  }
0x78: {  	_ =	shalt  }
0x79: {  	_ =	shalt  }
0x7a: {  	_ =	shalt  }
0x7b: {  	_ =	shalt  }
0x7c: {  	_ =	shalt  }
0x7d: {  	_ =	shalt  }
0x7e: {  	_ =	shalt  }
0x7f: {  	_ =	shalt  }
0x80: {  	_ =	shalt  }
0x81: {  	_ =	shalt  }
0x82: {  	_ =	shalt  }
0x83: {  	_ =	shalt  }
0x84: {  	_ =	shalt  }
0x85: {  	_ =	shalt  }
0x86: {  	_ =	shalt  }
0x87: {  	_ =	shalt  }
.Lfunc_end0:
.L_simem_size_0:
called_computation_lowered:
.L_overlay_start_0:
0x88: {  	s2 =	sld [smem:$0x3FD9]  }
0x89: {  	s3 =	sld [smem:$0x3FFE];
	_ =	sdelay $0x1  }
0x8a: {  	s1 =	srdreg.scid  }
0x8b: {  	s0 =	sand.u32 $0x1, s1  }
0x8c: {  	s14 =	sshll.u32 s0, $0xA;
	s2 =	sadd.s32 s3, s2  }
0x8d: {  	s2 =	sadd.s32 s2, s14  }
0x8e: {  	[smem:$0x3FC2] =	sst s2  }
0x8f: {  	_ = 	snop  }
0x90: {  	s2 =	sld [smem:$0x3FD0];
	_ =	sdelay $0x2  }
0x91: {  	s15 =	simm.s32 $0xA;
	s4 =	simm.s32 $0x10  }
0x92: {  	[smem:s4], [sflag:s15] =	dma.local [hbm:s2], $0x1  }
0x93: {  	_ =	swait.eq [sflag:s15], $0x1  }
0x94: {  	[sflag:s15] =	ssyncset.done $0x0  }
0x95: {  	[sflag:s15] =	ssyncadd.s32 $0xFFFFFFFF  }
0x96: {  	s16 =	sld [smem:$0x11];
	(tm) =	ssettm $0x1  }
0x97: {  	s17 =	sld [smem:$0x3FFB];
	_ =	sdelay $0x3  }
0x98: {  	_ =	strace s17  }
0x99: {  	s3 =	sld [smem:$0x3FFC];
	_ =	sdelay $0x3  }
0x9a: {  	_ =	strace s3  }
0x9b: {  	s3 =	sld [smem:$0x3FFD];
	_ =	sdelay $0x3  }
0x9c: {  	_ =	strace s3  }
0x9d: {  	_ =	strace $0x8FFFFFFF  }
0x9e: {  	s18 =	sld [smem:$0x3FDB];
	_ =	sdelay $0x1  }
0x9f: {  	s19 =	simm.s32 $_scs_section_size  }
0xa0: {  	s5 =	simm.s32 $_size__tile_overlayer_lowered;
	s6 =	simm.s32 $_tile_overlayer_lowered  }
0xa1: {  	s22 =	simm.s32 $0x1BFF;
	s21 =	sshll.u32 s6, $0x1;
	s3 =	sadd.s32 s19, s18  }
0xa2: {  	s7 =	simm.s32 $0x0;
	s20 =	sshll.u32 s5, $0x1;
	s5 =	sadd.s32 s21, s3  }
0xa3: {  	[timem:s7], [sflag:s22] =	dma.local [hbm:s5], s20  }
0xa4: {  	_ =	swait.ge [sflag:s22], s20  }
0xa5: {  	s4 =	ssub.s32 $0x0, s20;
	[sflag:s22] =	ssyncset.done $0x0  }
0xa6: {  	[sflag:s22] =	ssyncadd.s32 s4;
	_ =	sdelay $0x1  }
0xa7: {  	s23 =	simm.s32 $0x1B8B  }
0xa8: {  	_ =	swait.ge [sflag:s23], $0x1  }
0xa9: {  	[sflag:s23] =	ssyncset.done $0x0  }
0xaa: {  	s25 =	simm.s32 $0x1B8E;
	s24 =	sld [smem:$0x3FFE];
	[sflag:s23] =	ssyncadd.s32 $0xFFFFFFFF  }
0xab: {  	s26 =	simm.s32 $execute0_lowered;
	[smem:$0x3FD2] =	sst s25  }
0xac: {  	s5 =	sshll.u32 s26, $0x1;
	_ =	strace $0x80000046;
	[dreg:$0x1] =	wrdreg $0xFFFFFFFF  }
0xad: {  	s28 =	simm.s32 $_size_execute0_lowered;
	s3 =	sadd.s32 s3, s5;
	[dreg:$0x0] =	wrdreg $0x0  }
0xae: {  	s5 =	sshll.u32 s28, $0x1;
	[dreg:$0x2] =	wrdreg s3  }
0xaf: {  	[dreg:$0x3] =	wrdreg s5  }
0xb0: {  	[dreg:$0x4] =	wrdreg $0xC0  }
0xb1: {  	_ =	task [dreg:s7], $0x5FFFF  }
0xb2: {  	[dreg:$0x1] =	wrdreg $0xFFFFFFFF  }
0xb3: {  	[dreg:$0x0] =	wrdreg $0x60  }
0xb4: {  	[dreg:$0x2] =	wrdreg s24  }
0xb5: {  	[dreg:$0x3] =	wrdreg s16  }
0xb6: {  	[dreg:$0x4] =	wrdreg $0x9  }
0xb7: {  	_ =	task.clear_ibuf [dreg:s7], $0x5FFFF;
	_ =	strace $0x90000046  }
0xb8: {  	s29 =	simm.s32 $0x9;
	_ =	strace $0x80000048  }
0xb9: {  	_ =	swait.ge [sflag:s29], $0x1  }
0xba: {  	[sflag:s29] =	ssyncadd.s32 $0xFFFFFFFF  }
0xbb: {  	_ =	strace $0x90000048  }
0xbc: {  	_ =	sfence  }
0xbd: {  	s30 =	sld [smem:$0x0];
	_ =	sdelay $0x2  }
0xbe: {  	s31 =	sshll.u32 s1, $0xD;
	s1 =	sshrl.u32 s1, $0x2  }
0xbf: {  	s3 =	sand.u32 $0x4000, s31;
	s1 =	sadd.s32 s1, s30  }
0xc0: {  	s0 =	sor.u32 s3, s0;
	s1 =	sshll.u32 s1, $0x11  }
0xc1: {  	s0 =	sor.u32 s1, s0  }
0xc2: {  	s0 =	sadd.s32 $0x8F2B, s0  }
0xc3: {  	[sflag:s0] =	ssyncadd.remote.s32 $0x1  }
0xc4: {  	_ =	sfence.sel $0xFFFF  }
0xc5: {  	[dreg:$0x0] =	wrdreg $0xFFFFFFFF;
	(pc) =	sbr.abs _section_cstart, $3  }
0xc6: {  	[dreg:$0x1] =	wrdreg $0xFFFFFFFF  }
0xc7: {  	_ =	task.clear_ibuf [dreg:s7], $0x2FFFF;
	_ =	strace $0x9FFFFFFF  }
0xc8: {  	(tm) =	ssettm $0x7FFFFFFF  }
0xc9: {  	_ =	shalt  }
tec
execute0_lowered:
.L_overlay_start_1:
0x0: {  	(tag) =	ssettag $0x1  }
0x1: {  	v0 =	vimm.s32 $0xEDCBA987;
	s0 =	rddreg [dreg:$0x0];
	v1 =	vimm.s32 $0x65432100;
	v3 =	vimm.s32 $0xDCBA9876  }
0x2: {  	s6 =	rddreg [dreg:$0x1];
	s2 =	simm.s32 $0x0;
	s1 =	stileid.u32;
	v4 =	vimm.s32 $0x54321000;
	v5 =	vimm.s32 $0xE40000;
	v0 =	vunpack.c.l.s4.s8 v0  }
0x3: {  	s3 =	srdreg.scid;
	v6 =	vimm.s32 $0xBA987654;
	v8 =	vimm.s32 $0x87654321;
	s11 =	simm.s32 $0x400;
	s12 =	simm.s32 $0x3;
	v1 =	vunpack.c.l.s4.s8 v1  }
0x4: {  	vm0 =	vcmask $0x3F30;
	s13 =	simm.s32 $0x2780;
	s14 =	simm.s32 $0xC680;
	s15 =	simm.s32 $0xC700;
	vm1 =	vcmask $0x3F08;
	v2 =	vunpack.c.0.s8.s32 v0  }
0x5: {  	s16 =	simm.s32 $0x50;
	s17 =	simm.s32 $0xC780;
	s18 =	simm.s32 $0xC800;
	v3 =	vunpack.c.l.s4.s8 v3;
	v5 =	vunpack.c.l.s2.s4 v5;
	v1 =	vunpack.c.0.s8.s32 v1  }
0x6: {  	s19 =	simm.s32 $0x1;
	vm2 =	vcmask $0x3F10;
	s20 =	simm.s32 $0x7680;
	s21 =	simm.s32 $0x2;
	v4 =	vunpack.c.l.s4.s8 v4;
	v2 =	vand.u32 $0xF, v2  }
0x7: {  	s22 =	simm.s32 $0x9E80;
	s23 =	simm.s32 $0x4F00;
	s24 =	simm.s32 $0x0;
	v5 =	vunpack.c.l.s4.s8 v5;
	v1 =	vcombine.low v1, v2;
	v2 =	vunpack.c.0.s8.s32 v3  }
0x8: {  	vm3 =	vcmask $0x3F20;
	[smem:$0x7FF] =	sst s2;
	s4 =	sshrl.u32 s1, $0x2;
	s5 =	sand.u32 $0x1, s3;
	v8 =	vunpack.c.l.s4.s8 v8;
	v4 =	vunpack.c.0.s8.s32 v4  }
0x9: {  	s29 =	sshll.u32 s1, $0x8;
	s3 =	sadd.s32 $0x1200, s0;
	s7 =	smul.u32 $0x14000, s4;
	v5 =	vunpack.c.0.s8.s32 v5;
	v3 =	vunpack.c.l.s4.s8 v6;
	v2 =	vand.u32 $0xF, v2  }
0xa: {  	s8 =	sshll.u32 s5, $0x7;
	s9 =	sand.u32 $0x300, s29;
	s4 =	smul.u32 $0x13C00, s4;
	v6 =	vimm.s32 $0x32100000;
	v2 =	vcombine.low v4, v2;
	v4 =	vimm.s32 $0x7060504  }
0xb: {  	_ =	strace $0x80000047;
	s5 =	ssub.s32 $0x2, s5;
	s8 =	sor.u32 s8, s9;
	v6 =	vunpack.c.l.s4.s8 v6;
	v7 =	vunpack.c.0.s8.s32 v4;
	v4 =	vimm.s32 $0xFFEDCBA9  }
0xc: {  	vm4 =	vcmask $0x3F3C;
	s30 =	sshrl.u32 s5, $0x1;
	s7 =	sor.u32 s7, s8;
	s4 =	sor.u32 s4, s8;
	v3 =	vunpack.c.0.s8.s32 v3;
	v9 =	vunpack.c.l.s4.s8 v4  }
0xd: {  	v8 =	vunpack.c.0.s8.s32 v8;
	s10 =	ssub.s32 s5, s30;
	s7 =	sshrl.u32 s7, $0x3;
	s4 =	sshrl.u32 s4, $0x3;
	v5 =	vand.u32 $0x3, v5;
	v6 =	vunpack.c.0.s8.s32 v6  }
0xe: {  	s9 =	smax.u32 s10, $0x1;
	s31 =	sadd.s32 s7, s0;
	s0 =	sadd.s32 s4, s0;
	v3 =	vand.u32 $0xF, v3;
	v5 =	vsel vm0, v7, v5;
	v7 =	vunpack.c.0.s8.s32 v9  }
0xf: {  	v0 =	vimm.f32 $-3.000000010e+38;
	s10 =	simm.s32 $0x80;
	s6 =	sadd.s32 s6, s7;
	s4 =	sadd.s32 $0x10000, s0;
	v3 =	vcombine.low v6, v3;
	v4 =	vimm.f32 $0.0e+00  }
0x10: {  	s5 =	sadd.s32 $0x6200, s0;
	s7 =	sadd.s32 $0x19E00, s31;
	s8 =	sadd.s32 $0x23E00, s0;
	v6 =	vlaneseq.u32;
	vm0 =	vcmask $0x3F04;
	v7 =	vcombine.low v8, v7  }
.LBB2_1:
0x11: {  	[tilespmem:s2], [sflag:$0x3] =	stream.strided.gather [hbm4b:s4+s10], $0x2780, s11, s10, $0x38;
	[tilespmem:$0xC880] =	vst v63  }
0x12: {  	_ =	swait.ge [sflag:s12], $0x2780  }
0x13: {  	[sflag:s12] =	ssyncset.done $0x0  }
0x14: {  	[sflag:s12] =	ssyncadd.s32 $0xFFFFD880  }
0x15: {  	[tilespmem:s13], [sflag:$0x3] =	stream.strided.gather [hbm4b:s5+s10], $0x2780, s11, s10, $0x38;
	[tilespmem:$0xC880] =	vst v63  }
0x16: {  	_ =	swait.ge [sflag:s12], $0x2780  }
0x17: {  	[sflag:s12] =	ssyncset.done $0x0  }
0x18: {  	s0 =	simm.s32 $0x40;
	s25 =	simm.s32 $0x0;
	[sflag:s12] =	ssyncadd.s32 $0xFFFFD880  }
.LBB2_2:
0x19: {  	p0 =	sne.s32 s0, $0x9FC0;
	[tilespmem:s25+$0x7680] =	vst v0;
	s26 =	smov.u32 s0;
	s0 =	sadd.s32 $0x40, s0  }
.Ltmp0:
0x1a: {  	[tilespmem:s25+$0x9E80] =	vst v4;
	(pc) =	sbr.rel @p0 .LBB2_2-.Ltmp0, $2  }
0x1b: {  	_ =	sdelay $0x2  }
0x1c: {  	s25 =	sshra.s32 s26, $0x2  }
0x1d: {  	[tilespmem:s25+$0x7680] =	vst v0  }
0x1e: {  	[tilespmem:s25+$0x9E80] =	vst v4;
	s25 =	simm.s32 $0x50;
	s26 =	simm.s32 $0x0  }
0x1f: {  	[tilespmem:s14], [sflag:$0x1] =	stream.indirect.gather [hbm4b:s3+s25], $0x1, s26, s25, $0xb8;
	[tilespmem:$0xC880] =	vst v63  }
0x20: {  	s28 =	simm.s32 $0x4F00;
	s29 =	simm.s32 $0x4F50;
	s30 =	simm.s32 $0x0  }
0x21: {  	[tilespmem:s15], [sflag:$0x1] =	stream.indirect.gather [hbm4b:s3+s25], $0x1, s13, s25, $0xb8;
	[tilespmem:$0xC880] =	vst v63  }
.LBB2_4:
0x22: {  	s31 =	smul.u32 $0xA0, s30;
	_ =	sdelay $0x1  }
0x23: {  	s0 =	sadd.s32 $0x50, s31  }
0x24: {  	[tilespmem:s17], [sflag:$0x2] =	stream.indirect.gather [hbm4b:s3+s16], $0x1, s0, s16, $0xb8;
	[tilespmem:$0xC880] =	vst v63  }
0x25: {  	s1 =	sadd.s32 $0x27D0, s31  }
0x26: {  	[tilespmem:s18], [sflag:$0x2] =	stream.indirect.gather [hbm4b:s3+s16], $0x1, s1, s16, $0xb8;
	[tilespmem:$0xC880] =	vst v63  }
0x27: {  	_ =	swait.ge [sflag:s19], $0x50  }
0x28: {  	[sflag:s19] =	ssyncset.done $0x0  }
0x29: {  	[sflag:s19] =	ssyncadd.s32 $0xFFFFFFB0  }
0x2a: {  	_ =	swait.ge [sflag:s19], $0x50  }
0x2b: {  	[sflag:s19] =	ssyncset.done $0x0  }
0x2c: {  	s1 =	simm.s32 $0x0;
	[sflag:s19] =	ssyncadd.s32 $0xFFFFFFB0  }
0x2d: {  	v10 =	vld [tilespmem:s1+$0xC680]  }
0x2e: {  	v11 =	vld [tilespmem:s1+$0xC700];
	_ =	sdelay $0x1  }
0x2f: {  	v8 =	vmov s28  }
0x30: {  	v9 =	vmov s26;
	_ =	sdelay $0x1  }
0x31: {  	v11 =	vmul.f32 v11, v10;
	_ =	sdelay $0x1  }
0x32: {  	[tilespmem:v8+s1+$0x0 ss:$0x1] =	vst.idx.msk $0xffff, v11  }
0x33: {  	v10 =	vld.idx.msk [tilespmem:v9+s1+$0x0 ss:$0x1], $0xffff;
	_ =	sdelay $0x4  }
0x34: {  	v10 =	vshrl.u32 v10, $0x4  }
0x35: {  	v10 =	vor.u32 $0x80000000, v10  }
0x36: {  	(xrf1) =	vsort.ascd.msk.u32 $0xffff, v10, v6;
	_ =	sdelay $0xd  }
0x37: {  	v10, v12, _ =	vpop (xrf1)  }
0x38: {  	v10 =	vxor.u32 $0x80000000, v10;
	v11 =	vperm.xlane v11, v12  }
0x39: {  	v12 =	vperm.xlane v10, v1  }
0x3a: {  	v13 =	vperm.xlane v11, v1  }
0x3b: {  	vm5 =	veq.s32 v12, v10  }
0x3c: {  	vm5 =	vmand vm5, vm0;
	v12 =	vmax.f32 v11, v13  }
0x3d: {  	v13 =	vperm.xlane v10, v2;
	v11 =	vsel vm5, v12, v11  }
0x3e: {  	v12 =	vperm.xlane v11, v2  }
0x3f: {  	vm5 =	veq.s32 v13, v10;
	v13 =	vperm.xlane v10, v7  }
0x40: {  	vm5 =	vmand vm5, vm1;
	v12 =	vmax.f32 v11, v12  }
0x41: {  	v14 =	vperm.xlane v10, v3;
	v11 =	vsel vm5, v12, v11;
	vm5 =	vne.s32 v13, v10  }
0x42: {  	v12 =	vperm.xlane v11, v3;
	vm5 =	vmor vm5, vm4  }
0x43: {  	vm6 =	veq.s32 v14, v10  }
0x44: {  	vm6 =	vmand vm6, vm2;
	v12 =	vmax.f32 v11, v12  }
0x45: {  	v12 =	vsel vm6, v12, v11  }
0x46: {  	v13 =	vperm.xlane v10, v5;
	v11 =	vperm.xlane v12, v5;
	_ =	sdelay $0x1  }
0x47: {  	vm6 =	veq.s32 v13, v10;
	v13 =	vmax.f32 v12, v11;
	v11 =	vld.idx.msk [tilespmem:v10+s20+$0x0], vm5;
	_ =	sdelay $0x2  }
0x48: {  	vm6 =	vmand vm6, vm3  }
0x49: {  	s0 =	simm.s32 $0x40;
	v12 =	vsel vm6, v13, v12  }
.LBB2_5:
0x4a: {  	p0 =	sne.s32 s0, $0x100;
	v11 =	vmax.f32 v11, v12;
	s1 =	smov.u32 s0;
	s0 =	sadd.s32 $0x40, s0  }
0x4b: {  	s1 =	sshra.s32 s1, $0x2;
	[tilespmem:v10+s20+$0x0] =	vst.idx.msk vm5, v11  }
0x4c: {  	v10 =	vld [tilespmem:s1+$0xC680]  }
0x4d: {  	v11 =	vld [tilespmem:s1+$0xC700];
	_ =	sdelay $0x4  }
0x4e: {  	v11 =	vmul.f32 v11, v10;
	_ =	sdelay $0x1  }
0x4f: {  	[tilespmem:v8+s1+$0x0 ss:$0x1] =	vst.idx.msk $0xffff, v11  }
0x50: {  	v10 =	vld.idx.msk [tilespmem:v9+s1+$0x0 ss:$0x1], $0xffff;
	_ =	sdelay $0x5  }
0x51: {  	v10 =	vshrl.u32 v10, $0x4  }
0x52: {  	v10 =	vor.u32 $0x80000000, v10  }
0x53: {  	(xrf1) =	vsort.ascd.msk.u32 $0xffff, v10, v6;
	_ =	sdelay $0xd  }
0x54: {  	v10, v12, _ =	vpop (xrf1)  }
0x55: {  	v10 =	vxor.u32 $0x80000000, v10;
	v11 =	vperm.xlane v11, v12  }
0x56: {  	v12 =	vperm.xlane v10, v1;
	v13 =	vperm.xlane v10, v7  }
0x57: {  	v15 =	vperm.xlane v10, v2;
	v14 =	vperm.xlane v11, v1  }
0x58: {  	vm5 =	veq.s32 v12, v10;
	v12 =	vperm.xlane v10, v3;
	vm6 =	vne.s32 v13, v10  }
0x59: {  	vm7 =	veq.s32 v15, v10;
	vm5 =	vmand vm5, vm0;
	v13 =	vmax.f32 v11, v14  }
0x5a: {  	v11 =	vsel vm5, v13, v11;
	vm8 =	veq.s32 v12, v10;
	vm5 =	vmor vm6, vm4  }
0x5b: {  	v13 =	vperm.xlane v10, v5;
	v12 =	vperm.xlane v11, v2  }
0x5c: {  	vm6 =	vmand vm7, vm1  }
0x5d: {  	vm7 =	veq.s32 v13, v10;
	v12 =	vmax.f32 v11, v12  }
0x5e: {  	v12 =	vsel vm6, v12, v11  }
0x5f: {  	v13 =	vperm.xlane v12, v3  }
0x60: {  	vm6 =	vmand vm8, vm2;
	v11 =	vld.idx.msk [tilespmem:v10+s20+$0x0], vm5  }
0x61: {  	v13 =	vmax.f32 v12, v13  }
.Ltmp1:
0x62: {  	v12 =	vsel vm6, v13, v12;
	(pc) =	sbr.rel @p0 .LBB2_5-.Ltmp1, $4  }
0x63: {  	v13 =	vperm.xlane v12, v5  }
0x64: {  	vm6 =	vmand vm7, vm3  }
0x65: {  	v13 =	vmax.f32 v12, v13  }
0x66: {  	v12 =	vsel vm6, v13, v12  }
0x67: {  	_ =	sdelay $0x3  }
0x68: {  	v8 =	vmax.f32 v11, v12  }
0x69: {  	s0 =	sadd.s32 $0xA0, s31;
	[tilespmem:v10+s20+$0x0] =	vst.idx.msk vm5, v8  }
0x6a: {  	[tilespmem:s14], [sflag:$0x1] =	stream.indirect.gather [hbm4b:s3+s16], $0x1, s0, s16, $0xb8;
	[tilespmem:$0xC880] =	vst v63  }
0x6b: {  	s1 =	sadd.s32 $0x2820, s31  }
0x6c: {  	[tilespmem:s15], [sflag:$0x1] =	stream.indirect.gather [hbm4b:s3+s16], $0x1, s1, s16, $0xb8;
	[tilespmem:$0xC880] =	vst v63  }
0x6d: {  	_ =	swait.ge [sflag:s21], $0x50  }
0x6e: {  	[sflag:s21] =	ssyncset.done $0x0  }
0x6f: {  	[sflag:s21] =	ssyncadd.s32 $0xFFFFFFB0  }
0x70: {  	_ =	swait.ge [sflag:s21], $0x50  }
0x71: {  	[sflag:s21] =	ssyncset.done $0x0  }
0x72: {  	s31 =	simm.s32 $0x0;
	[sflag:s21] =	ssyncadd.s32 $0xFFFFFFB0  }
0x73: {  	v10 =	vld [tilespmem:s31+$0xC780]  }
0x74: {  	v11 =	vld [tilespmem:s31+$0xC800];
	_ =	sdelay $0x1  }
0x75: {  	v8 =	vmov s29  }
0x76: {  	v9 =	vmov s25;
	_ =	sdelay $0x1  }
0x77: {  	v11 =	vmul.f32 v11, v10;
	_ =	sdelay $0x1  }
0x78: {  	[tilespmem:v8+s31+$0x0 ss:$0x1] =	vst.idx.msk $0xffff, v11  }
0x79: {  	v10 =	vld.idx.msk [tilespmem:v9+s31+$0x0 ss:$0x1], $0xffff;
	_ =	sdelay $0x4  }
0x7a: {  	v10 =	vshrl.u32 v10, $0x4  }
0x7b: {  	v10 =	vor.u32 $0x80000000, v10  }
0x7c: {  	(xrf1) =	vsort.ascd.msk.u32 $0xffff, v10, v6;
	_ =	sdelay $0xd  }
0x7d: {  	v10, v12, _ =	vpop (xrf1)  }
0x7e: {  	v10 =	vxor.u32 $0x80000000, v10;
	v11 =	vperm.xlane v11, v12  }
0x7f: {  	v12 =	vperm.xlane v10, v1  }
0x80: {  	v13 =	vperm.xlane v11, v1  }
0x81: {  	vm5 =	veq.s32 v12, v10  }
0x82: {  	vm5 =	vmand vm5, vm0;
	v12 =	vmax.f32 v11, v13  }
0x83: {  	v13 =	vperm.xlane v10, v2;
	v11 =	vsel vm5, v12, v11  }
0x84: {  	v12 =	vperm.xlane v11, v2  }
0x85: {  	vm5 =	veq.s32 v13, v10;
	v13 =	vperm.xlane v10, v7  }
0x86: {  	vm5 =	vmand vm5, vm1;
	v12 =	vmax.f32 v11, v12  }
0x87: {  	v14 =	vperm.xlane v10, v3;
	v11 =	vsel vm5, v12, v11;
	vm5 =	vne.s32 v13, v10  }
0x88: {  	v12 =	vperm.xlane v11, v3;
	vm5 =	vmor vm5, vm4  }
0x89: {  	vm6 =	veq.s32 v14, v10  }
0x8a: {  	vm6 =	vmand vm6, vm2;
	v12 =	vmax.f32 v11, v12  }
0x8b: {  	v12 =	vsel vm6, v12, v11  }
0x8c: {  	v13 =	vperm.xlane v10, v5;
	v11 =	vperm.xlane v12, v5;
	_ =	sdelay $0x1  }
0x8d: {  	vm6 =	veq.s32 v13, v10;
	v13 =	vmax.f32 v12, v11;
	v11 =	vld.idx.msk [tilespmem:v10+s20+$0x0], vm5;
	_ =	sdelay $0x2  }
0x8e: {  	vm6 =	vmand vm6, vm3  }
0x8f: {  	s0 =	simm.s32 $0x40;
	v12 =	vsel vm6, v13, v12  }
.LBB2_7:
0x90: {  	p0 =	sne.s32 s0, $0x100;
	v11 =	vmax.f32 v11, v12;
	s1 =	smov.u32 s0;
	s0 =	sadd.s32 $0x40, s0  }
0x91: {  	s1 =	sshra.s32 s1, $0x2;
	[tilespmem:v10+s20+$0x0] =	vst.idx.msk vm5, v11  }
0x92: {  	v10 =	vld [tilespmem:s1+$0xC780]  }
0x93: {  	v11 =	vld [tilespmem:s1+$0xC800];
	_ =	sdelay $0x4  }
0x94: {  	v11 =	vmul.f32 v11, v10;
	_ =	sdelay $0x1  }
0x95: {  	[tilespmem:v8+s1+$0x0 ss:$0x1] =	vst.idx.msk $0xffff, v11  }
0x96: {  	v10 =	vld.idx.msk [tilespmem:v9+s1+$0x0 ss:$0x1], $0xffff;
	_ =	sdelay $0x5  }
0x97: {  	v10 =	vshrl.u32 v10, $0x4  }
0x98: {  	v10 =	vor.u32 $0x80000000, v10  }
0x99: {  	(xrf1) =	vsort.ascd.msk.u32 $0xffff, v10, v6;
	_ =	sdelay $0xd  }
0x9a: {  	v10, v12, _ =	vpop (xrf1)  }
0x9b: {  	v10 =	vxor.u32 $0x80000000, v10;
	v11 =	vperm.xlane v11, v12  }
0x9c: {  	v12 =	vperm.xlane v10, v1;
	v13 =	vperm.xlane v10, v7  }
0x9d: {  	v15 =	vperm.xlane v10, v2;
	v14 =	vperm.xlane v11, v1  }
0x9e: {  	vm5 =	veq.s32 v12, v10;
	v12 =	vperm.xlane v10, v3;
	vm6 =	vne.s32 v13, v10  }
0x9f: {  	vm7 =	veq.s32 v15, v10;
	vm5 =	vmand vm5, vm0;
	v13 =	vmax.f32 v11, v14  }
0xa0: {  	v11 =	vsel vm5, v13, v11;
	vm8 =	veq.s32 v12, v10;
	vm5 =	vmor vm6, vm4  }
0xa1: {  	v13 =	vperm.xlane v10, v5;
	v12 =	vperm.xlane v11, v2  }
0xa2: {  	vm6 =	vmand vm7, vm1  }
0xa3: {  	vm7 =	veq.s32 v13, v10;
	v12 =	vmax.f32 v11, v12  }
0xa4: {  	v12 =	vsel vm6, v12, v11  }
0xa5: {  	v13 =	vperm.xlane v12, v3  }
0xa6: {  	vm6 =	vmand vm8, vm2;
	v11 =	vld.idx.msk [tilespmem:v10+s20+$0x0], vm5  }
0xa7: {  	v13 =	vmax.f32 v12, v13  }
.Ltmp2:
0xa8: {  	v12 =	vsel vm6, v13, v12;
	(pc) =	sbr.rel @p0 .LBB2_7-.Ltmp2, $4  }
0xa9: {  	v13 =	vperm.xlane v12, v5  }
0xaa: {  	vm6 =	vmand vm7, vm3  }
0xab: {  	v13 =	vmax.f32 v12, v13  }
0xac: {  	v12 =	vsel vm6, v13, v12  }
0xad: {  	s30 =	sadd.s32 $0x1, s30  }
0xae: {  	p0 =	sne.s32 s30, $0x3E  }
.Ltmp3:
0xaf: {  	_ = 	snop;
	(pc) =	sbr.rel @p0 .LBB2_4-.Ltmp3, $3  }
0xb0: {  	_ =	sdelay $0x1  }
0xb1: {  	v8 =	vmax.f32 v11, v12;
	s28 =	sadd.s32 $0xA0, s28  }
0xb2: {  	s26 =	sadd.s32 $0xA0, s26;
	s29 =	sadd.s32 $0xA0, s29;
	s25 =	sadd.s32 $0xA0, s25;
	[tilespmem:v10+s20+$0x0] =	vst.idx.msk vm5, v8  }
0xb3: {  	_ =	swait.ge [sflag:s19], $0x50  }
0xb4: {  	[sflag:s19] =	ssyncset.done $0x0  }
0xb5: {  	[sflag:s19] =	ssyncadd.s32 $0xFFFFFFB0  }
0xb6: {  	_ =	swait.ge [sflag:s19], $0x50  }
0xb7: {  	[sflag:s19] =	ssyncset.done $0x0  }
0xb8: {  	s0 =	simm.s32 $0x0;
	s25 =	simm.s32 $0x40;
	[sflag:s19] =	ssyncadd.s32 $0xFFFFFFB0  }
.LBB2_10:
0xb9: {  	p0 =	sne.s32 s25, $0x100;
	v8 =	vld [tilespmem:s0+$0x26C0];
	_ =	sdelay $0x4  }
0xba: {  	v8 =	vshrl.u32 v8, $0x4  }
0xbb: {  	v8 =	vor.u32 $0x80000000, v8  }
0xbc: {  	(xrf1) =	vsort.ascd.msk.u32 $0xffff, v8, v6;
	_ =	sdelay $0x6  }
0xbd: {  	v8 =	vld [tilespmem:s0+$0xC700]  }
0xbe: {  	v9 =	vld [tilespmem:s0+$0xC680];
	_ =	sdelay $0x4  }
0xbf: {  	v8 =	vmul.f32 v8, v9  }
0xc0: {  	v9, v10, _ =	vpop (xrf1)  }
0xc1: {  	v9 =	vxor.u32 $0x80000000, v9;
	v10 =	vperm.xlane v8, v10  }
0xc2: {  	v11 =	vperm.xlane v9, v1  }
0xc3: {  	v12 =	vperm.xlane v10, v1  }
0xc4: {  	vm5 =	veq.s32 v11, v9;
	v11 =	vperm.xlane v9, v7  }
0xc5: {  	vm5 =	vmand vm5, vm0;
	v12 =	vmax.f32 v10, v12  }
0xc6: {  	v10 =	vsel vm5, v12, v10;
	v12 =	vperm.xlane v9, v2;
	vm5 =	vne.s32 v11, v9  }
0xc7: {  	v11 =	vperm.xlane v10, v2;
	vm5 =	vmor vm5, vm4  }
0xc8: {  	vm6 =	veq.s32 v12, v9  }
0xc9: {  	vm6 =	vmand vm6, vm1;
	v11 =	vmax.f32 v10, v11  }
0xca: {  	v10 =	vsel vm6, v11, v10;
	v11 =	vperm.xlane v9, v3  }
0xcb: {  	v12 =	vperm.xlane v10, v3  }
0xcc: {  	[tilespmem:s0+$0x75C0] =	vst v8;
	vm6 =	veq.s32 v11, v9  }
0xcd: {  	vm6 =	vmand vm6, vm2;
	v8 =	vmax.f32 v10, v12;
	v11 =	vld.idx.msk [tilespmem:v9+s20+$0x0], vm5  }
0xce: {  	v8 =	vsel vm6, v8, v10;
	v10 =	vperm.xlane v9, v5  }
0xcf: {  	v12 =	vperm.xlane v8, v5  }
.Ltmp4:
0xd0: {  	vm6 =	veq.s32 v10, v9;
	(pc) =	sbr.rel @p0 .LBB2_10-.Ltmp4, $4  }
0xd1: {  	vm6 =	vmand vm6, vm3;
	v10 =	vmax.f32 v8, v12  }
0xd2: {  	v8 =	vsel vm6, v10, v8  }
0xd3: {  	v8 =	vmax.f32 v11, v8  }
0xd4: {  	s0 =	sshra.s32 s25, $0x2;
	s25 =	sadd.s32 $0x40, s25;
	[tilespmem:v9+s20+$0x0] =	vst.idx.msk vm5, v8  }
0xd5: {  	v8 =	vld [tilespmem:s0+$0x26C0];
	_ =	sdelay $0x4  }
0xd6: {  	v8 =	vshrl.u32 v8, $0x4  }
0xd7: {  	v8 =	vor.u32 $0x80000000, v8  }
0xd8: {  	(xrf1) =	vsort.ascd.msk.u32 $0xffff, v8, v6;
	_ =	sdelay $0x6  }
0xd9: {  	v9 =	vld [tilespmem:s0+$0xC680]  }
0xda: {  	v8 =	vld [tilespmem:s0+$0xC700];
	_ =	sdelay $0x4  }
0xdb: {  	v8 =	vmul.f32 v8, v9  }
0xdc: {  	v9, v10, _ =	vpop (xrf1)  }
0xdd: {  	v9 =	vxor.u32 $0x80000000, v9;
	v10 =	vperm.xlane v8, v10  }
0xde: {  	v11 =	vperm.xlane v9, v1  }
0xdf: {  	v12 =	vperm.xlane v10, v1  }
0xe0: {  	vm5 =	veq.s32 v11, v9  }
0xe1: {  	v11 =	vperm.xlane v9, v7;
	vm5 =	vmand vm5, vm0;
	v12 =	vmax.f32 v10, v12  }
0xe2: {  	v59 =	vperm.xlane v9, v2;
	v10 =	vsel vm5, v12, v10  }
0xe3: {  	vm5 =	vne.s32 v11, v9;
	v11 =	vperm.xlane v10, v2  }
0xe4: {  	vm6 =	veq.s32 v59, v9;
	vm5 =	vmor vm5, vm4  }
0xe5: {  	vm6 =	vmand vm6, vm1;
	v11 =	vmax.f32 v10, v11  }
0xe6: {  	v10 =	vsel vm6, v11, v10;
	v11 =	vperm.xlane v9, v3  }
0xe7: {  	v60 =	vperm.xlane v10, v3  }
0xe8: {  	vm6 =	veq.s32 v11, v9  }
0xe9: {  	[tilespmem:s0+$0x75C0] =	vst v8;
	vm6 =	vmand vm6, vm2;
	v8 =	vmax.f32 v10, v60  }
0xea: {  	v11 =	vld.idx.msk [tilespmem:v9+s20+$0x0], vm5;
	v8 =	vsel vm6, v8, v10;
	v10 =	vperm.xlane v9, v5  }
0xeb: {  	v61 =	vperm.xlane v8, v5  }
0xec: {  	vm6 =	veq.s32 v10, v9  }
0xed: {  	vm6 =	vmand vm6, vm3;
	v10 =	vmax.f32 v8, v61  }
0xee: {  	v8 =	vsel vm6, v10, v8  }
0xef: {  	v8 =	vmax.f32 v11, v8  }
0xf0: {  	s31 =	simm.s32 $0x0;
	[tilespmem:v9+s20+$0x0] =	vst.idx.msk vm5, v8  }
0xf1: {  	v8 =	vld [tilespmem:s31+$0x0];
	_ =	sdelay $0x4  }
0xf2: {  	v8 =	vshrl.u32 v8, $0x4;
	_ =	sdelay $0x3  }
0xf3: {  	v10 =	vld [tilespmem:s31+$0x4F00]  }
0xf4: {  	v9 =	vld.idx.msk [tilespmem:v8+s20+$0x0], $0xffff;
	_ =	sdelay $0x1  }
0xf5: {  	v8 =	vor.u32 $0x80000000, v8  }
0xf6: {  	(xrf1) =	vsort.ascd.msk.u32 $0xffff, v8, v6;
	_ =	sdelay $0x1  }
0xf7: {  	v8 =	vsub.f32 v10, v9;
	_ =	sdelay $0x1  }
0xf8: {  	v8 =	vmul.f32 $1.442695020e+00, v8;
	_ =	sdelay $0x1  }
0xf9: {  	(erf) = vpow2.f32 v8;
	_ =	sdelay $0x7  }
0xfa: {  	v8, v9, _ =	vpop (xrf1)  }
0xfb: {  	v10 =	vpop (erf)  }
0xfc: {  	v9 =	vperm.xlane v10, v9  }
0xfd: {  	v8 =	vxor.u32 $0x80000000, v8  }
0xfe: {  	v10 =	vperm.xlane v8, v1;
	v11 =	vperm.xlane v9, v1;
	_ =	sdelay $0x1  }
0xff: {  	vm5 =	veq.s32 v10, v8;
	v10 =	vadd.f32 v11, v9  }
0x100: {  	vm5 =	vmand vm5, vm0  }
0x101: {  	v9 =	vsel vm5, v10, v9  }
0x102: {  	v10 =	vperm.xlane v8, v2;
	v11 =	vperm.xlane v9, v2  }
0x103: {  	v62 =	vperm.xlane v8, v7  }
0x104: {  	vm5 =	veq.s32 v10, v8;
	v10 =	vadd.f32 v9, v11  }
0x105: {  	vm6 =	vne.s32 v62, v8;
	vm7 =	vmand vm5, vm1  }
0x106: {  	vm5 =	vmor vm6, vm4;
	v9 =	vsel vm7, v10, v9  }
0x107: {  	v10 =	vperm.xlane v8, v3;
	v11 =	vperm.xlane v9, v3;
	_ =	sdelay $0x1  }
0x108: {  	vm6 =	veq.s32 v10, v8;
	v10 =	vadd.f32 v9, v11  }
0x109: {  	vm6 =	vmand vm6, vm2  }
0x10a: {  	v9 =	vsel vm6, v10, v9  }
0x10b: {  	v11 =	vld.idx.msk [tilespmem:v8+s22+$0x0], vm5;
	v10 =	vperm.xlane v8, v5;
	v63 =	vperm.xlane v9, v5;
	_ =	sdelay $0x1  }
0x10c: {  	vm6 =	veq.s32 v10, v8;
	v10 =	vadd.f32 v9, v63  }
0x10d: {  	vm6 =	vmand vm6, vm3  }
0x10e: {  	v9 =	vsel vm6, v10, v9  }
0x10f: {  	s25 =	simm.s32 $0x40;
	s26 =	simm.s32 $0x80;
	v9 =	vadd.f32 v9, v11  }
.LBB2_12:
0x110: {  	p0 =	sne.s32 s26, $0x9C00  }
0x111: {  	s0 =	sshra.s32 s25, $0x2;
	s25 =	smov.u32 s26;
	s26 =	sadd.s32 $0x40, s26  }
0x112: {  	[tilespmem:v8+s22+$0x0] =	vst.idx.msk vm5, v9  }
0x113: {  	v8 =	vld [tilespmem:s0+$0x0];
	_ =	sdelay $0x4  }
0x114: {  	v8 =	vshrl.u32 v8, $0x4;
	_ =	sdelay $0x4  }
0x115: {  	v9 =	vld.idx.msk [tilespmem:v8+s20+$0x0], $0xffff  }
0x116: {  	v10 =	vld [tilespmem:s0+$0x4F00]  }
0x117: {  	v8 =	vor.u32 $0x80000000, v8  }
0x118: {  	(xrf1) =	vsort.ascd.msk.u32 $0xffff, v8, v6;
	_ =	sdelay $0x2  }
0x119: {  	v8 =	vsub.f32 v10, v9;
	_ =	sdelay $0x1  }
0x11a: {  	v8 =	vmul.f32 $1.442695020e+00, v8;
	_ =	sdelay $0x1  }
0x11b: {  	(erf) = vpow2.f32 v8;
	_ =	sdelay $0x6  }
0x11c: {  	v8, v9, _ =	vpop (xrf1);
	_ =	sdelay $0x1  }
0x11d: {  	v10 =	vpop (erf)  }
0x11e: {  	v8 =	vxor.u32 $0x80000000, v8;
	v9 =	vperm.xlane v10, v9  }
0x11f: {  	v11 =	vperm.xlane v8, v7;
	v10 =	vperm.xlane v8, v1  }
0x120: {  	v13 =	vperm.xlane v8, v3;
	v12 =	vperm.xlane v9, v1  }
0x121: {  	v14 =	vperm.xlane v8, v5;
	vm5 =	veq.s32 v10, v8;
	v10 =	vperm.xlane v8, v2  }
0x122: {  	vm6 =	veq.s32 v13, v8;
	vm7 =	vne.s32 v11, v8;
	v12 =	vadd.f32 v12, v9  }
0x123: {  	vm9 =	veq.s32 v14, v8;
	vm5 =	vmand vm5, vm0;
	vm8 =	veq.s32 v10, v8  }
0x124: {  	v9 =	vsel vm5, v12, v9  }
0x125: {  	v10 =	vperm.xlane v9, v2;
	_ =	sdelay $0x1  }
0x126: {  	vm8 =	vmand vm8, vm1;
	vm5 =	vmor vm7, vm4;
	v10 =	vadd.f32 v9, v10;
	_ =	sdelay $0x1  }
0x127: {  	v9 =	vsel vm8, v10, v9  }
0x128: {  	v10 =	vperm.xlane v9, v3;
	_ =	sdelay $0x1  }
0x129: {  	vm6 =	vmand vm6, vm2;
	v10 =	vadd.f32 v9, v10  }
0x12a: {  	v11 =	vld.idx.msk [tilespmem:v8+s22+$0x0], vm5  }
0x12b: {  	v9 =	vsel vm6, v10, v9  }
0x12c: {  	v10 =	vperm.xlane v9, v5  }
.Ltmp5:
0x12d: {  	(pc) =	sbr.rel @p0 .LBB2_12-.Ltmp5, $3  }
0x12e: {  	vm6 =	vmand vm9, vm3;
	v10 =	vadd.f32 v9, v10;
	_ =	sdelay $0x1  }
0x12f: {  	v9 =	vsel vm6, v10, v9  }
0x130: {  	v9 =	vadd.f32 v9, v11  }
0x131: {  	_ =	sdelay $0x4  }
0x132: {  	s0 =	sshra.s32 s25, $0x2;
	[tilespmem:v8+s22+$0x0] =	vst.idx.msk vm5, v9  }
0x133: {  	v8 =	vld [tilespmem:s0+$0x0];
	_ =	sdelay $0x4  }
0x134: {  	v8 =	vshrl.u32 v8, $0x4;
	_ =	sdelay $0x3  }
0x135: {  	v10 =	vld [tilespmem:s0+$0x4F00]  }
0x136: {  	v9 =	vld.idx.msk [tilespmem:v8+s20+$0x0], $0xffff;
	_ =	sdelay $0x1  }
0x137: {  	v8 =	vor.u32 $0x80000000, v8  }
0x138: {  	(xrf1) =	vsort.ascd.msk.u32 $0xffff, v8, v6;
	_ =	sdelay $0x1  }
0x139: {  	v8 =	vsub.f32 v10, v9;
	_ =	sdelay $0x1  }
0x13a: {  	v8 =	vmul.f32 $1.442695020e+00, v8;
	_ =	sdelay $0x1  }
0x13b: {  	(erf) = vpow2.f32 v8;
	_ =	sdelay $0x7  }
0x13c: {  	v8, v50, _ =	vpop (xrf1)  }
0x13d: {  	v51 =	vpop (erf)  }
0x13e: {  	v9 =	vperm.xlane v51, v50  }
0x13f: {  	v8 =	vxor.u32 $0x80000000, v8  }
0x140: {  	v52 =	vperm.xlane v8, v1;
	v11 =	vperm.xlane v9, v1;
	_ =	sdelay $0x1  }
0x141: {  	vm5 =	veq.s32 v52, v8;
	v53 =	vadd.f32 v11, v9  }
0x142: {  	vm5 =	vmand vm5, vm0  }
0x143: {  	v9 =	vsel vm5, v53, v9  }
0x144: {  	v54 =	vperm.xlane v8, v2;
	v55 =	vperm.xlane v9, v2  }
0x145: {  	v12 =	vperm.xlane v8, v7  }
0x146: {  	vm5 =	veq.s32 v54, v8;
	v56 =	vadd.f32 v9, v55  }
0x147: {  	vm6 =	vne.s32 v12, v8;
	vm5 =	vmand vm5, vm1  }
0x148: {  	vm6 =	vmor vm6, vm4;
	v9 =	vsel vm5, v56, v9  }
0x149: {  	v57 =	vperm.xlane v8, v3;
	v58 =	vperm.xlane v9, v3;
	_ =	sdelay $0x1  }
0x14a: {  	vm5 =	veq.s32 v57, v8;
	v59 =	vadd.f32 v9, v58  }
0x14b: {  	vm5 =	vmand vm5, vm2  }
0x14c: {  	v9 =	vsel vm5, v59, v9  }
0x14d: {  	v60 =	vperm.xlane v8, v5;
	v61 =	vld.idx.msk [tilespmem:v8+s22+$0x0], vm6;
	v62 =	vperm.xlane v9, v5;
	_ =	sdelay $0x1  }
0x14e: {  	vm5 =	veq.s32 v60, v8;
	v63 =	vadd.f32 v9, v62  }
0x14f: {  	vm5 =	vmand vm5, vm3  }
0x150: {  	v9 =	vsel vm5, v63, v9  }
0x151: {  	v9 =	vadd.f32 v9, v61;
	_ =	sdelay $0x1  }
0x152: {  	[tilespmem:v8+s22+$0x0] =	vst.idx.msk vm6, v9  }
0x153: {  	[hbm4b:s6+s10] =	stream.strided.scatter [tilespmem:s20], [sflag:$0x3], $0x2800, s11, s10, $0x38;
	[tilespmem:$0xC880] =	vst v63  }
0x154: {  	_ =	swait.ge [sflag:s12], $0x2800  }
0x155: {  	[sflag:s12] =	ssyncset.done $0x0  }
0x156: {  	[sflag:s12] =	ssyncadd.s32 $0xFFFFD800  }
0x157: {  	[hbm4b:s7+s10] =	stream.strided.scatter [tilespmem:s22], [sflag:$0x3], $0x2800, s11, s10, $0x38;
	[tilespmem:$0xC880] =	vst v63  }
0x158: {  	s24 =	sadd.s32 $0x1, s24;
	_ =	swait.ge [sflag:s12], $0x2800  }
0x159: {  	p0 =	sne.s32 s24, s9;
	[sflag:s12] =	ssyncset.done $0x0  }
.Ltmp6:
0x15a: {  	[sflag:s12] =	ssyncadd.s32 $0xFFFFD800;
	(pc) =	sbr.rel @p0 .LBB2_1-.Ltmp6, $4  }
0x15b: {  	[hbm4b:s8+s10] =	stream.strided.scatter [tilespmem:s23], [sflag:$0x3], $0x2780, s11, s10, $0x38;
	[tilespmem:$0xC880] =	vst v63  }
0x15c: {  	_ =	swait.ge [sflag:s12], $0x2780  }
0x15d: {  	[sflag:s12] =	ssyncset.done $0x0  }
0x15e: {  	[sflag:s12] =	ssyncadd.s32 $0xFFFFD880  }
0x15f: {  	_ =	sfence.sel $0x180000  }
0x160: {  	[bflag:$0x0] =	sbarrier.arrive $0xFFFF  }
0x161: {  	_ =	strace $0x90000047  }
0x162: {  	s0 =	stileid.u32;
	[bflag:$0x2] =	sbarrier.arrive $0xFFFF  }
0x163: {  	p0 =	sne.s32 s0, $0x0;
	s0 =	rddreg [dreg:$0x2]  }
0x164: {  	s0 =	sadd.s32 @!p0 $0x100000, s0  }
0x165: {  	[sflag:s0] =	ssyncadd.tile.s32 @!p0 $0x1;
	_ =	shalt  }
.Lfunc_end2:
_tile_overlayer_lowered:
.L_overlay_start_2:
0x166: {  	(tag) =	ssettag $0x2  }
0x167: {  	s0 =	rddreg [dreg:$0x0];
	s2 =	stileid.u32  }
0x168: {  	s1 =	rddreg [dreg:$0x1];
	p0 =	sne.s32 s2, $0x0  }
0x169: {  	s3 =	rddreg [dreg:$0x2];
	[bflag:$0x3] =	sbarrier.arrive $0xFFFF;
	s2 =	simm.s32 @!p0 $0x1C03  }
0x16a: {  	[timem:s3], [sflag:s2] =	dma.local @!p0 [hbm:s0], s1  }
0x16b: {  	s0 =	simm.s32 @!p0 $0x3  }
0x16c: {  	_ =	swait.ge @!p0 [sflag:s0], s1  }
0x16d: {  	s1 =	ssub.s32 @!p0 $0x0, s1;
	[sflag:s0] =	ssyncset.done @!p0 $0x0  }
0x16e: {  	[sflag:s0] =	ssyncadd.s32 @!p0 s1  }
0x16f: {  	[bflag:$0x3] =	sbarrier.arrive $0xFFFF  }
0x170: {  	_ =	shalt  }

</sc_bundles>
